<compile_context>
chip_gen: v7x
topology: tpu7x:2x2x1
jax: 0.10.2.dev20260603
libtpu: 0.0.44.dev20260713+nightly
codegen_flags: <defaults>
</compile_context>

<pallas_src>
import jax
import jax.numpy as jnp
import numpy as np
from jax import lax
from jax.experimental import pallas as pl
from jax.experimental.pallas import tpu as pltpu
from jax.experimental.pallas import tpu_sc as plsc

N_USERS = 10000
N_ITEMS = 10000
N_EDGES = 160000
D = 256
DH = 128

NC, NS = 2, 16


_K1_CH = 80
_K1_EPT = N_EDGES // NS
_K1_CPT = _K1_EPT // _K1_CH
_K1_RPT = 632
_K1_ACC = NS * _K1_RPT


def _k1_body(ulo, uhi, ilo, ihi, eu1, ei1, zinit, ones_hbm,
             out_item, out_user, out_cnt,
             acc, idxs1, idxd1, rows0, rows1, gsem0, gsem1, ssem0, ssem1):
    cid = lax.axis_index("c")
    sid = lax.axis_index("s")
    zbase = sid * _K1_RPT

    def dsl(k):
        return idxd1.at[pl.ds(k * _K1_CH, _K1_CH)]

    def drain_add(rows_b, ssem_b):
        pltpu.make_async_copy(rows_b, acc.at[dsl(0)], ssem_b).wait()

    def run_pass(tabs, dst0, dst1, out):
        pltpu.sync_copy(zinit.at[pl.ds(zbase, _K1_RPT)],
                        acc.at[pl.ds(zbase, _K1_RPT)])
        if tabs is None:
            pltpu.sync_copy(ones_hbm, rows0)
        else:
            pltpu.sync_copy(tabs[2].at[pl.ds(sid * _K1_EPT, _K1_EPT)], idxs1)

        @pl.when(cid == 0)
        def _():
            pltpu.sync_copy(dst0.at[pl.ds(sid * _K1_EPT, _K1_EPT)], idxd1)

        @pl.when(cid == 1)
        def _():
            pltpu.sync_copy(dst1.at[pl.ds(sid * _K1_EPT, _K1_EPT)], idxd1)

        plsc.subcore_barrier()

        if tabs is None:
            def chunk(k, c):
                @pl.when(k >= 2)
                def _():
                    drain_add(rows0, ssem0)

                pltpu.async_copy(rows0, acc.at[dsl(k)], ssem0, add=True)
                return c

            lax.fori_loop(0, _K1_CPT, chunk, 0)
            drain_add(rows0, ssem0)
            drain_add(rows0, ssem0)
        else:
            tab_lo, tab_hi = tabs[0], tabs[1]

            def issue_gather(k, rows_b, gsem_b):
                isl = idxs1.at[pl.ds(k * _K1_CH, _K1_CH)]

                @pl.when(cid == 0)
                def _():
                    pltpu.async_copy(tab_lo.at[isl], rows_b, gsem_b)

                @pl.when(cid == 1)
                def _():
                    pltpu.async_copy(tab_hi.at[isl], rows_b, gsem_b)

            def wait_gather(rows_b, gsem_b):
                pltpu.make_async_copy(
                    tab_lo.at[idxs1.at[pl.ds(0, _K1_CH)]], rows_b,
                    gsem_b).wait()

            issue_gather(0, rows0, gsem0)

            def fchunk(k, rows_b, gsem_b, ssem_b, rows_n, gsem_n, ssem_n):
                @pl.when(k + 1 < _K1_CPT)
                def _():
                    @pl.when(k >= 1)
                    def _():
                        drain_add(rows_n, ssem_n)

                    issue_gather(k + 1, rows_n, gsem_n)

                wait_gather(rows_b, gsem_b)
                pltpu.async_copy(rows_b, acc.at[dsl(k)], ssem_b, add=True)

            def pair(k2, c):
                fchunk(2 * k2, rows0, gsem0, ssem0, rows1, gsem1, ssem1)
                fchunk(2 * k2 + 1, rows1, gsem1, ssem1, rows0, gsem0, ssem0)
                return c

            lax.fori_loop(0, _K1_CPT // 2, pair, 0)
            fchunk(_K1_CPT - 1, rows0, gsem0, ssem0, rows1, gsem1, ssem1)
            drain_add(rows0, ssem0)
            drain_add(rows1, ssem1)

        plsc.subcore_barrier()
        pltpu.sync_copy(acc.at[pl.ds(zbase, _K1_RPT)],
                        out.at[cid, pl.ds(zbase, _K1_RPT)])
        plsc.subcore_barrier()

    run_pass((ulo, uhi, eu1), ei1, ei1, out_item)
    run_pass((ilo, ihi, ei1), eu1, eu1, out_user)
    run_pass(None, ei1, eu1, out_cnt)


def _k1_call(ulo, uhi, ilo, ihi, eu1, ei1, zinit, ones_hbm):
    mesh = plsc.VectorSubcoreMesh(core_axis_name="c", subcore_axis_name="s",
                                  num_cores=NC, num_subcores=NS)
    f = pl.kernel(
        _k1_body,
        out_type=(
            jax.ShapeDtypeStruct((NC, _K1_ACC, DH), jnp.float32),
            jax.ShapeDtypeStruct((NC, _K1_ACC, DH), jnp.float32),
            jax.ShapeDtypeStruct((NC, _K1_ACC, DH), jnp.float32),
        ),
        mesh=mesh,
        scratch_types=[
            pltpu.VMEM_SHARED((_K1_ACC, DH), jnp.float32),
            pltpu.VMEM((_K1_EPT,), jnp.int32),
            pltpu.VMEM((_K1_EPT,), jnp.int32),
            pltpu.VMEM((_K1_CH, DH), jnp.float32),
            pltpu.VMEM((_K1_CH, DH), jnp.float32),
            pltpu.SemaphoreType.DMA,
            pltpu.SemaphoreType.DMA,
            pltpu.SemaphoreType.DMA,
            pltpu.SemaphoreType.DMA,
        ],
    )
    return f(ulo, uhi, ilo, ihi, eu1, ei1, zinit, ones_hbm)



_K2_R = 2000

_PERM = np.concatenate([np.arange(0, D, 2), np.arange(1, D, 2)])


def _pack_rtne(x):
    b = lax.bitcast_convert_type(x, jnp.int32)
    r = lax.shift_right_logical(
        b + 0x7FFF + (lax.shift_right_logical(b, 16) & 1), 16) & 0xFFFF
    return r[:, :DH] | lax.shift_left(r[:, DH:], 16)


def _k2_body(silo, sihi, sulo, suhi, cnti, cntu, wu, bu, wi, bi,
             pu_ref, pi_ref):
    cnt_i = jnp.clip(cnti[0][:, 0:1], 1.0, None)
    h_i = jnp.concatenate([silo[0], sihi[0]], axis=1) / cnt_i
    p_i = jnp.dot(h_i, wi[...], preferred_element_type=jnp.float32) + bi[...]
    pi_ref[...] = _pack_rtne(p_i)

    cnt_u = jnp.clip(cntu[0][:, 0:1], 1.0, None)
    h_u = jnp.concatenate([sulo[0], suhi[0]], axis=1) / cnt_u
    p_u = jnp.dot(h_u, wu[...], preferred_element_type=jnp.float32) + bu[...]
    pu_ref[...] = _pack_rtne(p_u)


def _k2_call(sum_item, sum_user, cnt, fc_user_W, fc_user_b, fc_item_W,
             fc_item_b):
    R = _K2_R
    grid = (N_ITEMS // R,)
    return pl.pallas_call(
        _k2_body,
        grid=grid,
        in_specs=[
            pl.BlockSpec((1, R, DH), lambda i: (0, i, 0)),
            pl.BlockSpec((1, R, DH), lambda i: (1, i, 0)),
            pl.BlockSpec((1, R, DH), lambda i: (0, i, 0)),
            pl.BlockSpec((1, R, DH), lambda i: (1, i, 0)),
            pl.BlockSpec((1, R, DH), lambda i: (0, i, 0)),
            pl.BlockSpec((1, R, DH), lambda i: (1, i, 0)),
            pl.BlockSpec((D, D), lambda i: (0, 0)),
            pl.BlockSpec((1, D), lambda i: (0, 0)),
            pl.BlockSpec((D, D), lambda i: (0, 0)),
            pl.BlockSpec((1, D), lambda i: (0, 0)),
        ],
        out_specs=[
            pl.BlockSpec((R, DH), lambda i: (i, 0)),
            pl.BlockSpec((R, DH), lambda i: (i, 0)),
        ],
        out_shape=[
            jax.ShapeDtypeStruct((N_USERS, DH), jnp.int32),
            jax.ShapeDtypeStruct((N_ITEMS, DH), jnp.int32),
        ],
    )(sum_item, sum_item, sum_user, sum_user, cnt, cnt, fc_user_W[:, _PERM],
      fc_user_b[_PERM].reshape(1, D), fc_item_W[:, _PERM],
      fc_item_b[_PERM].reshape(1, D))



_K3_EPT = N_EDGES // (NC * NS)
_K3_CH = 40
_K3_CPT = _K3_EPT // _K3_CH


def _k3_body(uf, pu, itf, pi, eu, ei, bias_flat,
             p_all, m_all, q_all, n_all, bias_all,
             idxu1, idxi1,
             rp0, rm0, rq0, rn0, rb0, rp1, rm1, rq1, rn1, rb1,
             gsem0, gsem1, wsem0, wsem1):
    cid = lax.axis_index("c")
    sid = lax.axis_index("s")
    wid = sid * NC + cid
    tbase = wid * _K3_EPT

    pltpu.sync_copy(eu.at[pl.ds(tbase, _K3_EPT)], idxu1)
    pltpu.sync_copy(ei.at[pl.ds(tbase, _K3_EPT)], idxi1)

    def drain_writes(bufs, wsem_b):
        rp, rm, rq, rn, rb = bufs
        base0 = pl.ds(tbase, _K3_CH)
        pltpu.make_async_copy(rp, p_all.at[base0], wsem_b).wait()
        pltpu.make_async_copy(rm, m_all.at[base0], wsem_b).wait()
        pltpu.make_async_copy(rq, q_all.at[base0], wsem_b).wait()
        pltpu.make_async_copy(rn, n_all.at[base0], wsem_b).wait()
        pltpu.make_async_copy(rb, bias_all.at[base0], wsem_b).wait()

    def issue_gathers(k, bufs, gsem_b):
        rp, rm, rq, rn, rb = bufs
        iu = idxu1.at[pl.ds(k * _K3_CH, _K3_CH)]
        ii = idxi1.at[pl.ds(k * _K3_CH, _K3_CH)]
        pltpu.async_copy(uf.at[iu], rp, gsem_b)
        pltpu.async_copy(pu.at[iu], rm, gsem_b)
        pltpu.async_copy(itf.at[ii], rq, gsem_b)
        pltpu.async_copy(pi.at[ii], rn, gsem_b)
        pltpu.async_copy(bias_flat.at[ii], rb, gsem_b)

    def wait_gathers(bufs, gsem_b):
        rp, rm, rq, rn, rb = bufs
        iu0 = idxu1.at[pl.ds(0, _K3_CH)]
        pltpu.make_async_copy(uf.at[iu0], rp, gsem_b).wait()
        pltpu.make_async_copy(pu.at[iu0], rm, gsem_b).wait()
        pltpu.make_async_copy(itf.at[iu0], rq, gsem_b).wait()
        pltpu.make_async_copy(pi.at[iu0], rn, gsem_b).wait()
        pltpu.make_async_copy(bias_flat.at[iu0], rb, gsem_b).wait()

    bufs0 = (rp0, rm0, rq0, rn0, rb0)
    bufs1 = (rp1, rm1, rq1, rn1, rb1)

    issue_gathers(0, bufs0, gsem0)

    def fchunk(k, bufs_b, gsem_b, wsem_b, bufs_n, gsem_n, wsem_n):
        @pl.when(k + 1 < _K3_CPT)
        def _():
            @pl.when(k >= 1)
            def _():
                drain_writes(bufs_n, wsem_n)

            issue_gathers(k + 1, bufs_n, gsem_n)

        wait_gathers(bufs_b, gsem_b)
        rp, rm, rq, rn, rb = bufs_b
        sl = pl.ds(tbase + k * _K3_CH, _K3_CH)
        pltpu.async_copy(rp, p_all.at[sl], wsem_b)
        pltpu.async_copy(rm, m_all.at[sl], wsem_b)
        pltpu.async_copy(rq, q_all.at[sl], wsem_b)
        pltpu.async_copy(rn, n_all.at[sl], wsem_b)
        pltpu.async_copy(rb, bias_all.at[sl], wsem_b)

    def pair(k2, c):
        fchunk(2 * k2, bufs0, gsem0, wsem0, bufs1, gsem1, wsem1)
        fchunk(2 * k2 + 1, bufs1, gsem1, wsem1, bufs0, gsem0, wsem0)
        return c

    lax.fori_loop(0, _K3_CPT // 2, pair, 0)
    fchunk(_K3_CPT - 1, bufs0, gsem0, wsem0, bufs1, gsem1, wsem1)
    drain_writes(bufs0, wsem0)
    drain_writes(bufs1, wsem1)


def _k3_call(user_feat, prop_user, item_feat, prop_item, eu, ei, bias_flat):
    mesh = plsc.VectorSubcoreMesh(core_axis_name="c", subcore_axis_name="s",
                                  num_cores=NC, num_subcores=NS)
    rowbuf = pltpu.VMEM((_K3_CH, DH), jnp.int32)
    epk = jax.ShapeDtypeStruct((N_EDGES, DH), jnp.int32)
    f = pl.kernel(
        _k3_body,
        out_type=(
            epk, epk, epk, epk,
            jax.ShapeDtypeStruct((N_EDGES,), jnp.float32),
        ),
        mesh=mesh,
        scratch_types=[
            pltpu.VMEM((_K3_EPT,), jnp.int32),
            pltpu.VMEM((_K3_EPT,), jnp.int32),
            rowbuf, rowbuf, rowbuf, rowbuf,
            pltpu.VMEM((_K3_CH,), jnp.float32),
            rowbuf, rowbuf, rowbuf, rowbuf,
            pltpu.VMEM((_K3_CH,), jnp.float32),
            pltpu.SemaphoreType.DMA,
            pltpu.SemaphoreType.DMA,
            pltpu.SemaphoreType.DMA,
            pltpu.SemaphoreType.DMA,
        ],
    )
    return f(user_feat, prop_user, item_feat, prop_item, eu, ei, bias_flat)



_K4_E = 2000


def _unpack_bf16(r):
    bf = jnp.bfloat16
    w = r[...]
    lo = lax.bitcast_convert_type(lax.shift_left(w, 16), jnp.float32)
    hi = lax.bitcast_convert_type(w, jnp.float32)
    return lo.astype(bf), hi.astype(bf)


def _k4_body(p_ref, m_ref, q_ref, n_ref, bias_ref, w1, b1, w2, b2, w3, b3,
             out_ref):
    pe, po = _unpack_bf16(p_ref)
    me, mo = _unpack_bf16(m_ref)
    qe, qo = _unpack_bf16(q_ref)
    ne, no = _unpack_bf16(n_ref)
    x = jnp.concatenate([pe * qe, po * qo, pe * me, po * mo,
                         ne * qe, no * qo, ne * me, no * mo], axis=1)
    y = jnp.dot(x, w1[...], preferred_element_type=jnp.float32) + b1[...]
    y = jnp.maximum(y, 0.0).astype(jnp.bfloat16)
    z = jnp.dot(y, w2[...], preferred_element_type=jnp.float32) + b2[...]
    z = jnp.maximum(z, 0.0)
    o = jnp.dot(z, w3[...], preferred_element_type=jnp.float32) + b3[...]
    out_ref[...] = o + bias_ref[...]


def _k4_call(p_all, m_all, q_all, n_all, bias_all, W1, b1, W2, b2, W3, b3):
    E = _K4_E
    grid = (N_EDGES // E,)
    return pl.pallas_call(
        _k4_body,
        grid=grid,
        in_specs=[
            pl.BlockSpec((E, DH), lambda i: (i, 0)),
            pl.BlockSpec((E, DH), lambda i: (i, 0)),
            pl.BlockSpec((E, DH), lambda i: (i, 0)),
            pl.BlockSpec((E, DH), lambda i: (i, 0)),
            pl.BlockSpec((E, 1), lambda i: (i, 0)),
            pl.BlockSpec((4 * D, D), lambda i: (0, 0)),
            pl.BlockSpec((1, D), lambda i: (0, 0)),
            pl.BlockSpec((D, 64), lambda i: (0, 0)),
            pl.BlockSpec((1, 64), lambda i: (0, 0)),
            pl.BlockSpec((64, 1), lambda i: (0, 0)),
            pl.BlockSpec((1, 1), lambda i: (0, 0)),
        ],
        out_specs=pl.BlockSpec((E, 1), lambda i: (i, 0)),
        out_shape=jax.ShapeDtypeStruct((N_EDGES, 1), jnp.float32),
    )(p_all, m_all, q_all, n_all, bias_all.reshape(N_EDGES, 1),
      _permute_w1(W1).astype(jnp.bfloat16), b1.reshape(1, D),
      W2.astype(jnp.bfloat16), b2.reshape(1, 64), W3, b3.reshape(1, 1))


def _permute_w1(W1):
    perm = np.concatenate([g * D + _PERM for g in range(4)])
    return W1[perm]



def kernel(user_feat, item_feat, user_bias, item_bias, fc_user_W, fc_user_b,
           fc_item_W, fc_item_b, W1, b1, W2, b2, W3, b3, edge_users,
           edge_items):
    f32 = jnp.float32
    ulo = user_feat[:, :DH]
    uhi = user_feat[:, DH:]
    ilo = item_feat[:, :DH]
    ihi = item_feat[:, DH:]
    zinit = jnp.zeros((_K1_ACC, DH), f32)
    ones80 = jnp.ones((_K1_CH, DH), f32)
    bias_flat = item_bias.reshape(-1)

    bf16 = jnp.bfloat16

    def pack_bf16(a):
        b = a.astype(bf16).reshape(a.shape[0], DH, 2)
        return jax.lax.bitcast_convert_type(b, jnp.int32)

    ubf = pack_bf16(user_feat)
    ibf = pack_bf16(item_feat)

    sum_item, sum_user, cnt = _k1_call(ulo, uhi, ilo, ihi, edge_users,
                                       edge_items, zinit, ones80)
    prop_user, prop_item = _k2_call(sum_item, sum_user, cnt, fc_user_W,
                                    fc_user_b, fc_item_W, fc_item_b)
    p_pk, m_pk, q_pk, n_pk, bias_all = _k3_call(
        ubf, prop_user, ibf, prop_item, edge_users, edge_items, bias_flat)
    return _k4_call(p_pk, m_pk, q_pk, n_pk, bias_all, W1, b1, W2, b2,
                    W3, b3)

# --- scband reference (transcript-rebuilt; emitter-appended) ---
"""Pipeline reference for scband-idcf-32341103739250 (READ-ONLY COPY).

The authoritative reference and input builder live on the scoring server;
editing this copy changes nothing except your own understanding.
"""

import jax, jax.numpy as jnp
import numpy as np

N_USERS = 10000
N_ITEMS = 10000
N_EDGES = 160000
D = 256


def _segment_mean(vals, seg_ids, num_segments):
    s = jax.ops.segment_sum(vals, seg_ids, num_segments=num_segments)
    c = jax.ops.segment_sum(jnp.ones((vals.shape[0],), dtype=vals.dtype), seg_ids, num_segments=num_segments)
    return s / jnp.clip(c, 1.0, None)[:, None]


def setup_inputs(seed: int = 0) -> dict:
    key = jax.random.key(seed)
    ks = jax.random.split(key, 16)
    inp = {}
    inp['user_feat'] = jax.random.normal(ks[0], (N_USERS, D), dtype=jnp.float32) * 0.1
    inp['item_feat'] = jax.random.normal(ks[1], (N_ITEMS, D), dtype=jnp.float32) * 0.1
    inp['user_bias'] = jax.random.normal(ks[2], (N_USERS, 1), dtype=jnp.float32) * 0.1
    inp['item_bias'] = jax.random.normal(ks[3], (N_ITEMS, 1), dtype=jnp.float32) * 0.1
    inp['fc_user_W'] = jax.random.normal(ks[4], (D, D), dtype=jnp.float32) * (1.0 / np.sqrt(D))
    inp['fc_user_b'] = jnp.zeros((D,), dtype=jnp.float32)
    inp['fc_item_W'] = jax.random.normal(ks[5], (D, D), dtype=jnp.float32) * (1.0 / np.sqrt(D))
    inp['fc_item_b'] = jnp.zeros((D,), dtype=jnp.float32)
    inp['W1'] = jax.random.normal(ks[6], (4 * D, 256), dtype=jnp.float32) * (1.0 / np.sqrt(4 * D))
    inp['b1'] = jnp.zeros((256,), dtype=jnp.float32)
    inp['W2'] = jax.random.normal(ks[7], (256, 64), dtype=jnp.float32) * (1.0 / np.sqrt(256))
    inp['b2'] = jnp.zeros((64,), dtype=jnp.float32)
    inp['W3'] = jax.random.normal(ks[8], (64, 1), dtype=jnp.float32) * (1.0 / np.sqrt(64))
    inp['b3'] = jnp.zeros((1,), dtype=jnp.float32)
    inp['edge_users'] = jax.random.randint(ks[9], (N_EDGES,), 0, N_USERS, dtype=jnp.int32)
    inp['edge_items'] = jax.random.randint(ks[10], (N_EDGES,), 0, N_ITEMS, dtype=jnp.int32)
    return inp


def reference(user_feat, item_feat, user_bias, item_bias, fc_user_W, fc_user_b,
              fc_item_W, fc_item_b, W1, b1, W2, b2, W3, b3, edge_users, edge_items):
    # --- mf_embedder: HeteroGraphConv of GCMCLayer (copy_u + mean) per relation ---
    # relation 'ui' (user -> item): item nodes get mean of incident user features
    h_item = _segment_mean(user_feat[edge_users], edge_items, N_ITEMS)
    # relation 'iu' (item -> user, reverse edges): user nodes get mean of item features
    h_user = _segment_mean(item_feat[edge_items], edge_users, N_USERS)
    # dropout in GCMCLayer is identity at eval time
    # fcs[ntype]: Linear(embedding_dim, embedding_dim) applied to stacked (1 rel per dst) output
    prop_user = h_user @ fc_user_W + fc_user_b
    prop_item = h_item @ fc_item_W + fc_item_b
    # --- mf_predict / mf_score over the 'ui' edges of the (positive) graph ---
    p_u = user_feat[edge_users]
    q_i = item_feat[edge_items]
    m_u = prop_user[edge_users]
    n_i = prop_item[edge_items]
    x = jnp.concatenate([p_u * q_i, p_u * m_u, n_i * q_i, n_i * m_u], axis=-1)
    x = jax.nn.relu(x @ W1 + b1)
    x = jax.nn.relu(x @ W2 + b2)
    x = x @ W3 + b3  # last layer: no relu
    # use_user_bias is False; add item bias gathered per edge
    x = x + item_bias[edge_items]
    return x

if __name__ == "__main__":
    import jax
    _d = setup_inputs()
    print(jax.jit(kernel)(*tuple(_d.values())))

</pallas_src>

<mosaic_0001>
#map = affine_map<(d0, d1) -> (0, 0)>
#map1 = affine_map<(d0, d1) -> (0)>
#map2 = affine_map<(d0, d1) -> (0, 0, 0)>
module attributes {stable_mosaic.version = 14 : i64} {
  func.func @_k1_body(%arg0: i32, %arg1: i32, %arg2: memref<10000x128xf32, #tpu.memory_space<hbm>>, %arg3: memref<10000x128xf32, #tpu.memory_space<hbm>>, %arg4: memref<10000x128xf32, #tpu.memory_space<hbm>>, %arg5: memref<10000x128xf32, #tpu.memory_space<hbm>>, %arg6: memref<160000xi32, #tpu.memory_space<hbm>>, %arg7: memref<160000xi32, #tpu.memory_space<hbm>>, %arg8: memref<10112x128xf32, #tpu.memory_space<hbm>>, %arg9: memref<80x128xf32, #tpu.memory_space<hbm>>, %arg10: memref<2x10112x128xf32, #tpu.memory_space<hbm>>, %arg11: memref<2x10112x128xf32, #tpu.memory_space<hbm>>, %arg12: memref<2x10112x128xf32, #tpu.memory_space<hbm>>, %arg13: memref<10112x128xf32, #tpu.memory_space<vmem_shared>>, %arg14: memref<10000xi32, #tpu.memory_space<vmem>>, %arg15: memref<10000xi32, #tpu.memory_space<vmem>>, %arg16: memref<80x128xf32, #tpu.memory_space<vmem>>, %arg17: memref<80x128xf32, #tpu.memory_space<vmem>>, %arg18: memref<!tpu.dma_semaphore, #tpu.memory_space<semaphore_mem>>, %arg19: memref<!tpu.dma_semaphore, #tpu.memory_space<semaphore_mem>>, %arg20: memref<!tpu.dma_semaphore, #tpu.memory_space<semaphore_mem>>, %arg21: memref<!tpu.dma_semaphore, #tpu.memory_space<semaphore_mem>>) attributes {dimension_semantics = [#tpu.dimension_semantics<core_parallel>, #tpu.dimension_semantics<subcore_parallel>], iteration_bounds = array<i64: 2, 16>, scalar_prefetch = 0 : i64, scratch_operands = 9 : i64, tpu.core_type = #tpu.core_type<sc_vector_subcore>, window_params = [{transform_indices = #map}, {transform_indices = #map}, {transform_indices = #map}, {transform_indices = #map}, {transform_indices = #map1}, {transform_indices = #map1}, {transform_indices = #map}, {transform_indices = #map}, {transform_indices = #map2}, {transform_indices = #map2}, {transform_indices = #map2}]} {
    %mul3A = arith.constant 632 : i32
    %mul3A_0 = arith.muli %arg1, %mul3A : i32
    "tpu.region"() ({
      %run_scoped3A = tpu.sem_alloc : memref<!tpu.dma_semaphore, #tpu.memory_space<semaphore_mem>>
      %dma_start3A_125 = arith.constant 0 : i32
      %dma_start3A_126 = tpu.memref_slice %arg13[%mul3A_0, %dma_start3A_125] : memref<10112x128xf32, #tpu.memory_space<vmem_shared>> -> memref<632x128xf32, #tpu.memory_space<vmem_shared>>
      %dma_start3A_127 = arith.constant 0 : i32
      %dma_start3A_128 = tpu.memref_slice %arg8[%mul3A_0, %dma_start3A_127] : memref<10112x128xf32, #tpu.memory_space<hbm>> -> memref<632x128xf32, #tpu.memory_space<hbm>>
      tpu.enqueue_dma source(%dma_start3A_128 : memref<632x128xf32, #tpu.memory_space<hbm>>) target(%dma_start3A_126 : memref<632x128xf32, #tpu.memory_space<vmem_shared>>) target_semaphore(%run_scoped3A : memref<!tpu.dma_semaphore, #tpu.memory_space<semaphore_mem>>)
      %dma_wait3A_129 = arith.constant 0 : i32
      %dma_wait3A_130 = tpu.memref_slice %arg13[%mul3A_0, %dma_wait3A_129] : memref<10112x128xf32, #tpu.memory_space<vmem_shared>> -> memref<632x128xf32, #tpu.memory_space<vmem_shared>>
      %dma_wait3A_131 = arith.constant 0 : i32
      %dma_wait3A_132 = tpu.memref_slice %arg8[%mul3A_0, %dma_wait3A_131] : memref<10112x128xf32, #tpu.memory_space<hbm>> -> memref<632x128xf32, #tpu.memory_space<hbm>>
      tpu.wait_dma2 semaphore(%run_scoped3A : memref<!tpu.dma_semaphore, #tpu.memory_space<semaphore_mem>>) src(%dma_wait3A_132 : memref<632x128xf32, #tpu.memory_space<hbm>>) dst(%dma_wait3A_130 : memref<632x128xf32, #tpu.memory_space<vmem_shared>>)
      tpu.yield
    }) : () -> ()
    %mul3A_1 = arith.constant 10000 : i32
    %mul3A_2 = arith.muli %arg1, %mul3A_1 : i32
    "tpu.region"() ({
      %run_scoped3A = tpu.sem_alloc : memref<!tpu.dma_semaphore, #tpu.memory_space<semaphore_mem>>
      %dma_start3A_125 = tpu.memref_slice %arg6[%mul3A_2] : memref<160000xi32, #tpu.memory_space<hbm>> -> memref<10000xi32, #tpu.memory_space<hbm>>
      %dma_start3A_126 = tpu.memref_slice %arg6[%mul3A_2] : memref<160000xi32, #tpu.memory_space<hbm>> -> memref<10000xi32, #tpu.memory_space<hbm>>
      tpu.enqueue_dma source(%dma_start3A_126 : memref<10000xi32, #tpu.memory_space<hbm>>) target(%arg14 : memref<10000xi32, #tpu.memory_space<vmem>>) target_semaphore(%run_scoped3A : memref<!tpu.dma_semaphore, #tpu.memory_space<semaphore_mem>>)
      %dma_wait3A_127 = tpu.memref_slice %arg6[%mul3A_2] : memref<160000xi32, #tpu.memory_space<hbm>> -> memref<10000xi32, #tpu.memory_space<hbm>>
      %dma_wait3A_128 = tpu.memref_slice %arg6[%mul3A_2] : memref<160000xi32, #tpu.memory_space<hbm>> -> memref<10000xi32, #tpu.memory_space<hbm>>
      tpu.wait_dma2 semaphore(%run_scoped3A : memref<!tpu.dma_semaphore, #tpu.memory_space<semaphore_mem>>) src(%dma_wait3A_128 : memref<10000xi32, #tpu.memory_space<hbm>>) dst(%arg14 : memref<10000xi32, #tpu.memory_space<vmem>>)
      tpu.yield
    }) : () -> ()
    %eq3A = arith.constant 0 : i32
    %eq3A_3 = arith.cmpi eq, %arg0, %eq3A : i32
    %convert_element_type3A = arith.extui %eq3A_3 : i1 to i32
    %cond3A = arith.constant 0 : i32
    %cond3A_4 = arith.cmpi ne, %convert_element_type3A, %cond3A : i32
    scf.if %cond3A_4 {
      %mul3A_125 = arith.constant 10000 : i32
      %mul3A_126 = arith.muli %arg1, %mul3A_125 : i32
      "tpu.region"() ({
        %run_scoped3A = tpu.sem_alloc : memref<!tpu.dma_semaphore, #tpu.memory_space<semaphore_mem>>
        %dma_start3A_127 = tpu.memref_slice %arg7[%mul3A_126] : memref<160000xi32, #tpu.memory_space<hbm>> -> memref<10000xi32, #tpu.memory_space<hbm>>
        %dma_start3A_128 = tpu.memref_slice %arg7[%mul3A_126] : memref<160000xi32, #tpu.memory_space<hbm>> -> memref<10000xi32, #tpu.memory_space<hbm>>
        tpu.enqueue_dma source(%dma_start3A_128 : memref<10000xi32, #tpu.memory_space<hbm>>) target(%arg15 : memref<10000xi32, #tpu.memory_space<vmem>>) target_semaphore(%run_scoped3A : memref<!tpu.dma_semaphore, #tpu.memory_space<semaphore_mem>>)
        %dma_wait3A_129 = tpu.memref_slice %arg7[%mul3A_126] : memref<160000xi32, #tpu.memory_space<hbm>> -> memref<10000xi32, #tpu.memory_space<hbm>>
        %dma_wait3A_130 = tpu.memref_slice %arg7[%mul3A_126] : memref<160000xi32, #tpu.memory_space<hbm>> -> memref<10000xi32, #tpu.memory_space<hbm>>
        tpu.wait_dma2 semaphore(%run_scoped3A : memref<!tpu.dma_semaphore, #tpu.memory_space<semaphore_mem>>) src(%dma_wait3A_130 : memref<10000xi32, #tpu.memory_space<hbm>>) dst(%arg15 : memref<10000xi32, #tpu.memory_space<vmem>>)
        tpu.yield
      }) : () -> ()
    } else {
    }
    %eq3A_5 = arith.constant 1 : i32
    %eq3A_6 = arith.cmpi eq, %arg0, %eq3A_5 : i32
    %convert_element_type3A_7 = arith.extui %eq3A_6 : i1 to i32
    %cond3A_8 = arith.constant 0 : i32
    %cond3A_9 = arith.cmpi ne, %convert_element_type3A_7, %cond3A_8 : i32
    scf.if %cond3A_9 {
      %mul3A_125 = arith.constant 10000 : i32
      %mul3A_126 = arith.muli %arg1, %mul3A_125 : i32
      "tpu.region"() ({
        %run_scoped3A = tpu.sem_alloc : memref<!tpu.dma_semaphore, #tpu.memory_space<semaphore_mem>>
        %dma_start3A_127 = tpu.memref_slice %arg7[%mul3A_126] : memref<160000xi32, #tpu.memory_space<hbm>> -> memref<10000xi32, #tpu.memory_space<hbm>>
        %dma_start3A_128 = tpu.memref_slice %arg7[%mul3A_126] : memref<160000xi32, #tpu.memory_space<hbm>> -> memref<10000xi32, #tpu.memory_space<hbm>>
        tpu.enqueue_dma source(%dma_start3A_128 : memref<10000xi32, #tpu.memory_space<hbm>>) target(%arg15 : memref<10000xi32, #tpu.memory_space<vmem>>) target_semaphore(%run_scoped3A : memref<!tpu.dma_semaphore, #tpu.memory_space<semaphore_mem>>)
        %dma_wait3A_129 = tpu.memref_slice %arg7[%mul3A_126] : memref<160000xi32, #tpu.memory_space<hbm>> -> memref<10000xi32, #tpu.memory_space<hbm>>
        %dma_wait3A_130 = tpu.memref_slice %arg7[%mul3A_126] : memref<160000xi32, #tpu.memory_space<hbm>> -> memref<10000xi32, #tpu.memory_space<hbm>>
        tpu.wait_dma2 semaphore(%run_scoped3A : memref<!tpu.dma_semaphore, #tpu.memory_space<semaphore_mem>>) src(%dma_wait3A_130 : memref<10000xi32, #tpu.memory_space<hbm>>) dst(%arg15 : memref<10000xi32, #tpu.memory_space<vmem>>)
        tpu.yield
      }) : () -> ()
    } else {
    }
    %barrier3A = arith.constant 0 : index
    tpu.barrier barrier_id(%barrier3A)
    %eq3A_10 = arith.constant 0 : i32
    %eq3A_11 = arith.cmpi eq, %arg0, %eq3A_10 : i32
    %convert_element_type3A_12 = arith.extui %eq3A_11 : i1 to i32
    %cond3A_13 = arith.constant 0 : i32
    %cond3A_14 = arith.cmpi ne, %convert_element_type3A_12, %cond3A_13 : i32
    scf.if %cond3A_14 {
      %dma_start3A_125 = arith.constant 0 : i32
      %dma_start3A_126 = tpu.memref_slice %arg14[%dma_start3A_125] : memref<10000xi32, #tpu.memory_space<vmem>> -> memref<80xi32, #tpu.memory_space<vmem>>
      %dma_start3A_127 = arith.constant 0 : i32
      %dma_start3A_128 = arith.constant 0 : i32
      %dma_start3A_129 = tpu.memref_slice %arg2[%dma_start3A_127, %dma_start3A_128] : memref<10000x128xf32, #tpu.memory_space<hbm>> -> memref<10000x128xf32, #tpu.memory_space<hbm>>
      tpu.enqueue_indirect_dma source(%dma_start3A_129 : memref<10000x128xf32, #tpu.memory_space<hbm>>) target(%arg16 : memref<80x128xf32, #tpu.memory_space<vmem>>) offsets(%dma_start3A_126 : memref<80xi32, #tpu.memory_space<vmem>>) semaphore(%arg18 : memref<!tpu.dma_semaphore, #tpu.memory_space<semaphore_mem>>)
    } else {
    }
    %eq3A_15 = arith.constant 1 : i32
    %eq3A_16 = arith.cmpi eq, %arg0, %eq3A_15 : i32
    %convert_element_type3A_17 = arith.extui %eq3A_16 : i1 to i32
    %cond3A_18 = arith.constant 0 : i32
    %cond3A_19 = arith.cmpi ne, %convert_element_type3A_17, %cond3A_18 : i32
    scf.if %cond3A_19 {
      %dma_start3A_125 = arith.constant 0 : i32
      %dma_start3A_126 = tpu.memref_slice %arg14[%dma_start3A_125] : memref<10000xi32, #tpu.memory_space<vmem>> -> memref<80xi32, #tpu.memory_space<vmem>>
      %dma_start3A_127 = arith.constant 0 : i32
      %dma_start3A_128 = arith.constant 0 : i32
      %dma_start3A_129 = tpu.memref_slice %arg3[%dma_start3A_127, %dma_start3A_128] : memref<10000x128xf32, #tpu.memory_space<hbm>> -> memref<10000x128xf32, #tpu.memory_space<hbm>>
      tpu.enqueue_indirect_dma source(%dma_start3A_129 : memref<10000x128xf32, #tpu.memory_space<hbm>>) target(%arg16 : memref<80x128xf32, #tpu.memory_space<vmem>>) offsets(%dma_start3A_126 : memref<80xi32, #tpu.memory_space<vmem>>) semaphore(%arg18 : memref<!tpu.dma_semaphore, #tpu.memory_space<semaphore_mem>>)
    } else {
    }
    %scan3A = arith.constant 0 : i32
    %scan3A_20 = arith.constant 0 : i32
    %scan3A_21 = arith.constant 62 : i32
    %scan3A_22 = arith.addi %scan3A_20, %scan3A_21 : i32
    %scan3A_23 = arith.constant 1 : i32
    scf.for %scan3A_125 = %scan3A_20 to %scan3A_22 step %scan3A_23  : i32 {
      %mul3A_126 = arith.constant 2 : i32
      %mul3A_127 = arith.muli %mul3A_126, %scan3A_125 : i32
      %add3A = arith.constant 1 : i32
      %add3A_128 = arith.addi %mul3A_127, %add3A : i32
      %lt3A = arith.constant 125 : i32
      %lt3A_129 = arith.cmpi slt, %add3A_128, %lt3A : i32
      %convert_element_type3A_130 = arith.extui %lt3A_129 : i1 to i32
      %cond3A_131 = arith.constant 0 : i32
      %cond3A_132 = arith.cmpi ne, %convert_element_type3A_130, %cond3A_131 : i32
      scf.if %cond3A_132 {
        %ge3A = arith.constant 1 : i32
        %ge3A_166 = arith.cmpi sge, %mul3A_127, %ge3A : i32
        %convert_element_type3A_167 = arith.extui %ge3A_166 : i1 to i32
        %cond3A_168 = arith.constant 0 : i32
        %cond3A_169 = arith.cmpi ne, %convert_element_type3A_167, %cond3A_168 : i32
        scf.if %cond3A_169 {
          %dma_wait3A_184 = arith.constant 0 : i32
          %dma_wait3A_185 = tpu.memref_slice %arg15[%dma_wait3A_184] : memref<10000xi32, #tpu.memory_space<vmem>> -> memref<80xi32, #tpu.memory_space<vmem>>
          %dma_wait3A_186 = arith.constant 0 : i32
          %dma_wait3A_187 = arith.constant 0 : i32
          %dma_wait3A_188 = tpu.memref_slice %arg13[%dma_wait3A_186, %dma_wait3A_187] : memref<10112x128xf32, #tpu.memory_space<vmem_shared>> -> memref<10112x128xf32, #tpu.memory_space<vmem_shared>>
          tpu.wait_indirect_dma semaphore(%arg21 : memref<!tpu.dma_semaphore, #tpu.memory_space<semaphore_mem>>) src(%arg17 : memref<80x128xf32, #tpu.memory_space<vmem>>) dst(%dma_wait3A_188 : memref<10112x128xf32, #tpu.memory_space<vmem_shared>>)
        } else {
        }
        %add3A_170 = arith.constant 1 : i32
        %add3A_171 = arith.addi %mul3A_127, %add3A_170 : i32
        %mul3A_172 = arith.constant 80 : i32
        %mul3A_173 = arith.muli %add3A_171, %mul3A_172 : i32
        %eq3A_174 = arith.constant 0 : i32
        %eq3A_175 = arith.cmpi eq, %arg0, %eq3A_174 : i32
        %convert_element_type3A_176 = arith.extui %eq3A_175 : i1 to i32
        %cond3A_177 = arith.constant 0 : i32
        %cond3A_178 = arith.cmpi ne, %convert_element_type3A_176, %cond3A_177 : i32
        scf.if %cond3A_178 {
          %dma_start3A_184 = tpu.memref_slice %arg14[%mul3A_173] : memref<10000xi32, #tpu.memory_space<vmem>> -> memref<80xi32, #tpu.memory_space<vmem>>
          %dma_start3A_185 = arith.constant 0 : i32
          %dma_start3A_186 = arith.constant 0 : i32
          %dma_start3A_187 = tpu.memref_slice %arg2[%dma_start3A_185, %dma_start3A_186] : memref<10000x128xf32, #tpu.memory_space<hbm>> -> memref<10000x128xf32, #tpu.memory_space<hbm>>
          tpu.enqueue_indirect_dma source(%dma_start3A_187 : memref<10000x128xf32, #tpu.memory_space<hbm>>) target(%arg17 : memref<80x128xf32, #tpu.memory_space<vmem>>) offsets(%dma_start3A_184 : memref<80xi32, #tpu.memory_space<vmem>>) semaphore(%arg19 : memref<!tpu.dma_semaphore, #tpu.memory_space<semaphore_mem>>)
        } else {
        }
        %eq3A_179 = arith.constant 1 : i32
        %eq3A_180 = arith.cmpi eq, %arg0, %eq3A_179 : i32
        %convert_element_type3A_181 = arith.extui %eq3A_180 : i1 to i32
        %cond3A_182 = arith.constant 0 : i32
        %cond3A_183 = arith.cmpi ne, %convert_element_type3A_181, %cond3A_182 : i32
        scf.if %cond3A_183 {
          %dma_start3A_184 = tpu.memref_slice %arg14[%mul3A_173] : memref<10000xi32, #tpu.memory_space<vmem>> -> memref<80xi32, #tpu.memory_space<vmem>>
          %dma_start3A_185 = arith.constant 0 : i32
          %dma_start3A_186 = arith.constant 0 : i32
          %dma_start3A_187 = tpu.memref_slice %arg3[%dma_start3A_185, %dma_start3A_186] : memref<10000x128xf32, #tpu.memory_space<hbm>> -> memref<10000x128xf32, #tpu.memory_space<hbm>>
          tpu.enqueue_indirect_dma source(%dma_start3A_187 : memref<10000x128xf32, #tpu.memory_space<hbm>>) target(%arg17 : memref<80x128xf32, #tpu.memory_space<vmem>>) offsets(%dma_start3A_184 : memref<80xi32, #tpu.memory_space<vmem>>) semaphore(%arg19 : memref<!tpu.dma_semaphore, #tpu.memory_space<semaphore_mem>>)
        } else {
        }
      } else {
      }
      %dma_wait3A_133 = arith.constant 0 : i32
      %dma_wait3A_134 = tpu.memref_slice %arg14[%dma_wait3A_133] : memref<10000xi32, #tpu.memory_space<vmem>> -> memref<80xi32, #tpu.memory_space<vmem>>
      %dma_wait3A_135 = arith.constant 0 : i32
      %dma_wait3A_136 = arith.constant 0 : i32
      %dma_wait3A_137 = tpu.memref_slice %arg2[%dma_wait3A_135, %dma_wait3A_136] : memref<10000x128xf32, #tpu.memory_space<hbm>> -> memref<10000x128xf32, #tpu.memory_space<hbm>>
      tpu.wait_indirect_dma semaphore(%arg18 : memref<!tpu.dma_semaphore, #tpu.memory_space<semaphore_mem>>) src(%dma_wait3A_137 : memref<10000x128xf32, #tpu.memory_space<hbm>>) dst(%arg16 : memref<80x128xf32, #tpu.memory_space<vmem>>)
      %mul3A_138 = arith.constant 80 : i32
      %mul3A_139 = arith.muli %mul3A_127, %mul3A_138 : i32
      %dma_start3A_140 = tpu.memref_slice %arg15[%mul3A_139] : memref<10000xi32, #tpu.memory_space<vmem>> -> memref<80xi32, #tpu.memory_space<vmem>>
      %dma_start3A_141 = arith.constant 0 : i32
      %dma_start3A_142 = arith.constant 0 : i32
      %dma_start3A_143 = tpu.memref_slice %arg13[%dma_start3A_141, %dma_start3A_142] : memref<10112x128xf32, #tpu.memory_space<vmem_shared>> -> memref<10112x128xf32, #tpu.memory_space<vmem_shared>>
      tpu.enqueue_indirect_dma source(%arg16 : memref<80x128xf32, #tpu.memory_space<vmem>>) target(%dma_start3A_143 : memref<10112x128xf32, #tpu.memory_space<vmem_shared>>) offsets(%dma_start3A_140 : memref<80xi32, #tpu.memory_space<vmem>>) semaphore(%arg20 : memref<!tpu.dma_semaphore, #tpu.memory_space<semaphore_mem>>) {add = true}
      %mul3A_144 = arith.constant 2 : i32
      %mul3A_145 = arith.muli %mul3A_144, %scan3A_125 : i32
      %add3A_146 = arith.constant 1 : i32
      %add3A_147 = arith.addi %mul3A_145, %add3A_146 : i32
      %add3A_148 = arith.constant 1 : i32
      %add3A_149 = arith.addi %add3A_147, %add3A_148 : i32
      %lt3A_150 = arith.constant 125 : i32
      %lt3A_151 = arith.cmpi slt, %add3A_149, %lt3A_150 : i32
      %convert_element_type3A_152 = arith.extui %lt3A_151 : i1 to i32
      %cond3A_153 = arith.constant 0 : i32
      %cond3A_154 = arith.cmpi ne, %convert_element_type3A_152, %cond3A_153 : i32
      scf.if %cond3A_154 {
        %ge3A = arith.constant 1 : i32
        %ge3A_166 = arith.cmpi sge, %add3A_147, %ge3A : i32
        %convert_element_type3A_167 = arith.extui %ge3A_166 : i1 to i32
        %cond3A_168 = arith.constant 0 : i32
        %cond3A_169 = arith.cmpi ne, %convert_element_type3A_167, %cond3A_168 : i32
        scf.if %cond3A_169 {
          %dma_wait3A_184 = arith.constant 0 : i32
          %dma_wait3A_185 = tpu.memref_slice %arg15[%dma_wait3A_184] : memref<10000xi32, #tpu.memory_space<vmem>> -> memref<80xi32, #tpu.memory_space<vmem>>
          %dma_wait3A_186 = arith.constant 0 : i32
          %dma_wait3A_187 = arith.constant 0 : i32
          %dma_wait3A_188 = tpu.memref_slice %arg13[%dma_wait3A_186, %dma_wait3A_187] : memref<10112x128xf32, #tpu.memory_space<vmem_shared>> -> memref<10112x128xf32, #tpu.memory_space<vmem_shared>>
          tpu.wait_indirect_dma semaphore(%arg20 : memref<!tpu.dma_semaphore, #tpu.memory_space<semaphore_mem>>) src(%arg16 : memref<80x128xf32, #tpu.memory_space<vmem>>) dst(%dma_wait3A_188 : memref<10112x128xf32, #tpu.memory_space<vmem_shared>>)
        } else {
        }
        %add3A_170 = arith.constant 1 : i32
        %add3A_171 = arith.addi %add3A_147, %add3A_170 : i32
        %mul3A_172 = arith.constant 80 : i32
        %mul3A_173 = arith.muli %add3A_171, %mul3A_172 : i32
        %eq3A_174 = arith.constant 0 : i32
        %eq3A_175 = arith.cmpi eq, %arg0, %eq3A_174 : i32
        %convert_element_type3A_176 = arith.extui %eq3A_175 : i1 to i32
        %cond3A_177 = arith.constant 0 : i32
        %cond3A_178 = arith.cmpi ne, %convert_element_type3A_176, %cond3A_177 : i32
        scf.if %cond3A_178 {
          %dma_start3A_184 = tpu.memref_slice %arg14[%mul3A_173] : memref<10000xi32, #tpu.memory_space<vmem>> -> memref<80xi32, #tpu.memory_space<vmem>>
          %dma_start3A_185 = arith.constant 0 : i32
          %dma_start3A_186 = arith.constant 0 : i32
          %dma_start3A_187 = tpu.memref_slice %arg2[%dma_start3A_185, %dma_start3A_186] : memref<10000x128xf32, #tpu.memory_space<hbm>> -> memref<10000x128xf32, #tpu.memory_space<hbm>>
          tpu.enqueue_indirect_dma source(%dma_start3A_187 : memref<10000x128xf32, #tpu.memory_space<hbm>>) target(%arg16 : memref<80x128xf32, #tpu.memory_space<vmem>>) offsets(%dma_start3A_184 : memref<80xi32, #tpu.memory_space<vmem>>) semaphore(%arg18 : memref<!tpu.dma_semaphore, #tpu.memory_space<semaphore_mem>>)
        } else {
        }
        %eq3A_179 = arith.constant 1 : i32
        %eq3A_180 = arith.cmpi eq, %arg0, %eq3A_179 : i32
        %convert_element_type3A_181 = arith.extui %eq3A_180 : i1 to i32
        %cond3A_182 = arith.constant 0 : i32
        %cond3A_183 = arith.cmpi ne, %convert_element_type3A_181, %cond3A_182 : i32
        scf.if %cond3A_183 {
          %dma_start3A_184 = tpu.memref_slice %arg14[%mul3A_173] : memref<10000xi32, #tpu.memory_space<vmem>> -> memref<80xi32, #tpu.memory_space<vmem>>
          %dma_start3A_185 = arith.constant 0 : i32
          %dma_start3A_186 = arith.constant 0 : i32
          %dma_start3A_187 = tpu.memref_slice %arg3[%dma_start3A_185, %dma_start3A_186] : memref<10000x128xf32, #tpu.memory_space<hbm>> -> memref<10000x128xf32, #tpu.memory_space<hbm>>
          tpu.enqueue_indirect_dma source(%dma_start3A_187 : memref<10000x128xf32, #tpu.memory_space<hbm>>) target(%arg16 : memref<80x128xf32, #tpu.memory_space<vmem>>) offsets(%dma_start3A_184 : memref<80xi32, #tpu.memory_space<vmem>>) semaphore(%arg18 : memref<!tpu.dma_semaphore, #tpu.memory_space<semaphore_mem>>)
        } else {
        }
      } else {
      }
      %dma_wait3A_155 = arith.constant 0 : i32
      %dma_wait3A_156 = tpu.memref_slice %arg14[%dma_wait3A_155] : memref<10000xi32, #tpu.memory_space<vmem>> -> memref<80xi32, #tpu.memory_space<vmem>>
      %dma_wait3A_157 = arith.constant 0 : i32
      %dma_wait3A_158 = arith.constant 0 : i32
      %dma_wait3A_159 = tpu.memref_slice %arg2[%dma_wait3A_157, %dma_wait3A_158] : memref<10000x128xf32, #tpu.memory_space<hbm>> -> memref<10000x128xf32, #tpu.memory_space<hbm>>
      tpu.wait_indirect_dma semaphore(%arg19 : memref<!tpu.dma_semaphore, #tpu.memory_space<semaphore_mem>>) src(%dma_wait3A_159 : memref<10000x128xf32, #tpu.memory_space<hbm>>) dst(%arg17 : memref<80x128xf32, #tpu.memory_space<vmem>>)
      %mul3A_160 = arith.constant 80 : i32
      %mul3A_161 = arith.muli %add3A_147, %mul3A_160 : i32
      %dma_start3A_162 = tpu.memref_slice %arg15[%mul3A_161] : memref<10000xi32, #tpu.memory_space<vmem>> -> memref<80xi32, #tpu.memory_space<vmem>>
      %dma_start3A_163 = arith.constant 0 : i32
      %dma_start3A_164 = arith.constant 0 : i32
      %dma_start3A_165 = tpu.memref_slice %arg13[%dma_start3A_163, %dma_start3A_164] : memref<10112x128xf32, #tpu.memory_space<vmem_shared>> -> memref<10112x128xf32, #tpu.memory_space<vmem_shared>>
      tpu.enqueue_indirect_dma source(%arg17 : memref<80x128xf32, #tpu.memory_space<vmem>>) target(%dma_start3A_165 : memref<10112x128xf32, #tpu.memory_space<vmem_shared>>) offsets(%dma_start3A_162 : memref<80xi32, #tpu.memory_space<vmem>>) semaphore(%arg21 : memref<!tpu.dma_semaphore, #tpu.memory_space<semaphore_mem>>) {add = true}
    }
    %scan3A_24 = arith.constant 62 : i32
    %dma_wait3A = arith.constant 0 : i32
    %dma_wait3A_25 = tpu.memref_slice %arg14[%dma_wait3A] : memref<10000xi32, #tpu.memory_space<vmem>> -> memref<80xi32, #tpu.memory_space<vmem>>
    %dma_wait3A_26 = arith.constant 0 : i32
    %dma_wait3A_27 = arith.constant 0 : i32
    %dma_wait3A_28 = tpu.memref_slice %arg2[%dma_wait3A_26, %dma_wait3A_27] : memref<10000x128xf32, #tpu.memory_space<hbm>> -> memref<10000x128xf32, #tpu.memory_space<hbm>>
    tpu.wait_indirect_dma semaphore(%arg18 : memref<!tpu.dma_semaphore, #tpu.memory_space<semaphore_mem>>) src(%dma_wait3A_28 : memref<10000x128xf32, #tpu.memory_space<hbm>>) dst(%arg16 : memref<80x128xf32, #tpu.memory_space<vmem>>)
    %dma_start3A = arith.constant 9920 : i32
    %dma_start3A_29 = tpu.memref_slice %arg15[%dma_start3A] : memref<10000xi32, #tpu.memory_space<vmem>> -> memref<80xi32, #tpu.memory_space<vmem>>
    %dma_start3A_30 = arith.constant 0 : i32
    %dma_start3A_31 = arith.constant 0 : i32
    %dma_start3A_32 = tpu.memref_slice %arg13[%dma_start3A_30, %dma_start3A_31] : memref<10112x128xf32, #tpu.memory_space<vmem_shared>> -> memref<10112x128xf32, #tpu.memory_space<vmem_shared>>
    tpu.enqueue_indirect_dma source(%arg16 : memref<80x128xf32, #tpu.memory_space<vmem>>) target(%dma_start3A_32 : memref<10112x128xf32, #tpu.memory_space<vmem_shared>>) offsets(%dma_start3A_29 : memref<80xi32, #tpu.memory_space<vmem>>) semaphore(%arg20 : memref<!tpu.dma_semaphore, #tpu.memory_space<semaphore_mem>>) {add = true}
    %dma_wait3A_33 = arith.constant 0 : i32
    %dma_wait3A_34 = tpu.memref_slice %arg15[%dma_wait3A_33] : memref<10000xi32, #tpu.memory_space<vmem>> -> memref<80xi32, #tpu.memory_space<vmem>>
    %dma_wait3A_35 = arith.constant 0 : i32
    %dma_wait3A_36 = arith.constant 0 : i32
    %dma_wait3A_37 = tpu.memref_slice %arg13[%dma_wait3A_35, %dma_wait3A_36] : memref<10112x128xf32, #tpu.memory_space<vmem_shared>> -> memref<10112x128xf32, #tpu.memory_space<vmem_shared>>
    tpu.wait_indirect_dma semaphore(%arg20 : memref<!tpu.dma_semaphore, #tpu.memory_space<semaphore_mem>>) src(%arg16 : memref<80x128xf32, #tpu.memory_space<vmem>>) dst(%dma_wait3A_37 : memref<10112x128xf32, #tpu.memory_space<vmem_shared>>)
    %dma_wait3A_38 = arith.constant 0 : i32
    %dma_wait3A_39 = tpu.memref_slice %arg15[%dma_wait3A_38] : memref<10000xi32, #tpu.memory_space<vmem>> -> memref<80xi32, #tpu.memory_space<vmem>>
    %dma_wait3A_40 = arith.constant 0 : i32
    %dma_wait3A_41 = arith.constant 0 : i32
    %dma_wait3A_42 = tpu.memref_slice %arg13[%dma_wait3A_40, %dma_wait3A_41] : memref<10112x128xf32, #tpu.memory_space<vmem_shared>> -> memref<10112x128xf32, #tpu.memory_space<vmem_shared>>
    tpu.wait_indirect_dma semaphore(%arg21 : memref<!tpu.dma_semaphore, #tpu.memory_space<semaphore_mem>>) src(%arg17 : memref<80x128xf32, #tpu.memory_space<vmem>>) dst(%dma_wait3A_42 : memref<10112x128xf32, #tpu.memory_space<vmem_shared>>)
    %barrier3A_43 = arith.constant 0 : index
    tpu.barrier barrier_id(%barrier3A_43)
    "tpu.region"() ({
      %run_scoped3A = tpu.sem_alloc : memref<!tpu.dma_semaphore, #tpu.memory_space<semaphore_mem>>
      %dma_start3A_125 = arith.constant 0 : i32
      %dma_start3A_126 = tpu.memref_slice %arg10[%arg0, %mul3A_0, %dma_start3A_125] : memref<2x10112x128xf32, #tpu.memory_space<hbm>> -> memref<1x632x128xf32, #tpu.memory_space<hbm>>
      %dma_start3A_127 = tpu.memref_squeeze %dma_start3A_126 : memref<1x632x128xf32, #tpu.memory_space<hbm>> -> memref<632x128xf32, #tpu.memory_space<hbm>>
      %dma_start3A_128 = arith.constant 0 : i32
      %dma_start3A_129 = tpu.memref_slice %arg13[%mul3A_0, %dma_start3A_128] : memref<10112x128xf32, #tpu.memory_space<vmem_shared>> -> memref<632x128xf32, #tpu.memory_space<vmem_shared>>
      tpu.enqueue_dma source(%dma_start3A_129 : memref<632x128xf32, #tpu.memory_space<vmem_shared>>) target(%dma_start3A_127 : memref<632x128xf32, #tpu.memory_space<hbm>>) target_semaphore(%run_scoped3A : memref<!tpu.dma_semaphore, #tpu.memory_space<semaphore_mem>>)
      %dma_wait3A_130 = arith.constant 0 : i32
      %dma_wait3A_131 = tpu.memref_slice %arg10[%arg0, %mul3A_0, %dma_wait3A_130] : memref<2x10112x128xf32, #tpu.memory_space<hbm>> -> memref<1x632x128xf32, #tpu.memory_space<hbm>>
      %dma_wait3A_132 = tpu.memref_squeeze %dma_wait3A_131 : memref<1x632x128xf32, #tpu.memory_space<hbm>> -> memref<632x128xf32, #tpu.memory_space<hbm>>
      %dma_wait3A_133 = arith.constant 0 : i32
      %dma_wait3A_134 = tpu.memref_slice %arg13[%mul3A_0, %dma_wait3A_133] : memref<10112x128xf32, #tpu.memory_space<vmem_shared>> -> memref<632x128xf32, #tpu.memory_space<vmem_shared>>
      tpu.wait_dma2 semaphore(%run_scoped3A : memref<!tpu.dma_semaphore, #tpu.memory_space<semaphore_mem>>) src(%dma_wait3A_134 : memref<632x128xf32, #tpu.memory_space<vmem_shared>>) dst(%dma_wait3A_132 : memref<632x128xf32, #tpu.memory_space<hbm>>)
      tpu.yield
    }) : () -> ()
    %barrier3A_44 = arith.constant 0 : index
    tpu.barrier barrier_id(%barrier3A_44)
    "tpu.region"() ({
      %run_scoped3A = tpu.sem_alloc : memref<!tpu.dma_semaphore, #tpu.memory_space<semaphore_mem>>
      %dma_start3A_125 = arith.constant 0 : i32
      %dma_start3A_126 = tpu.memref_slice %arg13[%mul3A_0, %dma_start3A_125] : memref<10112x128xf32, #tpu.memory_space<vmem_shared>> -> memref<632x128xf32, #tpu.memory_space<vmem_shared>>
      %dma_start3A_127 = arith.constant 0 : i32
      %dma_start3A_128 = tpu.memref_slice %arg8[%mul3A_0, %dma_start3A_127] : memref<10112x128xf32, #tpu.memory_space<hbm>> -> memref<632x128xf32, #tpu.memory_space<hbm>>
      tpu.enqueue_dma source(%dma_start3A_128 : memref<632x128xf32, #tpu.memory_space<hbm>>) target(%dma_start3A_126 : memref<632x128xf32, #tpu.memory_space<vmem_shared>>) target_semaphore(%run_scoped3A : memref<!tpu.dma_semaphore, #tpu.memory_space<semaphore_mem>>)
      %dma_wait3A_129 = arith.constant 0 : i32
      %dma_wait3A_130 = tpu.memref_slice %arg13[%mul3A_0, %dma_wait3A_129] : memref<10112x128xf32, #tpu.memory_space<vmem_shared>> -> memref<632x128xf32, #tpu.memory_space<vmem_shared>>
      %dma_wait3A_131 = arith.constant 0 : i32
      %dma_wait3A_132 = tpu.memref_slice %arg8[%mul3A_0, %dma_wait3A_131] : memref<10112x128xf32, #tpu.memory_space<hbm>> -> memref<632x128xf32, #tpu.memory_space<hbm>>
      tpu.wait_dma2 semaphore(%run_scoped3A : memref<!tpu.dma_semaphore, #tpu.memory_space<semaphore_mem>>) src(%dma_wait3A_132 : memref<632x128xf32, #tpu.memory_space<hbm>>) dst(%dma_wait3A_130 : memref<632x128xf32, #tpu.memory_space<vmem_shared>>)
      tpu.yield
    }) : () -> ()
    %mul3A_45 = arith.constant 10000 : i32
    %mul3A_46 = arith.muli %arg1, %mul3A_45 : i32
    "tpu.region"() ({
      %run_scoped3A = tpu.sem_alloc : memref<!tpu.dma_semaphore, #tpu.memory_space<semaphore_mem>>
      %dma_start3A_125 = tpu.memref_slice %arg7[%mul3A_46] : memref<160000xi32, #tpu.memory_space<hbm>> -> memref<10000xi32, #tpu.memory_space<hbm>>
      %dma_start3A_126 = tpu.memref_slice %arg7[%mul3A_46] : memref<160000xi32, #tpu.memory_space<hbm>> -> memref<10000xi32, #tpu.memory_space<hbm>>
      tpu.enqueue_dma source(%dma_start3A_126 : memref<10000xi32, #tpu.memory_space<hbm>>) target(%arg14 : memref<10000xi32, #tpu.memory_space<vmem>>) target_semaphore(%run_scoped3A : memref<!tpu.dma_semaphore, #tpu.memory_space<semaphore_mem>>)
      %dma_wait3A_127 = tpu.memref_slice %arg7[%mul3A_46] : memref<160000xi32, #tpu.memory_space<hbm>> -> memref<10000xi32, #tpu.memory_space<hbm>>
      %dma_wait3A_128 = tpu.memref_slice %arg7[%mul3A_46] : memref<160000xi32, #tpu.memory_space<hbm>> -> memref<10000xi32, #tpu.memory_space<hbm>>
      tpu.wait_dma2 semaphore(%run_scoped3A : memref<!tpu.dma_semaphore, #tpu.memory_space<semaphore_mem>>) src(%dma_wait3A_128 : memref<10000xi32, #tpu.memory_space<hbm>>) dst(%arg14 : memref<10000xi32, #tpu.memory_space<vmem>>)
      tpu.yield
    }) : () -> ()
    %eq3A_47 = arith.constant 0 : i32
    %eq3A_48 = arith.cmpi eq, %arg0, %eq3A_47 : i32
    %convert_element_type3A_49 = arith.extui %eq3A_48 : i1 to i32
    %cond3A_50 = arith.constant 0 : i32
    %cond3A_51 = arith.cmpi ne, %convert_element_type3A_49, %cond3A_50 : i32
    scf.if %cond3A_51 {
      %mul3A_125 = arith.constant 10000 : i32
      %mul3A_126 = arith.muli %arg1, %mul3A_125 : i32
      "tpu.region"() ({
        %run_scoped3A = tpu.sem_alloc : memref<!tpu.dma_semaphore, #tpu.memory_space<semaphore_mem>>
        %dma_start3A_127 = tpu.memref_slice %arg6[%mul3A_126] : memref<160000xi32, #tpu.memory_space<hbm>> -> memref<10000xi32, #tpu.memory_space<hbm>>
        %dma_start3A_128 = tpu.memref_slice %arg6[%mul3A_126] : memref<160000xi32, #tpu.memory_space<hbm>> -> memref<10000xi32, #tpu.memory_space<hbm>>
        tpu.enqueue_dma source(%dma_start3A_128 : memref<10000xi32, #tpu.memory_space<hbm>>) target(%arg15 : memref<10000xi32, #tpu.memory_space<vmem>>) target_semaphore(%run_scoped3A : memref<!tpu.dma_semaphore, #tpu.memory_space<semaphore_mem>>)
        %dma_wait3A_129 = tpu.memref_slice %arg6[%mul3A_126] : memref<160000xi32, #tpu.memory_space<hbm>> -> memref<10000xi32, #tpu.memory_space<hbm>>
        %dma_wait3A_130 = tpu.memref_slice %arg6[%mul3A_126] : memref<160000xi32, #tpu.memory_space<hbm>> -> memref<10000xi32, #tpu.memory_space<hbm>>
        tpu.wait_dma2 semaphore(%run_scoped3A : memref<!tpu.dma_semaphore, #tpu.memory_space<semaphore_mem>>) src(%dma_wait3A_130 : memref<10000xi32, #tpu.memory_space<hbm>>) dst(%arg15 : memref<10000xi32, #tpu.memory_space<vmem>>)
        tpu.yield
      }) : () -> ()
    } else {
    }
    %eq3A_52 = arith.constant 1 : i32
    %eq3A_53 = arith.cmpi eq, %arg0, %eq3A_52 : i32
    %convert_element_type3A_54 = arith.extui %eq3A_53 : i1 to i32
    %cond3A_55 = arith.constant 0 : i32
    %cond3A_56 = arith.cmpi ne, %convert_element_type3A_54, %cond3A_55 : i32
    scf.if %cond3A_56 {
      %mul3A_125 = arith.constant 10000 : i32
      %mul3A_126 = arith.muli %arg1, %mul3A_125 : i32
      "tpu.region"() ({
        %run_scoped3A = tpu.sem_alloc : memref<!tpu.dma_semaphore, #tpu.memory_space<semaphore_mem>>
        %dma_start3A_127 = tpu.memref_slice %arg6[%mul3A_126] : memref<160000xi32, #tpu.memory_space<hbm>> -> memref<10000xi32, #tpu.memory_space<hbm>>
        %dma_start3A_128 = tpu.memref_slice %arg6[%mul3A_126] : memref<160000xi32, #tpu.memory_space<hbm>> -> memref<10000xi32, #tpu.memory_space<hbm>>
        tpu.enqueue_dma source(%dma_start3A_128 : memref<10000xi32, #tpu.memory_space<hbm>>) target(%arg15 : memref<10000xi32, #tpu.memory_space<vmem>>) target_semaphore(%run_scoped3A : memref<!tpu.dma_semaphore, #tpu.memory_space<semaphore_mem>>)
        %dma_wait3A_129 = tpu.memref_slice %arg6[%mul3A_126] : memref<160000xi32, #tpu.memory_space<hbm>> -> memref<10000xi32, #tpu.memory_space<hbm>>
        %dma_wait3A_130 = tpu.memref_slice %arg6[%mul3A_126] : memref<160000xi32, #tpu.memory_space<hbm>> -> memref<10000xi32, #tpu.memory_space<hbm>>
        tpu.wait_dma2 semaphore(%run_scoped3A : memref<!tpu.dma_semaphore, #tpu.memory_space<semaphore_mem>>) src(%dma_wait3A_130 : memref<10000xi32, #tpu.memory_space<hbm>>) dst(%arg15 : memref<10000xi32, #tpu.memory_space<vmem>>)
        tpu.yield
      }) : () -> ()
    } else {
    }
    %barrier3A_57 = arith.constant 0 : index
    tpu.barrier barrier_id(%barrier3A_57)
    %eq3A_58 = arith.constant 0 : i32
    %eq3A_59 = arith.cmpi eq, %arg0, %eq3A_58 : i32
    %convert_element_type3A_60 = arith.extui %eq3A_59 : i1 to i32
    %cond3A_61 = arith.constant 0 : i32
    %cond3A_62 = arith.cmpi ne, %convert_element_type3A_60, %cond3A_61 : i32
    scf.if %cond3A_62 {
      %dma_start3A_125 = arith.constant 0 : i32
      %dma_start3A_126 = tpu.memref_slice %arg14[%dma_start3A_125] : memref<10000xi32, #tpu.memory_space<vmem>> -> memref<80xi32, #tpu.memory_space<vmem>>
      %dma_start3A_127 = arith.constant 0 : i32
      %dma_start3A_128 = arith.constant 0 : i32
      %dma_start3A_129 = tpu.memref_slice %arg4[%dma_start3A_127, %dma_start3A_128] : memref<10000x128xf32, #tpu.memory_space<hbm>> -> memref<10000x128xf32, #tpu.memory_space<hbm>>
      tpu.enqueue_indirect_dma source(%dma_start3A_129 : memref<10000x128xf32, #tpu.memory_space<hbm>>) target(%arg16 : memref<80x128xf32, #tpu.memory_space<vmem>>) offsets(%dma_start3A_126 : memref<80xi32, #tpu.memory_space<vmem>>) semaphore(%arg18 : memref<!tpu.dma_semaphore, #tpu.memory_space<semaphore_mem>>)
    } else {
    }
    %eq3A_63 = arith.constant 1 : i32
    %eq3A_64 = arith.cmpi eq, %arg0, %eq3A_63 : i32
    %convert_element_type3A_65 = arith.extui %eq3A_64 : i1 to i32
    %cond3A_66 = arith.constant 0 : i32
    %cond3A_67 = arith.cmpi ne, %convert_element_type3A_65, %cond3A_66 : i32
    scf.if %cond3A_67 {
      %dma_start3A_125 = arith.constant 0 : i32
      %dma_start3A_126 = tpu.memref_slice %arg14[%dma_start3A_125] : memref<10000xi32, #tpu.memory_space<vmem>> -> memref<80xi32, #tpu.memory_space<vmem>>
      %dma_start3A_127 = arith.constant 0 : i32
      %dma_start3A_128 = arith.constant 0 : i32
      %dma_start3A_129 = tpu.memref_slice %arg5[%dma_start3A_127, %dma_start3A_128] : memref<10000x128xf32, #tpu.memory_space<hbm>> -> memref<10000x128xf32, #tpu.memory_space<hbm>>
      tpu.enqueue_indirect_dma source(%dma_start3A_129 : memref<10000x128xf32, #tpu.memory_space<hbm>>) target(%arg16 : memref<80x128xf32, #tpu.memory_space<vmem>>) offsets(%dma_start3A_126 : memref<80xi32, #tpu.memory_space<vmem>>) semaphore(%arg18 : memref<!tpu.dma_semaphore, #tpu.memory_space<semaphore_mem>>)
    } else {
    }
    %scan3A_68 = arith.constant 0 : i32
    %scan3A_69 = arith.constant 0 : i32
    %scan3A_70 = arith.constant 62 : i32
    %scan3A_71 = arith.addi %scan3A_69, %scan3A_70 : i32
    %scan3A_72 = arith.constant 1 : i32
    scf.for %scan3A_125 = %scan3A_69 to %scan3A_71 step %scan3A_72  : i32 {
      %mul3A_126 = arith.constant 2 : i32
      %mul3A_127 = arith.muli %mul3A_126, %scan3A_125 : i32
      %add3A = arith.constant 1 : i32
      %add3A_128 = arith.addi %mul3A_127, %add3A : i32
      %lt3A = arith.constant 125 : i32
      %lt3A_129 = arith.cmpi slt, %add3A_128, %lt3A : i32
      %convert_element_type3A_130 = arith.extui %lt3A_129 : i1 to i32
      %cond3A_131 = arith.constant 0 : i32
      %cond3A_132 = arith.cmpi ne, %convert_element_type3A_130, %cond3A_131 : i32
      scf.if %cond3A_132 {
        %ge3A = arith.constant 1 : i32
        %ge3A_166 = arith.cmpi sge, %mul3A_127, %ge3A : i32
        %convert_element_type3A_167 = arith.extui %ge3A_166 : i1 to i32
        %cond3A_168 = arith.constant 0 : i32
        %cond3A_169 = arith.cmpi ne, %convert_element_type3A_167, %cond3A_168 : i32
        scf.if %cond3A_169 {
          %dma_wait3A_184 = arith.constant 0 : i32
          %dma_wait3A_185 = tpu.memref_slice %arg15[%dma_wait3A_184] : memref<10000xi32, #tpu.memory_space<vmem>> -> memref<80xi32, #tpu.memory_space<vmem>>
          %dma_wait3A_186 = arith.constant 0 : i32
          %dma_wait3A_187 = arith.constant 0 : i32
          %dma_wait3A_188 = tpu.memref_slice %arg13[%dma_wait3A_186, %dma_wait3A_187] : memref<10112x128xf32, #tpu.memory_space<vmem_shared>> -> memref<10112x128xf32, #tpu.memory_space<vmem_shared>>
          tpu.wait_indirect_dma semaphore(%arg21 : memref<!tpu.dma_semaphore, #tpu.memory_space<semaphore_mem>>) src(%arg17 : memref<80x128xf32, #tpu.memory_space<vmem>>) dst(%dma_wait3A_188 : memref<10112x128xf32, #tpu.memory_space<vmem_shared>>)
        } else {
        }
        %add3A_170 = arith.constant 1 : i32
        %add3A_171 = arith.addi %mul3A_127, %add3A_170 : i32
        %mul3A_172 = arith.constant 80 : i32
        %mul3A_173 = arith.muli %add3A_171, %mul3A_172 : i32
        %eq3A_174 = arith.constant 0 : i32
        %eq3A_175 = arith.cmpi eq, %arg0, %eq3A_174 : i32
        %convert_element_type3A_176 = arith.extui %eq3A_175 : i1 to i32
        %cond3A_177 = arith.constant 0 : i32
        %cond3A_178 = arith.cmpi ne, %convert_element_type3A_176, %cond3A_177 : i32
        scf.if %cond3A_178 {
          %dma_start3A_184 = tpu.memref_slice %arg14[%mul3A_173] : memref<10000xi32, #tpu.memory_space<vmem>> -> memref<80xi32, #tpu.memory_space<vmem>>
          %dma_start3A_185 = arith.constant 0 : i32
          %dma_start3A_186 = arith.constant 0 : i32
          %dma_start3A_187 = tpu.memref_slice %arg4[%dma_start3A_185, %dma_start3A_186] : memref<10000x128xf32, #tpu.memory_space<hbm>> -> memref<10000x128xf32, #tpu.memory_space<hbm>>
          tpu.enqueue_indirect_dma source(%dma_start3A_187 : memref<10000x128xf32, #tpu.memory_space<hbm>>) target(%arg17 : memref<80x128xf32, #tpu.memory_space<vmem>>) offsets(%dma_start3A_184 : memref<80xi32, #tpu.memory_space<vmem>>) semaphore(%arg19 : memref<!tpu.dma_semaphore, #tpu.memory_space<semaphore_mem>>)
        } else {
        }
        %eq3A_179 = arith.constant 1 : i32
        %eq3A_180 = arith.cmpi eq, %arg0, %eq3A_179 : i32
        %convert_element_type3A_181 = arith.extui %eq3A_180 : i1 to i32
        %cond3A_182 = arith.constant 0 : i32
        %cond3A_183 = arith.cmpi ne, %convert_element_type3A_181, %cond3A_182 : i32
        scf.if %cond3A_183 {
          %dma_start3A_184 = tpu.memref_slice %arg14[%mul3A_173] : memref<10000xi32, #tpu.memory_space<vmem>> -> memref<80xi32, #tpu.memory_space<vmem>>
          %dma_start3A_185 = arith.constant 0 : i32
          %dma_start3A_186 = arith.constant 0 : i32
          %dma_start3A_187 = tpu.memref_slice %arg5[%dma_start3A_185, %dma_start3A_186] : memref<10000x128xf32, #tpu.memory_space<hbm>> -> memref<10000x128xf32, #tpu.memory_space<hbm>>
          tpu.enqueue_indirect_dma source(%dma_start3A_187 : memref<10000x128xf32, #tpu.memory_space<hbm>>) target(%arg17 : memref<80x128xf32, #tpu.memory_space<vmem>>) offsets(%dma_start3A_184 : memref<80xi32, #tpu.memory_space<vmem>>) semaphore(%arg19 : memref<!tpu.dma_semaphore, #tpu.memory_space<semaphore_mem>>)
        } else {
        }
      } else {
      }
      %dma_wait3A_133 = arith.constant 0 : i32
      %dma_wait3A_134 = tpu.memref_slice %arg14[%dma_wait3A_133] : memref<10000xi32, #tpu.memory_space<vmem>> -> memref<80xi32, #tpu.memory_space<vmem>>
      %dma_wait3A_135 = arith.constant 0 : i32
      %dma_wait3A_136 = arith.constant 0 : i32
      %dma_wait3A_137 = tpu.memref_slice %arg4[%dma_wait3A_135, %dma_wait3A_136] : memref<10000x128xf32, #tpu.memory_space<hbm>> -> memref<10000x128xf32, #tpu.memory_space<hbm>>
      tpu.wait_indirect_dma semaphore(%arg18 : memref<!tpu.dma_semaphore, #tpu.memory_space<semaphore_mem>>) src(%dma_wait3A_137 : memref<10000x128xf32, #tpu.memory_space<hbm>>) dst(%arg16 : memref<80x128xf32, #tpu.memory_space<vmem>>)
      %mul3A_138 = arith.constant 80 : i32
      %mul3A_139 = arith.muli %mul3A_127, %mul3A_138 : i32
      %dma_start3A_140 = tpu.memref_slice %arg15[%mul3A_139] : memref<10000xi32, #tpu.memory_space<vmem>> -> memref<80xi32, #tpu.memory_space<vmem>>
      %dma_start3A_141 = arith.constant 0 : i32
      %dma_start3A_142 = arith.constant 0 : i32
      %dma_start3A_143 = tpu.memref_slice %arg13[%dma_start3A_141, %dma_start3A_142] : memref<10112x128xf32, #tpu.memory_space<vmem_shared>> -> memref<10112x128xf32, #tpu.memory_space<vmem_shared>>
      tpu.enqueue_indirect_dma source(%arg16 : memref<80x128xf32, #tpu.memory_space<vmem>>) target(%dma_start3A_143 : memref<10112x128xf32, #tpu.memory_space<vmem_shared>>) offsets(%dma_start3A_140 : memref<80xi32, #tpu.memory_space<vmem>>) semaphore(%arg20 : memref<!tpu.dma_semaphore, #tpu.memory_space<semaphore_mem>>) {add = true}
      %mul3A_144 = arith.constant 2 : i32
      %mul3A_145 = arith.muli %mul3A_144, %scan3A_125 : i32
      %add3A_146 = arith.constant 1 : i32
      %add3A_147 = arith.addi %mul3A_145, %add3A_146 : i32
      %add3A_148 = arith.constant 1 : i32
      %add3A_149 = arith.addi %add3A_147, %add3A_148 : i32
      %lt3A_150 = arith.constant 125 : i32
      %lt3A_151 = arith.cmpi slt, %add3A_149, %lt3A_150 : i32
      %convert_element_type3A_152 = arith.extui %lt3A_151 : i1 to i32
      %cond3A_153 = arith.constant 0 : i32
      %cond3A_154 = arith.cmpi ne, %convert_element_type3A_152, %cond3A_153 : i32
      scf.if %cond3A_154 {
        %ge3A = arith.constant 1 : i32
        %ge3A_166 = arith.cmpi sge, %add3A_147, %ge3A : i32
        %convert_element_type3A_167 = arith.extui %ge3A_166 : i1 to i32
        %cond3A_168 = arith.constant 0 : i32
        %cond3A_169 = arith.cmpi ne, %convert_element_type3A_167, %cond3A_168 : i32
        scf.if %cond3A_169 {
          %dma_wait3A_184 = arith.constant 0 : i32
          %dma_wait3A_185 = tpu.memref_slice %arg15[%dma_wait3A_184] : memref<10000xi32, #tpu.memory_space<vmem>> -> memref<80xi32, #tpu.memory_space<vmem>>
          %dma_wait3A_186 = arith.constant 0 : i32
          %dma_wait3A_187 = arith.constant 0 : i32
          %dma_wait3A_188 = tpu.memref_slice %arg13[%dma_wait3A_186, %dma_wait3A_187] : memref<10112x128xf32, #tpu.memory_space<vmem_shared>> -> memref<10112x128xf32, #tpu.memory_space<vmem_shared>>
          tpu.wait_indirect_dma semaphore(%arg20 : memref<!tpu.dma_semaphore, #tpu.memory_space<semaphore_mem>>) src(%arg16 : memref<80x128xf32, #tpu.memory_space<vmem>>) dst(%dma_wait3A_188 : memref<10112x128xf32, #tpu.memory_space<vmem_shared>>)
        } else {
        }
        %add3A_170 = arith.constant 1 : i32
        %add3A_171 = arith.addi %add3A_147, %add3A_170 : i32
        %mul3A_172 = arith.constant 80 : i32
        %mul3A_173 = arith.muli %add3A_171, %mul3A_172 : i32
        %eq3A_174 = arith.constant 0 : i32
        %eq3A_175 = arith.cmpi eq, %arg0, %eq3A_174 : i32
        %convert_element_type3A_176 = arith.extui %eq3A_175 : i1 to i32
        %cond3A_177 = arith.constant 0 : i32
        %cond3A_178 = arith.cmpi ne, %convert_element_type3A_176, %cond3A_177 : i32
        scf.if %cond3A_178 {
          %dma_start3A_184 = tpu.memref_slice %arg14[%mul3A_173] : memref<10000xi32, #tpu.memory_space<vmem>> -> memref<80xi32, #tpu.memory_space<vmem>>
          %dma_start3A_185 = arith.constant 0 : i32
          %dma_start3A_186 = arith.constant 0 : i32
          %dma_start3A_187 = tpu.memref_slice %arg4[%dma_start3A_185, %dma_start3A_186] : memref<10000x128xf32, #tpu.memory_space<hbm>> -> memref<10000x128xf32, #tpu.memory_space<hbm>>
          tpu.enqueue_indirect_dma source(%dma_start3A_187 : memref<10000x128xf32, #tpu.memory_space<hbm>>) target(%arg16 : memref<80x128xf32, #tpu.memory_space<vmem>>) offsets(%dma_start3A_184 : memref<80xi32, #tpu.memory_space<vmem>>) semaphore(%arg18 : memref<!tpu.dma_semaphore, #tpu.memory_space<semaphore_mem>>)
        } else {
        }
        %eq3A_179 = arith.constant 1 : i32
        %eq3A_180 = arith.cmpi eq, %arg0, %eq3A_179 : i32
        %convert_element_type3A_181 = arith.extui %eq3A_180 : i1 to i32
        %cond3A_182 = arith.constant 0 : i32
        %cond3A_183 = arith.cmpi ne, %convert_element_type3A_181, %cond3A_182 : i32
        scf.if %cond3A_183 {
          %dma_start3A_184 = tpu.memref_slice %arg14[%mul3A_173] : memref<10000xi32, #tpu.memory_space<vmem>> -> memref<80xi32, #tpu.memory_space<vmem>>
          %dma_start3A_185 = arith.constant 0 : i32
          %dma_start3A_186 = arith.constant 0 : i32
          %dma_start3A_187 = tpu.memref_slice %arg5[%dma_start3A_185, %dma_start3A_186] : memref<10000x128xf32, #tpu.memory_space<hbm>> -> memref<10000x128xf32, #tpu.memory_space<hbm>>
          tpu.enqueue_indirect_dma source(%dma_start3A_187 : memref<10000x128xf32, #tpu.memory_space<hbm>>) target(%arg16 : memref<80x128xf32, #tpu.memory_space<vmem>>) offsets(%dma_start3A_184 : memref<80xi32, #tpu.memory_space<vmem>>) semaphore(%arg18 : memref<!tpu.dma_semaphore, #tpu.memory_space<semaphore_mem>>)
        } else {
        }
      } else {
      }
      %dma_wait3A_155 = arith.constant 0 : i32
      %dma_wait3A_156 = tpu.memref_slice %arg14[%dma_wait3A_155] : memref<10000xi32, #tpu.memory_space<vmem>> -> memref<80xi32, #tpu.memory_space<vmem>>
      %dma_wait3A_157 = arith.constant 0 : i32
      %dma_wait3A_158 = arith.constant 0 : i32
      %dma_wait3A_159 = tpu.memref_slice %arg4[%dma_wait3A_157, %dma_wait3A_158] : memref<10000x128xf32, #tpu.memory_space<hbm>> -> memref<10000x128xf32, #tpu.memory_space<hbm>>
      tpu.wait_indirect_dma semaphore(%arg19 : memref<!tpu.dma_semaphore, #tpu.memory_space<semaphore_mem>>) src(%dma_wait3A_159 : memref<10000x128xf32, #tpu.memory_space<hbm>>) dst(%arg17 : memref<80x128xf32, #tpu.memory_space<vmem>>)
      %mul3A_160 = arith.constant 80 : i32
      %mul3A_161 = arith.muli %add3A_147, %mul3A_160 : i32
      %dma_start3A_162 = tpu.memref_slice %arg15[%mul3A_161] : memref<10000xi32, #tpu.memory_space<vmem>> -> memref<80xi32, #tpu.memory_space<vmem>>
      %dma_start3A_163 = arith.constant 0 : i32
      %dma_start3A_164 = arith.constant 0 : i32
      %dma_start3A_165 = tpu.memref_slice %arg13[%dma_start3A_163, %dma_start3A_164] : memref<10112x128xf32, #tpu.memory_space<vmem_shared>> -> memref<10112x128xf32, #tpu.memory_space<vmem_shared>>
      tpu.enqueue_indirect_dma source(%arg17 : memref<80x128xf32, #tpu.memory_space<vmem>>) target(%dma_start3A_165 : memref<10112x128xf32, #tpu.memory_space<vmem_shared>>) offsets(%dma_start3A_162 : memref<80xi32, #tpu.memory_space<vmem>>) semaphore(%arg21 : memref<!tpu.dma_semaphore, #tpu.memory_space<semaphore_mem>>) {add = true}
    }
    %scan3A_73 = arith.constant 62 : i32
    %dma_wait3A_74 = arith.constant 0 : i32
    %dma_wait3A_75 = tpu.memref_slice %arg14[%dma_wait3A_74] : memref<10000xi32, #tpu.memory_space<vmem>> -> memref<80xi32, #tpu.memory_space<vmem>>
    %dma_wait3A_76 = arith.constant 0 : i32
    %dma_wait3A_77 = arith.constant 0 : i32
    %dma_wait3A_78 = tpu.memref_slice %arg4[%dma_wait3A_76, %dma_wait3A_77] : memref<10000x128xf32, #tpu.memory_space<hbm>> -> memref<10000x128xf32, #tpu.memory_space<hbm>>
    tpu.wait_indirect_dma semaphore(%arg18 : memref<!tpu.dma_semaphore, #tpu.memory_space<semaphore_mem>>) src(%dma_wait3A_78 : memref<10000x128xf32, #tpu.memory_space<hbm>>) dst(%arg16 : memref<80x128xf32, #tpu.memory_space<vmem>>)
    %dma_start3A_79 = arith.constant 9920 : i32
    %dma_start3A_80 = tpu.memref_slice %arg15[%dma_start3A_79] : memref<10000xi32, #tpu.memory_space<vmem>> -> memref<80xi32, #tpu.memory_space<vmem>>
    %dma_start3A_81 = arith.constant 0 : i32
    %dma_start3A_82 = arith.constant 0 : i32
    %dma_start3A_83 = tpu.memref_slice %arg13[%dma_start3A_81, %dma_start3A_82] : memref<10112x128xf32, #tpu.memory_space<vmem_shared>> -> memref<10112x128xf32, #tpu.memory_space<vmem_shared>>
    tpu.enqueue_indirect_dma source(%arg16 : memref<80x128xf32, #tpu.memory_space<vmem>>) target(%dma_start3A_83 : memref<10112x128xf32, #tpu.memory_space<vmem_shared>>) offsets(%dma_start3A_80 : memref<80xi32, #tpu.memory_space<vmem>>) semaphore(%arg20 : memref<!tpu.dma_semaphore, #tpu.memory_space<semaphore_mem>>) {add = true}
    %dma_wait3A_84 = arith.constant 0 : i32
    %dma_wait3A_85 = tpu.memref_slice %arg15[%dma_wait3A_84] : memref<10000xi32, #tpu.memory_space<vmem>> -> memref<80xi32, #tpu.memory_space<vmem>>
    %dma_wait3A_86 = arith.constant 0 : i32
    %dma_wait3A_87 = arith.constant 0 : i32
    %dma_wait3A_88 = tpu.memref_slice %arg13[%dma_wait3A_86, %dma_wait3A_87] : memref<10112x128xf32, #tpu.memory_space<vmem_shared>> -> memref<10112x128xf32, #tpu.memory_space<vmem_shared>>
    tpu.wait_indirect_dma semaphore(%arg20 : memref<!tpu.dma_semaphore, #tpu.memory_space<semaphore_mem>>) src(%arg16 : memref<80x128xf32, #tpu.memory_space<vmem>>) dst(%dma_wait3A_88 : memref<10112x128xf32, #tpu.memory_space<vmem_shared>>)
    %dma_wait3A_89 = arith.constant 0 : i32
    %dma_wait3A_90 = tpu.memref_slice %arg15[%dma_wait3A_89] : memref<10000xi32, #tpu.memory_space<vmem>> -> memref<80xi32, #tpu.memory_space<vmem>>
    %dma_wait3A_91 = arith.constant 0 : i32
    %dma_wait3A_92 = arith.constant 0 : i32
    %dma_wait3A_93 = tpu.memref_slice %arg13[%dma_wait3A_91, %dma_wait3A_92] : memref<10112x128xf32, #tpu.memory_space<vmem_shared>> -> memref<10112x128xf32, #tpu.memory_space<vmem_shared>>
    tpu.wait_indirect_dma semaphore(%arg21 : memref<!tpu.dma_semaphore, #tpu.memory_space<semaphore_mem>>) src(%arg17 : memref<80x128xf32, #tpu.memory_space<vmem>>) dst(%dma_wait3A_93 : memref<10112x128xf32, #tpu.memory_space<vmem_shared>>)
    %barrier3A_94 = arith.constant 0 : index
    tpu.barrier barrier_id(%barrier3A_94)
    "tpu.region"() ({
      %run_scoped3A = tpu.sem_alloc : memref<!tpu.dma_semaphore, #tpu.memory_space<semaphore_mem>>
      %dma_start3A_125 = arith.constant 0 : i32
      %dma_start3A_126 = tpu.memref_slice %arg11[%arg0, %mul3A_0, %dma_start3A_125] : memref<2x10112x128xf32, #tpu.memory_space<hbm>> -> memref<1x632x128xf32, #tpu.memory_space<hbm>>
      %dma_start3A_127 = tpu.memref_squeeze %dma_start3A_126 : memref<1x632x128xf32, #tpu.memory_space<hbm>> -> memref<632x128xf32, #tpu.memory_space<hbm>>
      %dma_start3A_128 = arith.constant 0 : i32
      %dma_start3A_129 = tpu.memref_slice %arg13[%mul3A_0, %dma_start3A_128] : memref<10112x128xf32, #tpu.memory_space<vmem_shared>> -> memref<632x128xf32, #tpu.memory_space<vmem_shared>>
      tpu.enqueue_dma source(%dma_start3A_129 : memref<632x128xf32, #tpu.memory_space<vmem_shared>>) target(%dma_start3A_127 : memref<632x128xf32, #tpu.memory_space<hbm>>) target_semaphore(%run_scoped3A : memref<!tpu.dma_semaphore, #tpu.memory_space<semaphore_mem>>)
      %dma_wait3A_130 = arith.constant 0 : i32
      %dma_wait3A_131 = tpu.memref_slice %arg11[%arg0, %mul3A_0, %dma_wait3A_130] : memref<2x10112x128xf32, #tpu.memory_space<hbm>> -> memref<1x632x128xf32, #tpu.memory_space<hbm>>
      %dma_wait3A_132 = tpu.memref_squeeze %dma_wait3A_131 : memref<1x632x128xf32, #tpu.memory_space<hbm>> -> memref<632x128xf32, #tpu.memory_space<hbm>>
      %dma_wait3A_133 = arith.constant 0 : i32
      %dma_wait3A_134 = tpu.memref_slice %arg13[%mul3A_0, %dma_wait3A_133] : memref<10112x128xf32, #tpu.memory_space<vmem_shared>> -> memref<632x128xf32, #tpu.memory_space<vmem_shared>>
      tpu.wait_dma2 semaphore(%run_scoped3A : memref<!tpu.dma_semaphore, #tpu.memory_space<semaphore_mem>>) src(%dma_wait3A_134 : memref<632x128xf32, #tpu.memory_space<vmem_shared>>) dst(%dma_wait3A_132 : memref<632x128xf32, #tpu.memory_space<hbm>>)
      tpu.yield
    }) : () -> ()
    %barrier3A_95 = arith.constant 0 : index
    tpu.barrier barrier_id(%barrier3A_95)
    "tpu.region"() ({
      %run_scoped3A = tpu.sem_alloc : memref<!tpu.dma_semaphore, #tpu.memory_space<semaphore_mem>>
      %dma_start3A_125 = arith.constant 0 : i32
      %dma_start3A_126 = tpu.memref_slice %arg13[%mul3A_0, %dma_start3A_125] : memref<10112x128xf32, #tpu.memory_space<vmem_shared>> -> memref<632x128xf32, #tpu.memory_space<vmem_shared>>
      %dma_start3A_127 = arith.constant 0 : i32
      %dma_start3A_128 = tpu.memref_slice %arg8[%mul3A_0, %dma_start3A_127] : memref<10112x128xf32, #tpu.memory_space<hbm>> -> memref<632x128xf32, #tpu.memory_space<hbm>>
      tpu.enqueue_dma source(%dma_start3A_128 : memref<632x128xf32, #tpu.memory_space<hbm>>) target(%dma_start3A_126 : memref<632x128xf32, #tpu.memory_space<vmem_shared>>) target_semaphore(%run_scoped3A : memref<!tpu.dma_semaphore, #tpu.memory_space<semaphore_mem>>)
      %dma_wait3A_129 = arith.constant 0 : i32
      %dma_wait3A_130 = tpu.memref_slice %arg13[%mul3A_0, %dma_wait3A_129] : memref<10112x128xf32, #tpu.memory_space<vmem_shared>> -> memref<632x128xf32, #tpu.memory_space<vmem_shared>>
      %dma_wait3A_131 = arith.constant 0 : i32
      %dma_wait3A_132 = tpu.memref_slice %arg8[%mul3A_0, %dma_wait3A_131] : memref<10112x128xf32, #tpu.memory_space<hbm>> -> memref<632x128xf32, #tpu.memory_space<hbm>>
      tpu.wait_dma2 semaphore(%run_scoped3A : memref<!tpu.dma_semaphore, #tpu.memory_space<semaphore_mem>>) src(%dma_wait3A_132 : memref<632x128xf32, #tpu.memory_space<hbm>>) dst(%dma_wait3A_130 : memref<632x128xf32, #tpu.memory_space<vmem_shared>>)
      tpu.yield
    }) : () -> ()
    "tpu.region"() ({
      %run_scoped3A = tpu.sem_alloc : memref<!tpu.dma_semaphore, #tpu.memory_space<semaphore_mem>>
      tpu.enqueue_dma source(%arg9 : memref<80x128xf32, #tpu.memory_space<hbm>>) target(%arg16 : memref<80x128xf32, #tpu.memory_space<vmem>>) target_semaphore(%run_scoped3A : memref<!tpu.dma_semaphore, #tpu.memory_space<semaphore_mem>>)
      tpu.wait_dma2 semaphore(%run_scoped3A : memref<!tpu.dma_semaphore, #tpu.memory_space<semaphore_mem>>) src(%arg9 : memref<80x128xf32, #tpu.memory_space<hbm>>) dst(%arg16 : memref<80x128xf32, #tpu.memory_space<vmem>>)
      tpu.yield
    }) : () -> ()
    %eq3A_96 = arith.constant 0 : i32
    %eq3A_97 = arith.cmpi eq, %arg0, %eq3A_96 : i32
    %convert_element_type3A_98 = arith.extui %eq3A_97 : i1 to i32
    %cond3A_99 = arith.constant 0 : i32
    %cond3A_100 = arith.cmpi ne, %convert_element_type3A_98, %cond3A_99 : i32
    scf.if %cond3A_100 {
      %mul3A_125 = arith.constant 10000 : i32
      %mul3A_126 = arith.muli %arg1, %mul3A_125 : i32
      "tpu.region"() ({
        %run_scoped3A = tpu.sem_alloc : memref<!tpu.dma_semaphore, #tpu.memory_space<semaphore_mem>>
        %dma_start3A_127 = tpu.memref_slice %arg7[%mul3A_126] : memref<160000xi32, #tpu.memory_space<hbm>> -> memref<10000xi32, #tpu.memory_space<hbm>>
        %dma_start3A_128 = tpu.memref_slice %arg7[%mul3A_126] : memref<160000xi32, #tpu.memory_space<hbm>> -> memref<10000xi32, #tpu.memory_space<hbm>>
        tpu.enqueue_dma source(%dma_start3A_128 : memref<10000xi32, #tpu.memory_space<hbm>>) target(%arg15 : memref<10000xi32, #tpu.memory_space<vmem>>) target_semaphore(%run_scoped3A : memref<!tpu.dma_semaphore, #tpu.memory_space<semaphore_mem>>)
        %dma_wait3A_129 = tpu.memref_slice %arg7[%mul3A_126] : memref<160000xi32, #tpu.memory_space<hbm>> -> memref<10000xi32, #tpu.memory_space<hbm>>
        %dma_wait3A_130 = tpu.memref_slice %arg7[%mul3A_126] : memref<160000xi32, #tpu.memory_space<hbm>> -> memref<10000xi32, #tpu.memory_space<hbm>>
        tpu.wait_dma2 semaphore(%run_scoped3A : memref<!tpu.dma_semaphore, #tpu.memory_space<semaphore_mem>>) src(%dma_wait3A_130 : memref<10000xi32, #tpu.memory_space<hbm>>) dst(%arg15 : memref<10000xi32, #tpu.memory_space<vmem>>)
        tpu.yield
      }) : () -> ()
    } else {
    }
    %eq3A_101 = arith.constant 1 : i32
    %eq3A_102 = arith.cmpi eq, %arg0, %eq3A_101 : i32
    %convert_element_type3A_103 = arith.extui %eq3A_102 : i1 to i32
    %cond3A_104 = arith.constant 0 : i32
    %cond3A_105 = arith.cmpi ne, %convert_element_type3A_103, %cond3A_104 : i32
    scf.if %cond3A_105 {
      %mul3A_125 = arith.constant 10000 : i32
      %mul3A_126 = arith.muli %arg1, %mul3A_125 : i32
      "tpu.region"() ({
        %run_scoped3A = tpu.sem_alloc : memref<!tpu.dma_semaphore, #tpu.memory_space<semaphore_mem>>
        %dma_start3A_127 = tpu.memref_slice %arg6[%mul3A_126] : memref<160000xi32, #tpu.memory_space<hbm>> -> memref<10000xi32, #tpu.memory_space<hbm>>
        %dma_start3A_128 = tpu.memref_slice %arg6[%mul3A_126] : memref<160000xi32, #tpu.memory_space<hbm>> -> memref<10000xi32, #tpu.memory_space<hbm>>
        tpu.enqueue_dma source(%dma_start3A_128 : memref<10000xi32, #tpu.memory_space<hbm>>) target(%arg15 : memref<10000xi32, #tpu.memory_space<vmem>>) target_semaphore(%run_scoped3A : memref<!tpu.dma_semaphore, #tpu.memory_space<semaphore_mem>>)
        %dma_wait3A_129 = tpu.memref_slice %arg6[%mul3A_126] : memref<160000xi32, #tpu.memory_space<hbm>> -> memref<10000xi32, #tpu.memory_space<hbm>>
        %dma_wait3A_130 = tpu.memref_slice %arg6[%mul3A_126] : memref<160000xi32, #tpu.memory_space<hbm>> -> memref<10000xi32, #tpu.memory_space<hbm>>
        tpu.wait_dma2 semaphore(%run_scoped3A : memref<!tpu.dma_semaphore, #tpu.memory_space<semaphore_mem>>) src(%dma_wait3A_130 : memref<10000xi32, #tpu.memory_space<hbm>>) dst(%arg15 : memref<10000xi32, #tpu.memory_space<vmem>>)
        tpu.yield
      }) : () -> ()
    } else {
    }
    %barrier3A_106 = arith.constant 0 : index
    tpu.barrier barrier_id(%barrier3A_106)
    %scan3A_107 = arith.constant 0 : i32
    %scan3A_108 = arith.constant 0 : i32
    %scan3A_109 = arith.constant 125 : i32
    %scan3A_110 = arith.addi %scan3A_108, %scan3A_109 : i32
    %scan3A_111 = arith.constant 1 : i32
    scf.for %scan3A_125 = %scan3A_108 to %scan3A_110 step %scan3A_111  : i32 {
      %ge3A = arith.constant 2 : i32
      %ge3A_126 = arith.cmpi sge, %scan3A_125, %ge3A : i32
      %convert_element_type3A_127 = arith.extui %ge3A_126 : i1 to i32
      %cond3A_128 = arith.constant 0 : i32
      %cond3A_129 = arith.cmpi ne, %convert_element_type3A_127, %cond3A_128 : i32
      scf.if %cond3A_129 {
        %dma_wait3A_136 = arith.constant 0 : i32
        %dma_wait3A_137 = tpu.memref_slice %arg15[%dma_wait3A_136] : memref<10000xi32, #tpu.memory_space<vmem>> -> memref<80xi32, #tpu.memory_space<vmem>>
        %dma_wait3A_138 = arith.constant 0 : i32
        %dma_wait3A_139 = arith.constant 0 : i32
        %dma_wait3A_140 = tpu.memref_slice %arg13[%dma_wait3A_138, %dma_wait3A_139] : memref<10112x128xf32, #tpu.memory_space<vmem_shared>> -> memref<10112x128xf32, #tpu.memory_space<vmem_shared>>
        tpu.wait_indirect_dma semaphore(%arg20 : memref<!tpu.dma_semaphore, #tpu.memory_space<semaphore_mem>>) src(%arg16 : memref<80x128xf32, #tpu.memory_space<vmem>>) dst(%dma_wait3A_140 : memref<10112x128xf32, #tpu.memory_space<vmem_shared>>)
      } else {
      }
      %mul3A_130 = arith.constant 80 : i32
      %mul3A_131 = arith.muli %scan3A_125, %mul3A_130 : i32
      %dma_start3A_132 = tpu.memref_slice %arg15[%mul3A_131] : memref<10000xi32, #tpu.memory_space<vmem>> -> memref<80xi32, #tpu.memory_space<vmem>>
      %dma_start3A_133 = arith.constant 0 : i32
      %dma_start3A_134 = arith.constant 0 : i32
      %dma_start3A_135 = tpu.memref_slice %arg13[%dma_start3A_133, %dma_start3A_134] : memref<10112x128xf32, #tpu.memory_space<vmem_shared>> -> memref<10112x128xf32, #tpu.memory_space<vmem_shared>>
      tpu.enqueue_indirect_dma source(%arg16 : memref<80x128xf32, #tpu.memory_space<vmem>>) target(%dma_start3A_135 : memref<10112x128xf32, #tpu.memory_space<vmem_shared>>) offsets(%dma_start3A_132 : memref<80xi32, #tpu.memory_space<vmem>>) semaphore(%arg20 : memref<!tpu.dma_semaphore, #tpu.memory_space<semaphore_mem>>) {add = true}
    }
    %scan3A_112 = arith.constant 125 : i32
    %dma_wait3A_113 = arith.constant 0 : i32
    %dma_wait3A_114 = tpu.memref_slice %arg15[%dma_wait3A_113] : memref<10000xi32, #tpu.memory_space<vmem>> -> memref<80xi32, #tpu.memory_space<vmem>>
    %dma_wait3A_115 = arith.constant 0 : i32
    %dma_wait3A_116 = arith.constant 0 : i32
    %dma_wait3A_117 = tpu.memref_slice %arg13[%dma_wait3A_115, %dma_wait3A_116] : memref<10112x128xf32, #tpu.memory_space<vmem_shared>> -> memref<10112x128xf32, #tpu.memory_space<vmem_shared>>
    tpu.wait_indirect_dma semaphore(%arg20 : memref<!tpu.dma_semaphore, #tpu.memory_space<semaphore_mem>>) src(%arg16 : memref<80x128xf32, #tpu.memory_space<vmem>>) dst(%dma_wait3A_117 : memref<10112x128xf32, #tpu.memory_space<vmem_shared>>)
    %dma_wait3A_118 = arith.constant 0 : i32
    %dma_wait3A_119 = tpu.memref_slice %arg15[%dma_wait3A_118] : memref<10000xi32, #tpu.memory_space<vmem>> -> memref<80xi32, #tpu.memory_space<vmem>>
    %dma_wait3A_120 = arith.constant 0 : i32
    %dma_wait3A_121 = arith.constant 0 : i32
    %dma_wait3A_122 = tpu.memref_slice %arg13[%dma_wait3A_120, %dma_wait3A_121] : memref<10112x128xf32, #tpu.memory_space<vmem_shared>> -> memref<10112x128xf32, #tpu.memory_space<vmem_shared>>
    tpu.wait_indirect_dma semaphore(%arg20 : memref<!tpu.dma_semaphore, #tpu.memory_space<semaphore_mem>>) src(%arg16 : memref<80x128xf32, #tpu.memory_space<vmem>>) dst(%dma_wait3A_122 : memref<10112x128xf32, #tpu.memory_space<vmem_shared>>)
    %barrier3A_123 = arith.constant 0 : index
    tpu.barrier barrier_id(%barrier3A_123)
    "tpu.region"() ({
      %run_scoped3A = tpu.sem_alloc : memref<!tpu.dma_semaphore, #tpu.memory_space<semaphore_mem>>
      %dma_start3A_125 = arith.constant 0 : i32
      %dma_start3A_126 = tpu.memref_slice %arg12[%arg0, %mul3A_0, %dma_start3A_125] : memref<2x10112x128xf32, #tpu.memory_space<hbm>> -> memref<1x632x128xf32, #tpu.memory_space<hbm>>
      %dma_start3A_127 = tpu.memref_squeeze %dma_start3A_126 : memref<1x632x128xf32, #tpu.memory_space<hbm>> -> memref<632x128xf32, #tpu.memory_space<hbm>>
      %dma_start3A_128 = arith.constant 0 : i32
      %dma_start3A_129 = tpu.memref_slice %arg13[%mul3A_0, %dma_start3A_128] : memref<10112x128xf32, #tpu.memory_space<vmem_shared>> -> memref<632x128xf32, #tpu.memory_space<vmem_shared>>
      tpu.enqueue_dma source(%dma_start3A_129 : memref<632x128xf32, #tpu.memory_space<vmem_shared>>) target(%dma_start3A_127 : memref<632x128xf32, #tpu.memory_space<hbm>>) target_semaphore(%run_scoped3A : memref<!tpu.dma_semaphore, #tpu.memory_space<semaphore_mem>>)
      %dma_wait3A_130 = arith.constant 0 : i32
      %dma_wait3A_131 = tpu.memref_slice %arg12[%arg0, %mul3A_0, %dma_wait3A_130] : memref<2x10112x128xf32, #tpu.memory_space<hbm>> -> memref<1x632x128xf32, #tpu.memory_space<hbm>>
      %dma_wait3A_132 = tpu.memref_squeeze %dma_wait3A_131 : memref<1x632x128xf32, #tpu.memory_space<hbm>> -> memref<632x128xf32, #tpu.memory_space<hbm>>
      %dma_wait3A_133 = arith.constant 0 : i32
      %dma_wait3A_134 = tpu.memref_slice %arg13[%mul3A_0, %dma_wait3A_133] : memref<10112x128xf32, #tpu.memory_space<vmem_shared>> -> memref<632x128xf32, #tpu.memory_space<vmem_shared>>
      tpu.wait_dma2 semaphore(%run_scoped3A : memref<!tpu.dma_semaphore, #tpu.memory_space<semaphore_mem>>) src(%dma_wait3A_134 : memref<632x128xf32, #tpu.memory_space<vmem_shared>>) dst(%dma_wait3A_132 : memref<632x128xf32, #tpu.memory_space<hbm>>)
      tpu.yield
    }) : () -> ()
    %barrier3A_124 = arith.constant 0 : index
    tpu.barrier barrier_id(%barrier3A_124)
    return
  }
}

#map = affine_map<(d0, d1) -> (0, 0)>
#map1 = affine_map<(d0, d1) -> (0)>
module attributes {stable_mosaic.version = 14 : i64} {
  func.func @_k3_body(%arg0: i32, %arg1: i32, %arg2: memref<10000x128xi32, #tpu.memory_space<hbm>>, %arg3: memref<10000x128xi32, #tpu.memory_space<hbm>>, %arg4: memref<10000x128xi32, #tpu.memory_space<hbm>>, %arg5: memref<10000x128xi32, #tpu.memory_space<hbm>>, %arg6: memref<160000xi32, #tpu.memory_space<hbm>>, %arg7: memref<160000xi32, #tpu.memory_space<hbm>>, %arg8: memref<10000xf32, #tpu.memory_space<hbm>>, %arg9: memref<160000x128xi32, #tpu.memory_space<hbm>>, %arg10: memref<160000x128xi32, #tpu.memory_space<hbm>>, %arg11: memref<160000x128xi32, #tpu.memory_space<hbm>>, %arg12: memref<160000x128xi32, #tpu.memory_space<hbm>>, %arg13: memref<160000xf32, #tpu.memory_space<hbm>>, %arg14: memref<5000xi32, #tpu.memory_space<vmem>>, %arg15: memref<5000xi32, #tpu.memory_space<vmem>>, %arg16: memref<40x128xi32, #tpu.memory_space<vmem>>, %arg17: memref<40x128xi32, #tpu.memory_space<vmem>>, %arg18: memref<40x128xi32, #tpu.memory_space<vmem>>, %arg19: memref<40x128xi32, #tpu.memory_space<vmem>>, %arg20: memref<40xf32, #tpu.memory_space<vmem>>, %arg21: memref<40x128xi32, #tpu.memory_space<vmem>>, %arg22: memref<40x128xi32, #tpu.memory_space<vmem>>, %arg23: memref<40x128xi32, #tpu.memory_space<vmem>>, %arg24: memref<40x128xi32, #tpu.memory_space<vmem>>, %arg25: memref<40xf32, #tpu.memory_space<vmem>>, %arg26: memref<!tpu.dma_semaphore, #tpu.memory_space<semaphore_mem>>, %arg27: memref<!tpu.dma_semaphore, #tpu.memory_space<semaphore_mem>>, %arg28: memref<!tpu.dma_semaphore, #tpu.memory_space<semaphore_mem>>, %arg29: memref<!tpu.dma_semaphore, #tpu.memory_space<semaphore_mem>>) attributes {dimension_semantics = [#tpu.dimension_semantics<core_parallel>, #tpu.dimension_semantics<subcore_parallel>], iteration_bounds = array<i64: 2, 16>, scalar_prefetch = 0 : i64, scratch_operands = 16 : i64, tpu.core_type = #tpu.core_type<sc_vector_subcore>, window_params = [{transform_indices = #map}, {transform_indices = #map}, {transform_indices = #map}, {transform_indices = #map}, {transform_indices = #map1}, {transform_indices = #map1}, {transform_indices = #map1}, {transform_indices = #map}, {transform_indices = #map}, {transform_indices = #map}, {transform_indices = #map}, {transform_indices = #map1}]} {
    %mul3A = arith.constant 2 : i32
    %mul3A_0 = arith.muli %arg1, %mul3A : i32
    %add3A = arith.addi %mul3A_0, %arg0 : i32
    %mul3A_1 = arith.constant 5000 : i32
    %mul3A_2 = arith.muli %add3A, %mul3A_1 : i32
    "tpu.region"() ({
      %run_scoped3A = tpu.sem_alloc : memref<!tpu.dma_semaphore, #tpu.memory_space<semaphore_mem>>
      %dma_start3A_110 = tpu.memref_slice %arg6[%mul3A_2] : memref<160000xi32, #tpu.memory_space<hbm>> -> memref<5000xi32, #tpu.memory_space<hbm>>
      %dma_start3A_111 = tpu.memref_slice %arg6[%mul3A_2] : memref<160000xi32, #tpu.memory_space<hbm>> -> memref<5000xi32, #tpu.memory_space<hbm>>
      tpu.enqueue_dma source(%dma_start3A_111 : memref<5000xi32, #tpu.memory_space<hbm>>) target(%arg14 : memref<5000xi32, #tpu.memory_space<vmem>>) target_semaphore(%run_scoped3A : memref<!tpu.dma_semaphore, #tpu.memory_space<semaphore_mem>>)
      %dma_wait3A_112 = tpu.memref_slice %arg6[%mul3A_2] : memref<160000xi32, #tpu.memory_space<hbm>> -> memref<5000xi32, #tpu.memory_space<hbm>>
      %dma_wait3A_113 = tpu.memref_slice %arg6[%mul3A_2] : memref<160000xi32, #tpu.memory_space<hbm>> -> memref<5000xi32, #tpu.memory_space<hbm>>
      tpu.wait_dma2 semaphore(%run_scoped3A : memref<!tpu.dma_semaphore, #tpu.memory_space<semaphore_mem>>) src(%dma_wait3A_113 : memref<5000xi32, #tpu.memory_space<hbm>>) dst(%arg14 : memref<5000xi32, #tpu.memory_space<vmem>>)
      tpu.yield
    }) : () -> ()
    "tpu.region"() ({
      %run_scoped3A = tpu.sem_alloc : memref<!tpu.dma_semaphore, #tpu.memory_space<semaphore_mem>>
      %dma_start3A_110 = tpu.memref_slice %arg7[%mul3A_2] : memref<160000xi32, #tpu.memory_space<hbm>> -> memref<5000xi32, #tpu.memory_space<hbm>>
      %dma_start3A_111 = tpu.memref_slice %arg7[%mul3A_2] : memref<160000xi32, #tpu.memory_space<hbm>> -> memref<5000xi32, #tpu.memory_space<hbm>>
      tpu.enqueue_dma source(%dma_start3A_111 : memref<5000xi32, #tpu.memory_space<hbm>>) target(%arg15 : memref<5000xi32, #tpu.memory_space<vmem>>) target_semaphore(%run_scoped3A : memref<!tpu.dma_semaphore, #tpu.memory_space<semaphore_mem>>)
      %dma_wait3A_112 = tpu.memref_slice %arg7[%mul3A_2] : memref<160000xi32, #tpu.memory_space<hbm>> -> memref<5000xi32, #tpu.memory_space<hbm>>
      %dma_wait3A_113 = tpu.memref_slice %arg7[%mul3A_2] : memref<160000xi32, #tpu.memory_space<hbm>> -> memref<5000xi32, #tpu.memory_space<hbm>>
      tpu.wait_dma2 semaphore(%run_scoped3A : memref<!tpu.dma_semaphore, #tpu.memory_space<semaphore_mem>>) src(%dma_wait3A_113 : memref<5000xi32, #tpu.memory_space<hbm>>) dst(%arg15 : memref<5000xi32, #tpu.memory_space<vmem>>)
      tpu.yield
    }) : () -> ()
    %dma_start3A = arith.constant 0 : i32
    %dma_start3A_3 = tpu.memref_slice %arg14[%dma_start3A] : memref<5000xi32, #tpu.memory_space<vmem>> -> memref<40xi32, #tpu.memory_space<vmem>>
    %dma_start3A_4 = arith.constant 0 : i32
    %dma_start3A_5 = arith.constant 0 : i32
    %dma_start3A_6 = tpu.memref_slice %arg2[%dma_start3A_4, %dma_start3A_5] : memref<10000x128xi32, #tpu.memory_space<hbm>> -> memref<10000x128xi32, #tpu.memory_space<hbm>>
    tpu.enqueue_indirect_dma source(%dma_start3A_6 : memref<10000x128xi32, #tpu.memory_space<hbm>>) target(%arg16 : memref<40x128xi32, #tpu.memory_space<vmem>>) offsets(%dma_start3A_3 : memref<40xi32, #tpu.memory_space<vmem>>) semaphore(%arg26 : memref<!tpu.dma_semaphore, #tpu.memory_space<semaphore_mem>>)
    %dma_start3A_7 = arith.constant 0 : i32
    %dma_start3A_8 = tpu.memref_slice %arg14[%dma_start3A_7] : memref<5000xi32, #tpu.memory_space<vmem>> -> memref<40xi32, #tpu.memory_space<vmem>>
    %dma_start3A_9 = arith.constant 0 : i32
    %dma_start3A_10 = arith.constant 0 : i32
    %dma_start3A_11 = tpu.memref_slice %arg3[%dma_start3A_9, %dma_start3A_10] : memref<10000x128xi32, #tpu.memory_space<hbm>> -> memref<10000x128xi32, #tpu.memory_space<hbm>>
    tpu.enqueue_indirect_dma source(%dma_start3A_11 : memref<10000x128xi32, #tpu.memory_space<hbm>>) target(%arg17 : memref<40x128xi32, #tpu.memory_space<vmem>>) offsets(%dma_start3A_8 : memref<40xi32, #tpu.memory_space<vmem>>) semaphore(%arg26 : memref<!tpu.dma_semaphore, #tpu.memory_space<semaphore_mem>>)
    %dma_start3A_12 = arith.constant 0 : i32
    %dma_start3A_13 = tpu.memref_slice %arg15[%dma_start3A_12] : memref<5000xi32, #tpu.memory_space<vmem>> -> memref<40xi32, #tpu.memory_space<vmem>>
    %dma_start3A_14 = arith.constant 0 : i32
    %dma_start3A_15 = arith.constant 0 : i32
    %dma_start3A_16 = tpu.memref_slice %arg4[%dma_start3A_14, %dma_start3A_15] : memref<10000x128xi32, #tpu.memory_space<hbm>> -> memref<10000x128xi32, #tpu.memory_space<hbm>>
    tpu.enqueue_indirect_dma source(%dma_start3A_16 : memref<10000x128xi32, #tpu.memory_space<hbm>>) target(%arg18 : memref<40x128xi32, #tpu.memory_space<vmem>>) offsets(%dma_start3A_13 : memref<40xi32, #tpu.memory_space<vmem>>) semaphore(%arg26 : memref<!tpu.dma_semaphore, #tpu.memory_space<semaphore_mem>>)
    %dma_start3A_17 = arith.constant 0 : i32
    %dma_start3A_18 = tpu.memref_slice %arg15[%dma_start3A_17] : memref<5000xi32, #tpu.memory_space<vmem>> -> memref<40xi32, #tpu.memory_space<vmem>>
    %dma_start3A_19 = arith.constant 0 : i32
    %dma_start3A_20 = arith.constant 0 : i32
    %dma_start3A_21 = tpu.memref_slice %arg5[%dma_start3A_19, %dma_start3A_20] : memref<10000x128xi32, #tpu.memory_space<hbm>> -> memref<10000x128xi32, #tpu.memory_space<hbm>>
    tpu.enqueue_indirect_dma source(%dma_start3A_21 : memref<10000x128xi32, #tpu.memory_space<hbm>>) target(%arg19 : memref<40x128xi32, #tpu.memory_space<vmem>>) offsets(%dma_start3A_18 : memref<40xi32, #tpu.memory_space<vmem>>) semaphore(%arg26 : memref<!tpu.dma_semaphore, #tpu.memory_space<semaphore_mem>>)
    %dma_start3A_22 = arith.constant 0 : i32
    %dma_start3A_23 = tpu.memref_slice %arg15[%dma_start3A_22] : memref<5000xi32, #tpu.memory_space<vmem>> -> memref<40xi32, #tpu.memory_space<vmem>>
    %dma_start3A_24 = arith.constant 0 : i32
    %dma_start3A_25 = tpu.memref_slice %arg8[%dma_start3A_24] : memref<10000xf32, #tpu.memory_space<hbm>> -> memref<10000xf32, #tpu.memory_space<hbm>>
    tpu.enqueue_indirect_dma source(%dma_start3A_25 : memref<10000xf32, #tpu.memory_space<hbm>>) target(%arg20 : memref<40xf32, #tpu.memory_space<vmem>>) offsets(%dma_start3A_23 : memref<40xi32, #tpu.memory_space<vmem>>) semaphore(%arg26 : memref<!tpu.dma_semaphore, #tpu.memory_space<semaphore_mem>>)
    %scan3A = arith.constant 0 : i32
    %scan3A_26 = arith.constant 0 : i32
    %scan3A_27 = arith.constant 62 : i32
    %scan3A_28 = arith.addi %scan3A_26, %scan3A_27 : i32
    %scan3A_29 = arith.constant 1 : i32
    scf.for %scan3A_110 = %scan3A_26 to %scan3A_28 step %scan3A_29  : i32 {
      %mul3A_111 = arith.constant 2 : i32
      %mul3A_112 = arith.muli %mul3A_111, %scan3A_110 : i32
      %add3A_113 = arith.constant 1 : i32
      %add3A_114 = arith.addi %mul3A_112, %add3A_113 : i32
      %lt3A = arith.constant 125 : i32
      %lt3A_115 = arith.cmpi slt, %add3A_114, %lt3A : i32
      %convert_element_type3A = arith.extui %lt3A_115 : i1 to i32
      %cond3A = arith.constant 0 : i32
      %cond3A_116 = arith.cmpi ne, %convert_element_type3A, %cond3A : i32
      scf.if %cond3A_116 {
        %ge3A = arith.constant 1 : i32
        %ge3A_218 = arith.cmpi sge, %mul3A_112, %ge3A : i32
        %convert_element_type3A_219 = arith.extui %ge3A_218 : i1 to i32
        %cond3A_220 = arith.constant 0 : i32
        %cond3A_221 = arith.cmpi ne, %convert_element_type3A_219, %cond3A_220 : i32
        scf.if %cond3A_221 {
          %dma_wait3A_247 = arith.constant 0 : i32
          %dma_wait3A_248 = tpu.memref_slice %arg9[%mul3A_2, %dma_wait3A_247] : memref<160000x128xi32, #tpu.memory_space<hbm>> -> memref<40x128xi32, #tpu.memory_space<hbm>>
          %dma_wait3A_249 = arith.constant 0 : i32
          %dma_wait3A_250 = tpu.memref_slice %arg9[%mul3A_2, %dma_wait3A_249] : memref<160000x128xi32, #tpu.memory_space<hbm>> -> memref<40x128xi32, #tpu.memory_space<hbm>>
          tpu.wait_dma2 semaphore(%arg29 : memref<!tpu.dma_semaphore, #tpu.memory_space<semaphore_mem>>) src(%arg21 : memref<40x128xi32, #tpu.memory_space<vmem>>) dst(%dma_wait3A_250 : memref<40x128xi32, #tpu.memory_space<hbm>>)
          %dma_wait3A_251 = arith.constant 0 : i32
          %dma_wait3A_252 = tpu.memref_slice %arg10[%mul3A_2, %dma_wait3A_251] : memref<160000x128xi32, #tpu.memory_space<hbm>> -> memref<40x128xi32, #tpu.memory_space<hbm>>
          %dma_wait3A_253 = arith.constant 0 : i32
          %dma_wait3A_254 = tpu.memref_slice %arg10[%mul3A_2, %dma_wait3A_253] : memref<160000x128xi32, #tpu.memory_space<hbm>> -> memref<40x128xi32, #tpu.memory_space<hbm>>
          tpu.wait_dma2 semaphore(%arg29 : memref<!tpu.dma_semaphore, #tpu.memory_space<semaphore_mem>>) src(%arg22 : memref<40x128xi32, #tpu.memory_space<vmem>>) dst(%dma_wait3A_254 : memref<40x128xi32, #tpu.memory_space<hbm>>)
          %dma_wait3A_255 = arith.constant 0 : i32
          %dma_wait3A_256 = tpu.memref_slice %arg11[%mul3A_2, %dma_wait3A_255] : memref<160000x128xi32, #tpu.memory_space<hbm>> -> memref<40x128xi32, #tpu.memory_space<hbm>>
          %dma_wait3A_257 = arith.constant 0 : i32
          %dma_wait3A_258 = tpu.memref_slice %arg11[%mul3A_2, %dma_wait3A_257] : memref<160000x128xi32, #tpu.memory_space<hbm>> -> memref<40x128xi32, #tpu.memory_space<hbm>>
          tpu.wait_dma2 semaphore(%arg29 : memref<!tpu.dma_semaphore, #tpu.memory_space<semaphore_mem>>) src(%arg23 : memref<40x128xi32, #tpu.memory_space<vmem>>) dst(%dma_wait3A_258 : memref<40x128xi32, #tpu.memory_space<hbm>>)
          %dma_wait3A_259 = arith.constant 0 : i32
          %dma_wait3A_260 = tpu.memref_slice %arg12[%mul3A_2, %dma_wait3A_259] : memref<160000x128xi32, #tpu.memory_space<hbm>> -> memref<40x128xi32, #tpu.memory_space<hbm>>
          %dma_wait3A_261 = arith.constant 0 : i32
          %dma_wait3A_262 = tpu.memref_slice %arg12[%mul3A_2, %dma_wait3A_261] : memref<160000x128xi32, #tpu.memory_space<hbm>> -> memref<40x128xi32, #tpu.memory_space<hbm>>
          tpu.wait_dma2 semaphore(%arg29 : memref<!tpu.dma_semaphore, #tpu.memory_space<semaphore_mem>>) src(%arg24 : memref<40x128xi32, #tpu.memory_space<vmem>>) dst(%dma_wait3A_262 : memref<40x128xi32, #tpu.memory_space<hbm>>)
          %dma_wait3A_263 = tpu.memref_slice %arg13[%mul3A_2] : memref<160000xf32, #tpu.memory_space<hbm>> -> memref<40xf32, #tpu.memory_space<hbm>>
          %dma_wait3A_264 = tpu.memref_slice %arg13[%mul3A_2] : memref<160000xf32, #tpu.memory_space<hbm>> -> memref<40xf32, #tpu.memory_space<hbm>>
          tpu.wait_dma2 semaphore(%arg29 : memref<!tpu.dma_semaphore, #tpu.memory_space<semaphore_mem>>) src(%arg25 : memref<40xf32, #tpu.memory_space<vmem>>) dst(%dma_wait3A_264 : memref<40xf32, #tpu.memory_space<hbm>>)
        } else {
        }
        %add3A_222 = arith.constant 1 : i32
        %add3A_223 = arith.addi %mul3A_112, %add3A_222 : i32
        %mul3A_224 = arith.constant 40 : i32
        %mul3A_225 = arith.muli %add3A_223, %mul3A_224 : i32
        %mul3A_226 = arith.constant 40 : i32
        %mul3A_227 = arith.muli %add3A_223, %mul3A_226 : i32
        %dma_start3A_228 = tpu.memref_slice %arg14[%mul3A_225] : memref<5000xi32, #tpu.memory_space<vmem>> -> memref<40xi32, #tpu.memory_space<vmem>>
        %dma_start3A_229 = arith.constant 0 : i32
        %dma_start3A_230 = arith.constant 0 : i32
        %dma_start3A_231 = tpu.memref_slice %arg2[%dma_start3A_229, %dma_start3A_230] : memref<10000x128xi32, #tpu.memory_space<hbm>> -> memref<10000x128xi32, #tpu.memory_space<hbm>>
        tpu.enqueue_indirect_dma source(%dma_start3A_231 : memref<10000x128xi32, #tpu.memory_space<hbm>>) target(%arg21 : memref<40x128xi32, #tpu.memory_space<vmem>>) offsets(%dma_start3A_228 : memref<40xi32, #tpu.memory_space<vmem>>) semaphore(%arg27 : memref<!tpu.dma_semaphore, #tpu.memory_space<semaphore_mem>>)
        %dma_start3A_232 = tpu.memref_slice %arg14[%mul3A_225] : memref<5000xi32, #tpu.memory_space<vmem>> -> memref<40xi32, #tpu.memory_space<vmem>>
        %dma_start3A_233 = arith.constant 0 : i32
        %dma_start3A_234 = arith.constant 0 : i32
        %dma_start3A_235 = tpu.memref_slice %arg3[%dma_start3A_233, %dma_start3A_234] : memref<10000x128xi32, #tpu.memory_space<hbm>> -> memref<10000x128xi32, #tpu.memory_space<hbm>>
        tpu.enqueue_indirect_dma source(%dma_start3A_235 : memref<10000x128xi32, #tpu.memory_space<hbm>>) target(%arg22 : memref<40x128xi32, #tpu.memory_space<vmem>>) offsets(%dma_start3A_232 : memref<40xi32, #tpu.memory_space<vmem>>) semaphore(%arg27 : memref<!tpu.dma_semaphore, #tpu.memory_space<semaphore_mem>>)
        %dma_start3A_236 = tpu.memref_slice %arg15[%mul3A_227] : memref<5000xi32, #tpu.memory_space<vmem>> -> memref<40xi32, #tpu.memory_space<vmem>>
        %dma_start3A_237 = arith.constant 0 : i32
        %dma_start3A_238 = arith.constant 0 : i32
        %dma_start3A_239 = tpu.memref_slice %arg4[%dma_start3A_237, %dma_start3A_238] : memref<10000x128xi32, #tpu.memory_space<hbm>> -> memref<10000x128xi32, #tpu.memory_space<hbm>>
        tpu.enqueue_indirect_dma source(%dma_start3A_239 : memref<10000x128xi32, #tpu.memory_space<hbm>>) target(%arg23 : memref<40x128xi32, #tpu.memory_space<vmem>>) offsets(%dma_start3A_236 : memref<40xi32, #tpu.memory_space<vmem>>) semaphore(%arg27 : memref<!tpu.dma_semaphore, #tpu.memory_space<semaphore_mem>>)
        %dma_start3A_240 = tpu.memref_slice %arg15[%mul3A_227] : memref<5000xi32, #tpu.memory_space<vmem>> -> memref<40xi32, #tpu.memory_space<vmem>>
        %dma_start3A_241 = arith.constant 0 : i32
        %dma_start3A_242 = arith.constant 0 : i32
        %dma_start3A_243 = tpu.memref_slice %arg5[%dma_start3A_241, %dma_start3A_242] : memref<10000x128xi32, #tpu.memory_space<hbm>> -> memref<10000x128xi32, #tpu.memory_space<hbm>>
        tpu.enqueue_indirect_dma source(%dma_start3A_243 : memref<10000x128xi32, #tpu.memory_space<hbm>>) target(%arg24 : memref<40x128xi32, #tpu.memory_space<vmem>>) offsets(%dma_start3A_240 : memref<40xi32, #tpu.memory_space<vmem>>) semaphore(%arg27 : memref<!tpu.dma_semaphore, #tpu.memory_space<semaphore_mem>>)
        %dma_start3A_244 = tpu.memref_slice %arg15[%mul3A_227] : memref<5000xi32, #tpu.memory_space<vmem>> -> memref<40xi32, #tpu.memory_space<vmem>>
        %dma_start3A_245 = arith.constant 0 : i32
        %dma_start3A_246 = tpu.memref_slice %arg8[%dma_start3A_245] : memref<10000xf32, #tpu.memory_space<hbm>> -> memref<10000xf32, #tpu.memory_space<hbm>>
        tpu.enqueue_indirect_dma source(%dma_start3A_246 : memref<10000xf32, #tpu.memory_space<hbm>>) target(%arg25 : memref<40xf32, #tpu.memory_space<vmem>>) offsets(%dma_start3A_244 : memref<40xi32, #tpu.memory_space<vmem>>) semaphore(%arg27 : memref<!tpu.dma_semaphore, #tpu.memory_space<semaphore_mem>>)
      } else {
      }
      %dma_wait3A_117 = arith.constant 0 : i32
      %dma_wait3A_118 = tpu.memref_slice %arg14[%dma_wait3A_117] : memref<5000xi32, #tpu.memory_space<vmem>> -> memref<40xi32, #tpu.memory_space<vmem>>
      %dma_wait3A_119 = arith.constant 0 : i32
      %dma_wait3A_120 = arith.constant 0 : i32
      %dma_wait3A_121 = tpu.memref_slice %arg2[%dma_wait3A_119, %dma_wait3A_120] : memref<10000x128xi32, #tpu.memory_space<hbm>> -> memref<10000x128xi32, #tpu.memory_space<hbm>>
      tpu.wait_indirect_dma semaphore(%arg26 : memref<!tpu.dma_semaphore, #tpu.memory_space<semaphore_mem>>) src(%dma_wait3A_121 : memref<10000x128xi32, #tpu.memory_space<hbm>>) dst(%arg16 : memref<40x128xi32, #tpu.memory_space<vmem>>)
      %dma_wait3A_122 = arith.constant 0 : i32
      %dma_wait3A_123 = tpu.memref_slice %arg14[%dma_wait3A_122] : memref<5000xi32, #tpu.memory_space<vmem>> -> memref<40xi32, #tpu.memory_space<vmem>>
      %dma_wait3A_124 = arith.constant 0 : i32
      %dma_wait3A_125 = arith.constant 0 : i32
      %dma_wait3A_126 = tpu.memref_slice %arg3[%dma_wait3A_124, %dma_wait3A_125] : memref<10000x128xi32, #tpu.memory_space<hbm>> -> memref<10000x128xi32, #tpu.memory_space<hbm>>
      tpu.wait_indirect_dma semaphore(%arg26 : memref<!tpu.dma_semaphore, #tpu.memory_space<semaphore_mem>>) src(%dma_wait3A_126 : memref<10000x128xi32, #tpu.memory_space<hbm>>) dst(%arg17 : memref<40x128xi32, #tpu.memory_space<vmem>>)
      %dma_wait3A_127 = arith.constant 0 : i32
      %dma_wait3A_128 = tpu.memref_slice %arg14[%dma_wait3A_127] : memref<5000xi32, #tpu.memory_space<vmem>> -> memref<40xi32, #tpu.memory_space<vmem>>
      %dma_wait3A_129 = arith.constant 0 : i32
      %dma_wait3A_130 = arith.constant 0 : i32
      %dma_wait3A_131 = tpu.memref_slice %arg4[%dma_wait3A_129, %dma_wait3A_130] : memref<10000x128xi32, #tpu.memory_space<hbm>> -> memref<10000x128xi32, #tpu.memory_space<hbm>>
      tpu.wait_indirect_dma semaphore(%arg26 : memref<!tpu.dma_semaphore, #tpu.memory_space<semaphore_mem>>) src(%dma_wait3A_131 : memref<10000x128xi32, #tpu.memory_space<hbm>>) dst(%arg18 : memref<40x128xi32, #tpu.memory_space<vmem>>)
      %dma_wait3A_132 = arith.constant 0 : i32
      %dma_wait3A_133 = tpu.memref_slice %arg14[%dma_wait3A_132] : memref<5000xi32, #tpu.memory_space<vmem>> -> memref<40xi32, #tpu.memory_space<vmem>>
      %dma_wait3A_134 = arith.constant 0 : i32
      %dma_wait3A_135 = arith.constant 0 : i32
      %dma_wait3A_136 = tpu.memref_slice %arg5[%dma_wait3A_134, %dma_wait3A_135] : memref<10000x128xi32, #tpu.memory_space<hbm>> -> memref<10000x128xi32, #tpu.memory_space<hbm>>
      tpu.wait_indirect_dma semaphore(%arg26 : memref<!tpu.dma_semaphore, #tpu.memory_space<semaphore_mem>>) src(%dma_wait3A_136 : memref<10000x128xi32, #tpu.memory_space<hbm>>) dst(%arg19 : memref<40x128xi32, #tpu.memory_space<vmem>>)
      %dma_wait3A_137 = arith.constant 0 : i32
      %dma_wait3A_138 = tpu.memref_slice %arg14[%dma_wait3A_137] : memref<5000xi32, #tpu.memory_space<vmem>> -> memref<40xi32, #tpu.memory_space<vmem>>
      %dma_wait3A_139 = arith.constant 0 : i32
      %dma_wait3A_140 = tpu.memref_slice %arg8[%dma_wait3A_139] : memref<10000xf32, #tpu.memory_space<hbm>> -> memref<10000xf32, #tpu.memory_space<hbm>>
      tpu.wait_indirect_dma semaphore(%arg26 : memref<!tpu.dma_semaphore, #tpu.memory_space<semaphore_mem>>) src(%dma_wait3A_140 : memref<10000xf32, #tpu.memory_space<hbm>>) dst(%arg20 : memref<40xf32, #tpu.memory_space<vmem>>)
      %mul3A_141 = arith.constant 40 : i32
      %mul3A_142 = arith.muli %mul3A_112, %mul3A_141 : i32
      %add3A_143 = arith.addi %mul3A_2, %mul3A_142 : i32
      %dma_start3A_144 = arith.constant 0 : i32
      %dma_start3A_145 = tpu.memref_slice %arg9[%add3A_143, %dma_start3A_144] : memref<160000x128xi32, #tpu.memory_space<hbm>> -> memref<40x128xi32, #tpu.memory_space<hbm>>
      %dma_start3A_146 = arith.constant 0 : i32
      %dma_start3A_147 = tpu.memref_slice %arg9[%add3A_143, %dma_start3A_146] : memref<160000x128xi32, #tpu.memory_space<hbm>> -> memref<40x128xi32, #tpu.memory_space<hbm>>
      tpu.enqueue_dma source(%arg16 : memref<40x128xi32, #tpu.memory_space<vmem>>) target(%dma_start3A_147 : memref<40x128xi32, #tpu.memory_space<hbm>>) target_semaphore(%arg28 : memref<!tpu.dma_semaphore, #tpu.memory_space<semaphore_mem>>)
      %dma_start3A_148 = arith.constant 0 : i32
      %dma_start3A_149 = tpu.memref_slice %arg10[%add3A_143, %dma_start3A_148] : memref<160000x128xi32, #tpu.memory_space<hbm>> -> memref<40x128xi32, #tpu.memory_space<hbm>>
      %dma_start3A_150 = arith.constant 0 : i32
      %dma_start3A_151 = tpu.memref_slice %arg10[%add3A_143, %dma_start3A_150] : memref<160000x128xi32, #tpu.memory_space<hbm>> -> memref<40x128xi32, #tpu.memory_space<hbm>>
      tpu.enqueue_dma source(%arg17 : memref<40x128xi32, #tpu.memory_space<vmem>>) target(%dma_start3A_151 : memref<40x128xi32, #tpu.memory_space<hbm>>) target_semaphore(%arg28 : memref<!tpu.dma_semaphore, #tpu.memory_space<semaphore_mem>>)
      %dma_start3A_152 = arith.constant 0 : i32
      %dma_start3A_153 = tpu.memref_slice %arg11[%add3A_143, %dma_start3A_152] : memref<160000x128xi32, #tpu.memory_space<hbm>> -> memref<40x128xi32, #tpu.memory_space<hbm>>
      %dma_start3A_154 = arith.constant 0 : i32
      %dma_start3A_155 = tpu.memref_slice %arg11[%add3A_143, %dma_start3A_154] : memref<160000x128xi32, #tpu.memory_space<hbm>> -> memref<40x128xi32, #tpu.memory_space<hbm>>
      tpu.enqueue_dma source(%arg18 : memref<40x128xi32, #tpu.memory_space<vmem>>) target(%dma_start3A_155 : memref<40x128xi32, #tpu.memory_space<hbm>>) target_semaphore(%arg28 : memref<!tpu.dma_semaphore, #tpu.memory_space<semaphore_mem>>)
      %dma_start3A_156 = arith.constant 0 : i32
      %dma_start3A_157 = tpu.memref_slice %arg12[%add3A_143, %dma_start3A_156] : memref<160000x128xi32, #tpu.memory_space<hbm>> -> memref<40x128xi32, #tpu.memory_space<hbm>>
      %dma_start3A_158 = arith.constant 0 : i32
      %dma_start3A_159 = tpu.memref_slice %arg12[%add3A_143, %dma_start3A_158] : memref<160000x128xi32, #tpu.memory_space<hbm>> -> memref<40x128xi32, #tpu.memory_space<hbm>>
      tpu.enqueue_dma source(%arg19 : memref<40x128xi32, #tpu.memory_space<vmem>>) target(%dma_start3A_159 : memref<40x128xi32, #tpu.memory_space<hbm>>) target_semaphore(%arg28 : memref<!tpu.dma_semaphore, #tpu.memory_space<semaphore_mem>>)
      %dma_start3A_160 = tpu.memref_slice %arg13[%add3A_143] : memref<160000xf32, #tpu.memory_space<hbm>> -> memref<40xf32, #tpu.memory_space<hbm>>
      %dma_start3A_161 = tpu.memref_slice %arg13[%add3A_143] : memref<160000xf32, #tpu.memory_space<hbm>> -> memref<40xf32, #tpu.memory_space<hbm>>
      tpu.enqueue_dma source(%arg20 : memref<40xf32, #tpu.memory_space<vmem>>) target(%dma_start3A_161 : memref<40xf32, #tpu.memory_space<hbm>>) target_semaphore(%arg28 : memref<!tpu.dma_semaphore, #tpu.memory_space<semaphore_mem>>)
      %mul3A_162 = arith.constant 2 : i32
      %mul3A_163 = arith.muli %mul3A_162, %scan3A_110 : i32
      %add3A_164 = arith.constant 1 : i32
      %add3A_165 = arith.addi %mul3A_163, %add3A_164 : i32
      %add3A_166 = arith.constant 1 : i32
      %add3A_167 = arith.addi %add3A_165, %add3A_166 : i32
      %lt3A_168 = arith.constant 125 : i32
      %lt3A_169 = arith.cmpi slt, %add3A_167, %lt3A_168 : i32
      %convert_element_type3A_170 = arith.extui %lt3A_169 : i1 to i32
      %cond3A_171 = arith.constant 0 : i32
      %cond3A_172 = arith.cmpi ne, %convert_element_type3A_170, %cond3A_171 : i32
      scf.if %cond3A_172 {
        %ge3A = arith.constant 1 : i32
        %ge3A_218 = arith.cmpi sge, %add3A_165, %ge3A : i32
        %convert_element_type3A_219 = arith.extui %ge3A_218 : i1 to i32
        %cond3A_220 = arith.constant 0 : i32
        %cond3A_221 = arith.cmpi ne, %convert_element_type3A_219, %cond3A_220 : i32
        scf.if %cond3A_221 {
          %dma_wait3A_247 = arith.constant 0 : i32
          %dma_wait3A_248 = tpu.memref_slice %arg9[%mul3A_2, %dma_wait3A_247] : memref<160000x128xi32, #tpu.memory_space<hbm>> -> memref<40x128xi32, #tpu.memory_space<hbm>>
          %dma_wait3A_249 = arith.constant 0 : i32
          %dma_wait3A_250 = tpu.memref_slice %arg9[%mul3A_2, %dma_wait3A_249] : memref<160000x128xi32, #tpu.memory_space<hbm>> -> memref<40x128xi32, #tpu.memory_space<hbm>>
          tpu.wait_dma2 semaphore(%arg28 : memref<!tpu.dma_semaphore, #tpu.memory_space<semaphore_mem>>) src(%arg16 : memref<40x128xi32, #tpu.memory_space<vmem>>) dst(%dma_wait3A_250 : memref<40x128xi32, #tpu.memory_space<hbm>>)
          %dma_wait3A_251 = arith.constant 0 : i32
          %dma_wait3A_252 = tpu.memref_slice %arg10[%mul3A_2, %dma_wait3A_251] : memref<160000x128xi32, #tpu.memory_space<hbm>> -> memref<40x128xi32, #tpu.memory_space<hbm>>
          %dma_wait3A_253 = arith.constant 0 : i32
          %dma_wait3A_254 = tpu.memref_slice %arg10[%mul3A_2, %dma_wait3A_253] : memref<160000x128xi32, #tpu.memory_space<hbm>> -> memref<40x128xi32, #tpu.memory_space<hbm>>
          tpu.wait_dma2 semaphore(%arg28 : memref<!tpu.dma_semaphore, #tpu.memory_space<semaphore_mem>>) src(%arg17 : memref<40x128xi32, #tpu.memory_space<vmem>>) dst(%dma_wait3A_254 : memref<40x128xi32, #tpu.memory_space<hbm>>)
          %dma_wait3A_255 = arith.constant 0 : i32
          %dma_wait3A_256 = tpu.memref_slice %arg11[%mul3A_2, %dma_wait3A_255] : memref<160000x128xi32, #tpu.memory_space<hbm>> -> memref<40x128xi32, #tpu.memory_space<hbm>>
          %dma_wait3A_257 = arith.constant 0 : i32
          %dma_wait3A_258 = tpu.memref_slice %arg11[%mul3A_2, %dma_wait3A_257] : memref<160000x128xi32, #tpu.memory_space<hbm>> -> memref<40x128xi32, #tpu.memory_space<hbm>>
          tpu.wait_dma2 semaphore(%arg28 : memref<!tpu.dma_semaphore, #tpu.memory_space<semaphore_mem>>) src(%arg18 : memref<40x128xi32, #tpu.memory_space<vmem>>) dst(%dma_wait3A_258 : memref<40x128xi32, #tpu.memory_space<hbm>>)
          %dma_wait3A_259 = arith.constant 0 : i32
          %dma_wait3A_260 = tpu.memref_slice %arg12[%mul3A_2, %dma_wait3A_259] : memref<160000x128xi32, #tpu.memory_space<hbm>> -> memref<40x128xi32, #tpu.memory_space<hbm>>
          %dma_wait3A_261 = arith.constant 0 : i32
          %dma_wait3A_262 = tpu.memref_slice %arg12[%mul3A_2, %dma_wait3A_261] : memref<160000x128xi32, #tpu.memory_space<hbm>> -> memref<40x128xi32, #tpu.memory_space<hbm>>
          tpu.wait_dma2 semaphore(%arg28 : memref<!tpu.dma_semaphore, #tpu.memory_space<semaphore_mem>>) src(%arg19 : memref<40x128xi32, #tpu.memory_space<vmem>>) dst(%dma_wait3A_262 : memref<40x128xi32, #tpu.memory_space<hbm>>)
          %dma_wait3A_263 = tpu.memref_slice %arg13[%mul3A_2] : memref<160000xf32, #tpu.memory_space<hbm>> -> memref<40xf32, #tpu.memory_space<hbm>>
          %dma_wait3A_264 = tpu.memref_slice %arg13[%mul3A_2] : memref<160000xf32, #tpu.memory_space<hbm>> -> memref<40xf32, #tpu.memory_space<hbm>>
          tpu.wait_dma2 semaphore(%arg28 : memref<!tpu.dma_semaphore, #tpu.memory_space<semaphore_mem>>) src(%arg20 : memref<40xf32, #tpu.memory_space<vmem>>) dst(%dma_wait3A_264 : memref<40xf32, #tpu.memory_space<hbm>>)
        } else {
        }
        %add3A_222 = arith.constant 1 : i32
        %add3A_223 = arith.addi %add3A_165, %add3A_222 : i32
        %mul3A_224 = arith.constant 40 : i32
        %mul3A_225 = arith.muli %add3A_223, %mul3A_224 : i32
        %mul3A_226 = arith.constant 40 : i32
        %mul3A_227 = arith.muli %add3A_223, %mul3A_226 : i32
        %dma_start3A_228 = tpu.memref_slice %arg14[%mul3A_225] : memref<5000xi32, #tpu.memory_space<vmem>> -> memref<40xi32, #tpu.memory_space<vmem>>
        %dma_start3A_229 = arith.constant 0 : i32
        %dma_start3A_230 = arith.constant 0 : i32
        %dma_start3A_231 = tpu.memref_slice %arg2[%dma_start3A_229, %dma_start3A_230] : memref<10000x128xi32, #tpu.memory_space<hbm>> -> memref<10000x128xi32, #tpu.memory_space<hbm>>
        tpu.enqueue_indirect_dma source(%dma_start3A_231 : memref<10000x128xi32, #tpu.memory_space<hbm>>) target(%arg16 : memref<40x128xi32, #tpu.memory_space<vmem>>) offsets(%dma_start3A_228 : memref<40xi32, #tpu.memory_space<vmem>>) semaphore(%arg26 : memref<!tpu.dma_semaphore, #tpu.memory_space<semaphore_mem>>)
        %dma_start3A_232 = tpu.memref_slice %arg14[%mul3A_225] : memref<5000xi32, #tpu.memory_space<vmem>> -> memref<40xi32, #tpu.memory_space<vmem>>
        %dma_start3A_233 = arith.constant 0 : i32
        %dma_start3A_234 = arith.constant 0 : i32
        %dma_start3A_235 = tpu.memref_slice %arg3[%dma_start3A_233, %dma_start3A_234] : memref<10000x128xi32, #tpu.memory_space<hbm>> -> memref<10000x128xi32, #tpu.memory_space<hbm>>
        tpu.enqueue_indirect_dma source(%dma_start3A_235 : memref<10000x128xi32, #tpu.memory_space<hbm>>) target(%arg17 : memref<40x128xi32, #tpu.memory_space<vmem>>) offsets(%dma_start3A_232 : memref<40xi32, #tpu.memory_space<vmem>>) semaphore(%arg26 : memref<!tpu.dma_semaphore, #tpu.memory_space<semaphore_mem>>)
        %dma_start3A_236 = tpu.memref_slice %arg15[%mul3A_227] : memref<5000xi32, #tpu.memory_space<vmem>> -> memref<40xi32, #tpu.memory_space<vmem>>
        %dma_start3A_237 = arith.constant 0 : i32
        %dma_start3A_238 = arith.constant 0 : i32
        %dma_start3A_239 = tpu.memref_slice %arg4[%dma_start3A_237, %dma_start3A_238] : memref<10000x128xi32, #tpu.memory_space<hbm>> -> memref<10000x128xi32, #tpu.memory_space<hbm>>
        tpu.enqueue_indirect_dma source(%dma_start3A_239 : memref<10000x128xi32, #tpu.memory_space<hbm>>) target(%arg18 : memref<40x128xi32, #tpu.memory_space<vmem>>) offsets(%dma_start3A_236 : memref<40xi32, #tpu.memory_space<vmem>>) semaphore(%arg26 : memref<!tpu.dma_semaphore, #tpu.memory_space<semaphore_mem>>)
        %dma_start3A_240 = tpu.memref_slice %arg15[%mul3A_227] : memref<5000xi32, #tpu.memory_space<vmem>> -> memref<40xi32, #tpu.memory_space<vmem>>
        %dma_start3A_241 = arith.constant 0 : i32
        %dma_start3A_242 = arith.constant 0 : i32
        %dma_start3A_243 = tpu.memref_slice %arg5[%dma_start3A_241, %dma_start3A_242] : memref<10000x128xi32, #tpu.memory_space<hbm>> -> memref<10000x128xi32, #tpu.memory_space<hbm>>
        tpu.enqueue_indirect_dma source(%dma_start3A_243 : memref<10000x128xi32, #tpu.memory_space<hbm>>) target(%arg19 : memref<40x128xi32, #tpu.memory_space<vmem>>) offsets(%dma_start3A_240 : memref<40xi32, #tpu.memory_space<vmem>>) semaphore(%arg26 : memref<!tpu.dma_semaphore, #tpu.memory_space<semaphore_mem>>)
        %dma_start3A_244 = tpu.memref_slice %arg15[%mul3A_227] : memref<5000xi32, #tpu.memory_space<vmem>> -> memref<40xi32, #tpu.memory_space<vmem>>
        %dma_start3A_245 = arith.constant 0 : i32
        %dma_start3A_246 = tpu.memref_slice %arg8[%dma_start3A_245] : memref<10000xf32, #tpu.memory_space<hbm>> -> memref<10000xf32, #tpu.memory_space<hbm>>
        tpu.enqueue_indirect_dma source(%dma_start3A_246 : memref<10000xf32, #tpu.memory_space<hbm>>) target(%arg20 : memref<40xf32, #tpu.memory_space<vmem>>) offsets(%dma_start3A_244 : memref<40xi32, #tpu.memory_space<vmem>>) semaphore(%arg26 : memref<!tpu.dma_semaphore, #tpu.memory_space<semaphore_mem>>)
      } else {
      }
      %dma_wait3A_173 = arith.constant 0 : i32
      %dma_wait3A_174 = tpu.memref_slice %arg14[%dma_wait3A_173] : memref<5000xi32, #tpu.memory_space<vmem>> -> memref<40xi32, #tpu.memory_space<vmem>>
      %dma_wait3A_175 = arith.constant 0 : i32
      %dma_wait3A_176 = arith.constant 0 : i32
      %dma_wait3A_177 = tpu.memref_slice %arg2[%dma_wait3A_175, %dma_wait3A_176] : memref<10000x128xi32, #tpu.memory_space<hbm>> -> memref<10000x128xi32, #tpu.memory_space<hbm>>
      tpu.wait_indirect_dma semaphore(%arg27 : memref<!tpu.dma_semaphore, #tpu.memory_space<semaphore_mem>>) src(%dma_wait3A_177 : memref<10000x128xi32, #tpu.memory_space<hbm>>) dst(%arg21 : memref<40x128xi32, #tpu.memory_space<vmem>>)
      %dma_wait3A_178 = arith.constant 0 : i32
      %dma_wait3A_179 = tpu.memref_slice %arg14[%dma_wait3A_178] : memref<5000xi32, #tpu.memory_space<vmem>> -> memref<40xi32, #tpu.memory_space<vmem>>
      %dma_wait3A_180 = arith.constant 0 : i32
      %dma_wait3A_181 = arith.constant 0 : i32
      %dma_wait3A_182 = tpu.memref_slice %arg3[%dma_wait3A_180, %dma_wait3A_181] : memref<10000x128xi32, #tpu.memory_space<hbm>> -> memref<10000x128xi32, #tpu.memory_space<hbm>>
      tpu.wait_indirect_dma semaphore(%arg27 : memref<!tpu.dma_semaphore, #tpu.memory_space<semaphore_mem>>) src(%dma_wait3A_182 : memref<10000x128xi32, #tpu.memory_space<hbm>>) dst(%arg22 : memref<40x128xi32, #tpu.memory_space<vmem>>)
      %dma_wait3A_183 = arith.constant 0 : i32
      %dma_wait3A_184 = tpu.memref_slice %arg14[%dma_wait3A_183] : memref<5000xi32, #tpu.memory_space<vmem>> -> memref<40xi32, #tpu.memory_space<vmem>>
      %dma_wait3A_185 = arith.constant 0 : i32
      %dma_wait3A_186 = arith.constant 0 : i32
      %dma_wait3A_187 = tpu.memref_slice %arg4[%dma_wait3A_185, %dma_wait3A_186] : memref<10000x128xi32, #tpu.memory_space<hbm>> -> memref<10000x128xi32, #tpu.memory_space<hbm>>
      tpu.wait_indirect_dma semaphore(%arg27 : memref<!tpu.dma_semaphore, #tpu.memory_space<semaphore_mem>>) src(%dma_wait3A_187 : memref<10000x128xi32, #tpu.memory_space<hbm>>) dst(%arg23 : memref<40x128xi32, #tpu.memory_space<vmem>>)
      %dma_wait3A_188 = arith.constant 0 : i32
      %dma_wait3A_189 = tpu.memref_slice %arg14[%dma_wait3A_188] : memref<5000xi32, #tpu.memory_space<vmem>> -> memref<40xi32, #tpu.memory_space<vmem>>
      %dma_wait3A_190 = arith.constant 0 : i32
      %dma_wait3A_191 = arith.constant 0 : i32
      %dma_wait3A_192 = tpu.memref_slice %arg5[%dma_wait3A_190, %dma_wait3A_191] : memref<10000x128xi32, #tpu.memory_space<hbm>> -> memref<10000x128xi32, #tpu.memory_space<hbm>>
      tpu.wait_indirect_dma semaphore(%arg27 : memref<!tpu.dma_semaphore, #tpu.memory_space<semaphore_mem>>) src(%dma_wait3A_192 : memref<10000x128xi32, #tpu.memory_space<hbm>>) dst(%arg24 : memref<40x128xi32, #tpu.memory_space<vmem>>)
      %dma_wait3A_193 = arith.constant 0 : i32
      %dma_wait3A_194 = tpu.memref_slice %arg14[%dma_wait3A_193] : memref<5000xi32, #tpu.memory_space<vmem>> -> memref<40xi32, #tpu.memory_space<vmem>>
      %dma_wait3A_195 = arith.constant 0 : i32
      %dma_wait3A_196 = tpu.memref_slice %arg8[%dma_wait3A_195] : memref<10000xf32, #tpu.memory_space<hbm>> -> memref<10000xf32, #tpu.memory_space<hbm>>
      tpu.wait_indirect_dma semaphore(%arg27 : memref<!tpu.dma_semaphore, #tpu.memory_space<semaphore_mem>>) src(%dma_wait3A_196 : memref<10000xf32, #tpu.memory_space<hbm>>) dst(%arg25 : memref<40xf32, #tpu.memory_space<vmem>>)
      %mul3A_197 = arith.constant 40 : i32
      %mul3A_198 = arith.muli %add3A_165, %mul3A_197 : i32
      %add3A_199 = arith.addi %mul3A_2, %mul3A_198 : i32
      %dma_start3A_200 = arith.constant 0 : i32
      %dma_start3A_201 = tpu.memref_slice %arg9[%add3A_199, %dma_start3A_200] : memref<160000x128xi32, #tpu.memory_space<hbm>> -> memref<40x128xi32, #tpu.memory_space<hbm>>
      %dma_start3A_202 = arith.constant 0 : i32
      %dma_start3A_203 = tpu.memref_slice %arg9[%add3A_199, %dma_start3A_202] : memref<160000x128xi32, #tpu.memory_space<hbm>> -> memref<40x128xi32, #tpu.memory_space<hbm>>
      tpu.enqueue_dma source(%arg21 : memref<40x128xi32, #tpu.memory_space<vmem>>) target(%dma_start3A_203 : memref<40x128xi32, #tpu.memory_space<hbm>>) target_semaphore(%arg29 : memref<!tpu.dma_semaphore, #tpu.memory_space<semaphore_mem>>)
      %dma_start3A_204 = arith.constant 0 : i32
      %dma_start3A_205 = tpu.memref_slice %arg10[%add3A_199, %dma_start3A_204] : memref<160000x128xi32, #tpu.memory_space<hbm>> -> memref<40x128xi32, #tpu.memory_space<hbm>>
      %dma_start3A_206 = arith.constant 0 : i32
      %dma_start3A_207 = tpu.memref_slice %arg10[%add3A_199, %dma_start3A_206] : memref<160000x128xi32, #tpu.memory_space<hbm>> -> memref<40x128xi32, #tpu.memory_space<hbm>>
      tpu.enqueue_dma source(%arg22 : memref<40x128xi32, #tpu.memory_space<vmem>>) target(%dma_start3A_207 : memref<40x128xi32, #tpu.memory_space<hbm>>) target_semaphore(%arg29 : memref<!tpu.dma_semaphore, #tpu.memory_space<semaphore_mem>>)
      %dma_start3A_208 = arith.constant 0 : i32
      %dma_start3A_209 = tpu.memref_slice %arg11[%add3A_199, %dma_start3A_208] : memref<160000x128xi32, #tpu.memory_space<hbm>> -> memref<40x128xi32, #tpu.memory_space<hbm>>
      %dma_start3A_210 = arith.constant 0 : i32
      %dma_start3A_211 = tpu.memref_slice %arg11[%add3A_199, %dma_start3A_210] : memref<160000x128xi32, #tpu.memory_space<hbm>> -> memref<40x128xi32, #tpu.memory_space<hbm>>
      tpu.enqueue_dma source(%arg23 : memref<40x128xi32, #tpu.memory_space<vmem>>) target(%dma_start3A_211 : memref<40x128xi32, #tpu.memory_space<hbm>>) target_semaphore(%arg29 : memref<!tpu.dma_semaphore, #tpu.memory_space<semaphore_mem>>)
      %dma_start3A_212 = arith.constant 0 : i32
      %dma_start3A_213 = tpu.memref_slice %arg12[%add3A_199, %dma_start3A_212] : memref<160000x128xi32, #tpu.memory_space<hbm>> -> memref<40x128xi32, #tpu.memory_space<hbm>>
      %dma_start3A_214 = arith.constant 0 : i32
      %dma_start3A_215 = tpu.memref_slice %arg12[%add3A_199, %dma_start3A_214] : memref<160000x128xi32, #tpu.memory_space<hbm>> -> memref<40x128xi32, #tpu.memory_space<hbm>>
      tpu.enqueue_dma source(%arg24 : memref<40x128xi32, #tpu.memory_space<vmem>>) target(%dma_start3A_215 : memref<40x128xi32, #tpu.memory_space<hbm>>) target_semaphore(%arg29 : memref<!tpu.dma_semaphore, #tpu.memory_space<semaphore_mem>>)
      %dma_start3A_216 = tpu.memref_slice %arg13[%add3A_199] : memref<160000xf32, #tpu.memory_space<hbm>> -> memref<40xf32, #tpu.memory_space<hbm>>
      %dma_start3A_217 = tpu.memref_slice %arg13[%add3A_199] : memref<160000xf32, #tpu.memory_space<hbm>> -> memref<40xf32, #tpu.memory_space<hbm>>
      tpu.enqueue_dma source(%arg25 : memref<40xf32, #tpu.memory_space<vmem>>) target(%dma_start3A_217 : memref<40xf32, #tpu.memory_space<hbm>>) target_semaphore(%arg29 : memref<!tpu.dma_semaphore, #tpu.memory_space<semaphore_mem>>)
    }
    %scan3A_30 = arith.constant 62 : i32
    %dma_wait3A = arith.constant 0 : i32
    %dma_wait3A_31 = tpu.memref_slice %arg14[%dma_wait3A] : memref<5000xi32, #tpu.memory_space<vmem>> -> memref<40xi32, #tpu.memory_space<vmem>>
    %dma_wait3A_32 = arith.constant 0 : i32
    %dma_wait3A_33 = arith.constant 0 : i32
    %dma_wait3A_34 = tpu.memref_slice %arg2[%dma_wait3A_32, %dma_wait3A_33] : memref<10000x128xi32, #tpu.memory_space<hbm>> -> memref<10000x128xi32, #tpu.memory_space<hbm>>
    tpu.wait_indirect_dma semaphore(%arg26 : memref<!tpu.dma_semaphore, #tpu.memory_space<semaphore_mem>>) src(%dma_wait3A_34 : memref<10000x128xi32, #tpu.memory_space<hbm>>) dst(%arg16 : memref<40x128xi32, #tpu.memory_space<vmem>>)
    %dma_wait3A_35 = arith.constant 0 : i32
    %dma_wait3A_36 = tpu.memref_slice %arg14[%dma_wait3A_35] : memref<5000xi32, #tpu.memory_space<vmem>> -> memref<40xi32, #tpu.memory_space<vmem>>
    %dma_wait3A_37 = arith.constant 0 : i32
    %dma_wait3A_38 = arith.constant 0 : i32
    %dma_wait3A_39 = tpu.memref_slice %arg3[%dma_wait3A_37, %dma_wait3A_38] : memref<10000x128xi32, #tpu.memory_space<hbm>> -> memref<10000x128xi32, #tpu.memory_space<hbm>>
    tpu.wait_indirect_dma semaphore(%arg26 : memref<!tpu.dma_semaphore, #tpu.memory_space<semaphore_mem>>) src(%dma_wait3A_39 : memref<10000x128xi32, #tpu.memory_space<hbm>>) dst(%arg17 : memref<40x128xi32, #tpu.memory_space<vmem>>)
    %dma_wait3A_40 = arith.constant 0 : i32
    %dma_wait3A_41 = tpu.memref_slice %arg14[%dma_wait3A_40] : memref<5000xi32, #tpu.memory_space<vmem>> -> memref<40xi32, #tpu.memory_space<vmem>>
    %dma_wait3A_42 = arith.constant 0 : i32
    %dma_wait3A_43 = arith.constant 0 : i32
    %dma_wait3A_44 = tpu.memref_slice %arg4[%dma_wait3A_42, %dma_wait3A_43] : memref<10000x128xi32, #tpu.memory_space<hbm>> -> memref<10000x128xi32, #tpu.memory_space<hbm>>
    tpu.wait_indirect_dma semaphore(%arg26 : memref<!tpu.dma_semaphore, #tpu.memory_space<semaphore_mem>>) src(%dma_wait3A_44 : memref<10000x128xi32, #tpu.memory_space<hbm>>) dst(%arg18 : memref<40x128xi32, #tpu.memory_space<vmem>>)
    %dma_wait3A_45 = arith.constant 0 : i32
    %dma_wait3A_46 = tpu.memref_slice %arg14[%dma_wait3A_45] : memref<5000xi32, #tpu.memory_space<vmem>> -> memref<40xi32, #tpu.memory_space<vmem>>
    %dma_wait3A_47 = arith.constant 0 : i32
    %dma_wait3A_48 = arith.constant 0 : i32
    %dma_wait3A_49 = tpu.memref_slice %arg5[%dma_wait3A_47, %dma_wait3A_48] : memref<10000x128xi32, #tpu.memory_space<hbm>> -> memref<10000x128xi32, #tpu.memory_space<hbm>>
    tpu.wait_indirect_dma semaphore(%arg26 : memref<!tpu.dma_semaphore, #tpu.memory_space<semaphore_mem>>) src(%dma_wait3A_49 : memref<10000x128xi32, #tpu.memory_space<hbm>>) dst(%arg19 : memref<40x128xi32, #tpu.memory_space<vmem>>)
    %dma_wait3A_50 = arith.constant 0 : i32
    %dma_wait3A_51 = tpu.memref_slice %arg14[%dma_wait3A_50] : memref<5000xi32, #tpu.memory_space<vmem>> -> memref<40xi32, #tpu.memory_space<vmem>>
    %dma_wait3A_52 = arith.constant 0 : i32
    %dma_wait3A_53 = tpu.memref_slice %arg8[%dma_wait3A_52] : memref<10000xf32, #tpu.memory_space<hbm>> -> memref<10000xf32, #tpu.memory_space<hbm>>
    tpu.wait_indirect_dma semaphore(%arg26 : memref<!tpu.dma_semaphore, #tpu.memory_space<semaphore_mem>>) src(%dma_wait3A_53 : memref<10000xf32, #tpu.memory_space<hbm>>) dst(%arg20 : memref<40xf32, #tpu.memory_space<vmem>>)
    %add3A_54 = arith.constant 4960 : i32
    %add3A_55 = arith.addi %mul3A_2, %add3A_54 : i32
    %dma_start3A_56 = arith.constant 0 : i32
    %dma_start3A_57 = tpu.memref_slice %arg9[%add3A_55, %dma_start3A_56] : memref<160000x128xi32, #tpu.memory_space<hbm>> -> memref<40x128xi32, #tpu.memory_space<hbm>>
    %dma_start3A_58 = arith.constant 0 : i32
    %dma_start3A_59 = tpu.memref_slice %arg9[%add3A_55, %dma_start3A_58] : memref<160000x128xi32, #tpu.memory_space<hbm>> -> memref<40x128xi32, #tpu.memory_space<hbm>>
    tpu.enqueue_dma source(%arg16 : memref<40x128xi32, #tpu.memory_space<vmem>>) target(%dma_start3A_59 : memref<40x128xi32, #tpu.memory_space<hbm>>) target_semaphore(%arg28 : memref<!tpu.dma_semaphore, #tpu.memory_space<semaphore_mem>>)
    %dma_start3A_60 = arith.constant 0 : i32
    %dma_start3A_61 = tpu.memref_slice %arg10[%add3A_55, %dma_start3A_60] : memref<160000x128xi32, #tpu.memory_space<hbm>> -> memref<40x128xi32, #tpu.memory_space<hbm>>
    %dma_start3A_62 = arith.constant 0 : i32
    %dma_start3A_63 = tpu.memref_slice %arg10[%add3A_55, %dma_start3A_62] : memref<160000x128xi32, #tpu.memory_space<hbm>> -> memref<40x128xi32, #tpu.memory_space<hbm>>
    tpu.enqueue_dma source(%arg17 : memref<40x128xi32, #tpu.memory_space<vmem>>) target(%dma_start3A_63 : memref<40x128xi32, #tpu.memory_space<hbm>>) target_semaphore(%arg28 : memref<!tpu.dma_semaphore, #tpu.memory_space<semaphore_mem>>)
    %dma_start3A_64 = arith.constant 0 : i32
    %dma_start3A_65 = tpu.memref_slice %arg11[%add3A_55, %dma_start3A_64] : memref<160000x128xi32, #tpu.memory_space<hbm>> -> memref<40x128xi32, #tpu.memory_space<hbm>>
    %dma_start3A_66 = arith.constant 0 : i32
    %dma_start3A_67 = tpu.memref_slice %arg11[%add3A_55, %dma_start3A_66] : memref<160000x128xi32, #tpu.memory_space<hbm>> -> memref<40x128xi32, #tpu.memory_space<hbm>>
    tpu.enqueue_dma source(%arg18 : memref<40x128xi32, #tpu.memory_space<vmem>>) target(%dma_start3A_67 : memref<40x128xi32, #tpu.memory_space<hbm>>) target_semaphore(%arg28 : memref<!tpu.dma_semaphore, #tpu.memory_space<semaphore_mem>>)
    %dma_start3A_68 = arith.constant 0 : i32
    %dma_start3A_69 = tpu.memref_slice %arg12[%add3A_55, %dma_start3A_68] : memref<160000x128xi32, #tpu.memory_space<hbm>> -> memref<40x128xi32, #tpu.memory_space<hbm>>
    %dma_start3A_70 = arith.constant 0 : i32
    %dma_start3A_71 = tpu.memref_slice %arg12[%add3A_55, %dma_start3A_70] : memref<160000x128xi32, #tpu.memory_space<hbm>> -> memref<40x128xi32, #tpu.memory_space<hbm>>
    tpu.enqueue_dma source(%arg19 : memref<40x128xi32, #tpu.memory_space<vmem>>) target(%dma_start3A_71 : memref<40x128xi32, #tpu.memory_space<hbm>>) target_semaphore(%arg28 : memref<!tpu.dma_semaphore, #tpu.memory_space<semaphore_mem>>)
    %dma_start3A_72 = tpu.memref_slice %arg13[%add3A_55] : memref<160000xf32, #tpu.memory_space<hbm>> -> memref<40xf32, #tpu.memory_space<hbm>>
    %dma_start3A_73 = tpu.memref_slice %arg13[%add3A_55] : memref<160000xf32, #tpu.memory_space<hbm>> -> memref<40xf32, #tpu.memory_space<hbm>>
    tpu.enqueue_dma source(%arg20 : memref<40xf32, #tpu.memory_space<vmem>>) target(%dma_start3A_73 : memref<40xf32, #tpu.memory_space<hbm>>) target_semaphore(%arg28 : memref<!tpu.dma_semaphore, #tpu.memory_space<semaphore_mem>>)
    %dma_wait3A_74 = arith.constant 0 : i32
    %dma_wait3A_75 = tpu.memref_slice %arg9[%mul3A_2, %dma_wait3A_74] : memref<160000x128xi32, #tpu.memory_space<hbm>> -> memref<40x128xi32, #tpu.memory_space<hbm>>
    %dma_wait3A_76 = arith.constant 0 : i32
    %dma_wait3A_77 = tpu.memref_slice %arg9[%mul3A_2, %dma_wait3A_76] : memref<160000x128xi32, #tpu.memory_space<hbm>> -> memref<40x128xi32, #tpu.memory_space<hbm>>
    tpu.wait_dma2 semaphore(%arg28 : memref<!tpu.dma_semaphore, #tpu.memory_space<semaphore_mem>>) src(%arg16 : memref<40x128xi32, #tpu.memory_space<vmem>>) dst(%dma_wait3A_77 : memref<40x128xi32, #tpu.memory_space<hbm>>)
    %dma_wait3A_78 = arith.constant 0 : i32
    %dma_wait3A_79 = tpu.memref_slice %arg10[%mul3A_2, %dma_wait3A_78] : memref<160000x128xi32, #tpu.memory_space<hbm>> -> memref<40x128xi32, #tpu.memory_space<hbm>>
    %dma_wait3A_80 = arith.constant 0 : i32
    %dma_wait3A_81 = tpu.memref_slice %arg10[%mul3A_2, %dma_wait3A_80] : memref<160000x128xi32, #tpu.memory_space<hbm>> -> memref<40x128xi32, #tpu.memory_space<hbm>>
    tpu.wait_dma2 semaphore(%arg28 : memref<!tpu.dma_semaphore, #tpu.memory_space<semaphore_mem>>) src(%arg17 : memref<40x128xi32, #tpu.memory_space<vmem>>) dst(%dma_wait3A_81 : memref<40x128xi32, #tpu.memory_space<hbm>>)
    %dma_wait3A_82 = arith.constant 0 : i32
    %dma_wait3A_83 = tpu.memref_slice %arg11[%mul3A_2, %dma_wait3A_82] : memref<160000x128xi32, #tpu.memory_space<hbm>> -> memref<40x128xi32, #tpu.memory_space<hbm>>
    %dma_wait3A_84 = arith.constant 0 : i32
    %dma_wait3A_85 = tpu.memref_slice %arg11[%mul3A_2, %dma_wait3A_84] : memref<160000x128xi32, #tpu.memory_space<hbm>> -> memref<40x128xi32, #tpu.memory_space<hbm>>
    tpu.wait_dma2 semaphore(%arg28 : memref<!tpu.dma_semaphore, #tpu.memory_space<semaphore_mem>>) src(%arg18 : memref<40x128xi32, #tpu.memory_space<vmem>>) dst(%dma_wait3A_85 : memref<40x128xi32, #tpu.memory_space<hbm>>)
    %dma_wait3A_86 = arith.constant 0 : i32
    %dma_wait3A_87 = tpu.memref_slice %arg12[%mul3A_2, %dma_wait3A_86] : memref<160000x128xi32, #tpu.memory_space<hbm>> -> memref<40x128xi32, #tpu.memory_space<hbm>>
    %dma_wait3A_88 = arith.constant 0 : i32
    %dma_wait3A_89 = tpu.memref_slice %arg12[%mul3A_2, %dma_wait3A_88] : memref<160000x128xi32, #tpu.memory_space<hbm>> -> memref<40x128xi32, #tpu.memory_space<hbm>>
    tpu.wait_dma2 semaphore(%arg28 : memref<!tpu.dma_semaphore, #tpu.memory_space<semaphore_mem>>) src(%arg19 : memref<40x128xi32, #tpu.memory_space<vmem>>) dst(%dma_wait3A_89 : memref<40x128xi32, #tpu.memory_space<hbm>>)
    %dma_wait3A_90 = tpu.memref_slice %arg13[%mul3A_2] : memref<160000xf32, #tpu.memory_space<hbm>> -> memref<40xf32, #tpu.memory_space<hbm>>
    %dma_wait3A_91 = tpu.memref_slice %arg13[%mul3A_2] : memref<160000xf32, #tpu.memory_space<hbm>> -> memref<40xf32, #tpu.memory_space<hbm>>
    tpu.wait_dma2 semaphore(%arg28 : memref<!tpu.dma_semaphore, #tpu.memory_space<semaphore_mem>>) src(%arg20 : memref<40xf32, #tpu.memory_space<vmem>>) dst(%dma_wait3A_91 : memref<40xf32, #tpu.memory_space<hbm>>)
    %dma_wait3A_92 = arith.constant 0 : i32
    %dma_wait3A_93 = tpu.memref_slice %arg9[%mul3A_2, %dma_wait3A_92] : memref<160000x128xi32, #tpu.memory_space<hbm>> -> memref<40x128xi32, #tpu.memory_space<hbm>>
    %dma_wait3A_94 = arith.constant 0 : i32
    %dma_wait3A_95 = tpu.memref_slice %arg9[%mul3A_2, %dma_wait3A_94] : memref<160000x128xi32, #tpu.memory_space<hbm>> -> memref<40x128xi32, #tpu.memory_space<hbm>>
    tpu.wait_dma2 semaphore(%arg29 : memref<!tpu.dma_semaphore, #tpu.memory_space<semaphore_mem>>) src(%arg21 : memref<40x128xi32, #tpu.memory_space<vmem>>) dst(%dma_wait3A_95 : memref<40x128xi32, #tpu.memory_space<hbm>>)
    %dma_wait3A_96 = arith.constant 0 : i32
    %dma_wait3A_97 = tpu.memref_slice %arg10[%mul3A_2, %dma_wait3A_96] : memref<160000x128xi32, #tpu.memory_space<hbm>> -> memref<40x128xi32, #tpu.memory_space<hbm>>
    %dma_wait3A_98 = arith.constant 0 : i32
    %dma_wait3A_99 = tpu.memref_slice %arg10[%mul3A_2, %dma_wait3A_98] : memref<160000x128xi32, #tpu.memory_space<hbm>> -> memref<40x128xi32, #tpu.memory_space<hbm>>
    tpu.wait_dma2 semaphore(%arg29 : memref<!tpu.dma_semaphore, #tpu.memory_space<semaphore_mem>>) src(%arg22 : memref<40x128xi32, #tpu.memory_space<vmem>>) dst(%dma_wait3A_99 : memref<40x128xi32, #tpu.memory_space<hbm>>)
    %dma_wait3A_100 = arith.constant 0 : i32
    %dma_wait3A_101 = tpu.memref_slice %arg11[%mul3A_2, %dma_wait3A_100] : memref<160000x128xi32, #tpu.memory_space<hbm>> -> memref<40x128xi32, #tpu.memory_space<hbm>>
    %dma_wait3A_102 = arith.constant 0 : i32
    %dma_wait3A_103 = tpu.memref_slice %arg11[%mul3A_2, %dma_wait3A_102] : memref<160000x128xi32, #tpu.memory_space<hbm>> -> memref<40x128xi32, #tpu.memory_space<hbm>>
    tpu.wait_dma2 semaphore(%arg29 : memref<!tpu.dma_semaphore, #tpu.memory_space<semaphore_mem>>) src(%arg23 : memref<40x128xi32, #tpu.memory_space<vmem>>) dst(%dma_wait3A_103 : memref<40x128xi32, #tpu.memory_space<hbm>>)
    %dma_wait3A_104 = arith.constant 0 : i32
    %dma_wait3A_105 = tpu.memref_slice %arg12[%mul3A_2, %dma_wait3A_104] : memref<160000x128xi32, #tpu.memory_space<hbm>> -> memref<40x128xi32, #tpu.memory_space<hbm>>
    %dma_wait3A_106 = arith.constant 0 : i32
    %dma_wait3A_107 = tpu.memref_slice %arg12[%mul3A_2, %dma_wait3A_106] : memref<160000x128xi32, #tpu.memory_space<hbm>> -> memref<40x128xi32, #tpu.memory_space<hbm>>
    tpu.wait_dma2 semaphore(%arg29 : memref<!tpu.dma_semaphore, #tpu.memory_space<semaphore_mem>>) src(%arg24 : memref<40x128xi32, #tpu.memory_space<vmem>>) dst(%dma_wait3A_107 : memref<40x128xi32, #tpu.memory_space<hbm>>)
    %dma_wait3A_108 = tpu.memref_slice %arg13[%mul3A_2] : memref<160000xf32, #tpu.memory_space<hbm>> -> memref<40xf32, #tpu.memory_space<hbm>>
    %dma_wait3A_109 = tpu.memref_slice %arg13[%mul3A_2] : memref<160000xf32, #tpu.memory_space<hbm>> -> memref<40xf32, #tpu.memory_space<hbm>>
    tpu.wait_dma2 semaphore(%arg29 : memref<!tpu.dma_semaphore, #tpu.memory_space<semaphore_mem>>) src(%arg25 : memref<40xf32, #tpu.memory_space<vmem>>) dst(%dma_wait3A_109 : memref<40xf32, #tpu.memory_space<hbm>>)
    return
  }
}

module attributes {stable_mosaic.version = 14 : i64} {
  func.func @_k2_body(%arg0: i32, %arg1: memref<1x2000x128xf32, #tpu.memory_space<vmem>>, %arg2: memref<1x2000x128xf32, #tpu.memory_space<vmem>>, %arg3: memref<1x2000x128xf32, #tpu.memory_space<vmem>>, %arg4: memref<1x2000x128xf32, #tpu.memory_space<vmem>>, %arg5: memref<1x2000x128xf32, #tpu.memory_space<vmem>>, %arg6: memref<1x2000x128xf32, #tpu.memory_space<vmem>>, %arg7: memref<256x256xf32, #tpu.memory_space<vmem>>, %arg8: memref<1x256xf32, #tpu.memory_space<vmem>>, %arg9: memref<256x256xf32, #tpu.memory_space<vmem>>, %arg10: memref<1x256xf32, #tpu.memory_space<vmem>>, %arg11: memref<2000x128xi32, #tpu.memory_space<vmem>>, %arg12: memref<2000x128xi32, #tpu.memory_space<vmem>>) attributes {dimension_semantics = [#tpu.dimension_semantics<arbitrary>], iteration_bounds = array<i64: 5>, scalar_prefetch = 0 : i64, scratch_operands = 0 : i64, tpu.core_type = #tpu.core_type<tc>, window_params = [{transform_indices = @transform_0, window_bounds = array<i64: 1, 2000, 128>}, {transform_indices = @transform_1, window_bounds = array<i64: 1, 2000, 128>}, {transform_indices = @transform_2, window_bounds = array<i64: 1, 2000, 128>}, {transform_indices = @transform_3, window_bounds = array<i64: 1, 2000, 128>}, {transform_indices = @transform_4, window_bounds = array<i64: 1, 2000, 128>}, {transform_indices = @transform_5, window_bounds = array<i64: 1, 2000, 128>}, {pipeline_mode = #tpu.pipeline_mode<synchronous>, transform_indices = @transform_6, window_bounds = array<i64: 256, 256>}, {pipeline_mode = #tpu.pipeline_mode<synchronous>, transform_indices = @transform_7, window_bounds = array<i64: 1, 256>}, {pipeline_mode = #tpu.pipeline_mode<synchronous>, transform_indices = @transform_8, window_bounds = array<i64: 256, 256>}, {pipeline_mode = #tpu.pipeline_mode<synchronous>, transform_indices = @transform_9, window_bounds = array<i64: 1, 256>}, {transform_indices = @transform_10, window_bounds = array<i64: 2000, 128>}, {transform_indices = @transform_11, window_bounds = array<i64: 2000, 128>}]} {
    %get3A = arith.constant 0 : index
    %get3A_0 = arith.constant 0 : index
    %get3A_1 = arith.constant 0 : index
    %get3A_2 = vector.load %arg5[%get3A, %get3A_0, %get3A_1] : memref<1x2000x128xf32, #tpu.memory_space<vmem>>, vector<1x2000x128xf32>
    %get3A_3 = vector.shape_cast %get3A_2 : vector<1x2000x128xf32> to vector<2000x128xf32>
    %slice3A = vector.extract_strided_slice %get3A_3 {offsets = [0, 0], sizes = [2000, 1], strides = [1, 1]} : vector<2000x128xf32> to vector<2000x1xf32>
    %jit3A = arith.constant 1.000000e+00 : f32
    %max3A = vector.broadcast %jit3A : f32 to vector<2000x1xf32>
    %max3A_4 = arith.maximumf %max3A, %slice3A : vector<2000x1xf32>
    %get3A_5 = arith.constant 0 : index
    %get3A_6 = arith.constant 0 : index
    %get3A_7 = arith.constant 0 : index
    %get3A_8 = vector.load %arg1[%get3A_5, %get3A_6, %get3A_7] : memref<1x2000x128xf32, #tpu.memory_space<vmem>>, vector<1x2000x128xf32>
    %get3A_9 = vector.shape_cast %get3A_8 : vector<1x2000x128xf32> to vector<2000x128xf32>
    %get3A_10 = arith.constant 0 : index
    %get3A_11 = arith.constant 0 : index
    %get3A_12 = arith.constant 0 : index
    %get3A_13 = vector.load %arg2[%get3A_10, %get3A_11, %get3A_12] : memref<1x2000x128xf32, #tpu.memory_space<vmem>>, vector<1x2000x128xf32>
    %get3A_14 = vector.shape_cast %get3A_13 : vector<1x2000x128xf32> to vector<2000x128xf32>
    %concatenate3A = tpu.concatenate %get3A_9, %get3A_14 in 1 : vector<2000x128xf32>, vector<2000x128xf32> -> vector<2000x256xf32>
    %div3A = vector.broadcast %max3A_4 : vector<2000x1xf32> to vector<2000x256xf32>
    %div3A_15 = arith.divf %concatenate3A, %div3A : vector<2000x256xf32>
    %get3A_16 = arith.constant 0 : index
    %get3A_17 = arith.constant 0 : index
    %get3A_18 = vector.load %arg9[%get3A_16, %get3A_17] : memref<256x256xf32, #tpu.memory_space<vmem>>, vector<256x256xf32>
    %dot_general3A = arith.constant dense<0.000000e+00> : vector<2000x256xf32>
    %dot_general3A_19 = tpu.matmul %div3A_15, %get3A_18, %dot_general3A {dimension_numbers = #tpu.dot_dimension_numbers<[1], [0], [0], [1], [0, 0, 1, 1], [], []>, transpose_lhs_hint = false} : vector<2000x256xf32>, vector<256x256xf32>, vector<2000x256xf32> -> vector<2000x256xf32>
    %get3A_20 = arith.constant 0 : index
    %get3A_21 = arith.constant 0 : index
    %get3A_22 = vector.load %arg10[%get3A_20, %get3A_21] : memref<1x256xf32, #tpu.memory_space<vmem>>, vector<1x256xf32>
    %add3A = vector.broadcast %get3A_22 : vector<1x256xf32> to vector<2000x256xf32>
    %add3A_23 = arith.addf %dot_general3A_19, %add3A : vector<2000x256xf32>
    %bitcast_convert_type3A = tpu.bitcast %add3A_23 : vector<2000x256xf32> -> vector<2000x256xi32>
    %add3A_24 = arith.constant 32767 : i32
    %add3A_25 = vector.broadcast %add3A_24 : i32 to vector<2000x256xi32>
    %add3A_26 = arith.addi %bitcast_convert_type3A, %add3A_25 : vector<2000x256xi32>
    %shift_right_logical3A = arith.constant 16 : i32
    %shift_right_logical3A_27 = vector.broadcast %shift_right_logical3A : i32 to vector<2000x256xi32>
    %shift_right_logical3A_28 = arith.shrui %bitcast_convert_type3A, %shift_right_logical3A_27 : vector<2000x256xi32>
    %and3A = arith.constant 1 : i32
    %and3A_29 = vector.broadcast %and3A : i32 to vector<2000x256xi32>
    %and3A_30 = arith.andi %shift_right_logical3A_28, %and3A_29 : vector<2000x256xi32>
    %add3A_31 = arith.addi %add3A_26, %and3A_30 : vector<2000x256xi32>
    %shift_right_logical3A_32 = arith.constant 16 : i32
    %shift_right_logical3A_33 = vector.broadcast %shift_right_logical3A_32 : i32 to vector<2000x256xi32>
    %shift_right_logical3A_34 = arith.shrui %add3A_31, %shift_right_logical3A_33 : vector<2000x256xi32>
    %and3A_35 = arith.constant 65535 : i32
    %and3A_36 = vector.broadcast %and3A_35 : i32 to vector<2000x256xi32>
    %and3A_37 = arith.andi %shift_right_logical3A_34, %and3A_36 : vector<2000x256xi32>
    %slice3A_38 = vector.extract_strided_slice %and3A_37 {offsets = [0, 0], sizes = [2000, 128], strides = [1, 1]} : vector<2000x256xi32> to vector<2000x128xi32>
    %slice3A_39 = vector.extract_strided_slice %and3A_37 {offsets = [0, 128], sizes = [2000, 128], strides = [1, 1]} : vector<2000x256xi32> to vector<2000x128xi32>
    %shift_left3A = arith.constant 16 : i32
    %shift_left3A_40 = vector.broadcast %shift_left3A : i32 to vector<2000x128xi32>
    %shift_left3A_41 = arith.shli %slice3A_39, %shift_left3A_40 : vector<2000x128xi32>
    %or3A = arith.ori %slice3A_38, %shift_left3A_41 : vector<2000x128xi32>
    %swap3A = arith.constant 0 : index
    %swap3A_42 = arith.constant 0 : index
    %swap3A_43 = vector.load %arg12[%swap3A, %swap3A_42] : memref<2000x128xi32, #tpu.memory_space<vmem>>, vector<2000x128xi32>
    tpu.vector_store %arg12[%swap3A, %swap3A_42], %or3A {strides = array<i32>} : memref<2000x128xi32, #tpu.memory_space<vmem>>, vector<2000x128xi32>,
    %get3A_44 = arith.constant 0 : index
    %get3A_45 = arith.constant 0 : index
    %get3A_46 = arith.constant 0 : index
    %get3A_47 = vector.load %arg6[%get3A_44, %get3A_45, %get3A_46] : memref<1x2000x128xf32, #tpu.memory_space<vmem>>, vector<1x2000x128xf32>
    %get3A_48 = vector.shape_cast %get3A_47 : vector<1x2000x128xf32> to vector<2000x128xf32>
    %slice3A_49 = vector.extract_strided_slice %get3A_48 {offsets = [0, 0], sizes = [2000, 1], strides = [1, 1]} : vector<2000x128xf32> to vector<2000x1xf32>
    %jit3A_50 = arith.constant 1.000000e+00 : f32
    %max3A_51 = vector.broadcast %jit3A_50 : f32 to vector<2000x1xf32>
    %max3A_52 = arith.maximumf %max3A_51, %slice3A_49 : vector<2000x1xf32>
    %get3A_53 = arith.constant 0 : index
    %get3A_54 = arith.constant 0 : index
    %get3A_55 = arith.constant 0 : index
    %get3A_56 = vector.load %arg3[%get3A_53, %get3A_54, %get3A_55] : memref<1x2000x128xf32, #tpu.memory_space<vmem>>, vector<1x2000x128xf32>
    %get3A_57 = vector.shape_cast %get3A_56 : vector<1x2000x128xf32> to vector<2000x128xf32>
    %get3A_58 = arith.constant 0 : index
    %get3A_59 = arith.constant 0 : index
    %get3A_60 = arith.constant 0 : index
    %get3A_61 = vector.load %arg4[%get3A_58, %get3A_59, %get3A_60] : memref<1x2000x128xf32, #tpu.memory_space<vmem>>, vector<1x2000x128xf32>
    %get3A_62 = vector.shape_cast %get3A_61 : vector<1x2000x128xf32> to vector<2000x128xf32>
    %concatenate3A_63 = tpu.concatenate %get3A_57, %get3A_62 in 1 : vector<2000x128xf32>, vector<2000x128xf32> -> vector<2000x256xf32>
    %div3A_64 = vector.broadcast %max3A_52 : vector<2000x1xf32> to vector<2000x256xf32>
    %div3A_65 = arith.divf %concatenate3A_63, %div3A_64 : vector<2000x256xf32>
    %get3A_66 = arith.constant 0 : index
    %get3A_67 = arith.constant 0 : index
    %get3A_68 = vector.load %arg7[%get3A_66, %get3A_67] : memref<256x256xf32, #tpu.memory_space<vmem>>, vector<256x256xf32>
    %dot_general3A_69 = arith.constant dense<0.000000e+00> : vector<2000x256xf32>
    %dot_general3A_70 = tpu.matmul %div3A_65, %get3A_68, %dot_general3A_69 {dimension_numbers = #tpu.dot_dimension_numbers<[1], [0], [0], [1], [0, 0, 1, 1], [], []>, transpose_lhs_hint = false} : vector<2000x256xf32>, vector<256x256xf32>, vector<2000x256xf32> -> vector<2000x256xf32>
    %get3A_71 = arith.constant 0 : index
    %get3A_72 = arith.constant 0 : index
    %get3A_73 = vector.load %arg8[%get3A_71, %get3A_72] : memref<1x256xf32, #tpu.memory_space<vmem>>, vector<1x256xf32>
    %add3A_74 = vector.broadcast %get3A_73 : vector<1x256xf32> to vector<2000x256xf32>
    %add3A_75 = arith.addf %dot_general3A_70, %add3A_74 : vector<2000x256xf32>
    %bitcast_convert_type3A_76 = tpu.bitcast %add3A_75 : vector<2000x256xf32> -> vector<2000x256xi32>
    %add3A_77 = arith.constant 32767 : i32
    %add3A_78 = vector.broadcast %add3A_77 : i32 to vector<2000x256xi32>
    %add3A_79 = arith.addi %bitcast_convert_type3A_76, %add3A_78 : vector<2000x256xi32>
    %shift_right_logical3A_80 = arith.constant 16 : i32
    %shift_right_logical3A_81 = vector.broadcast %shift_right_logical3A_80 : i32 to vector<2000x256xi32>
    %shift_right_logical3A_82 = arith.shrui %bitcast_convert_type3A_76, %shift_right_logical3A_81 : vector<2000x256xi32>
    %and3A_83 = arith.constant 1 : i32
    %and3A_84 = vector.broadcast %and3A_83 : i32 to vector<2000x256xi32>
    %and3A_85 = arith.andi %shift_right_logical3A_82, %and3A_84 : vector<2000x256xi32>
    %add3A_86 = arith.addi %add3A_79, %and3A_85 : vector<2000x256xi32>
    %shift_right_logical3A_87 = arith.constant 16 : i32
    %shift_right_logical3A_88 = vector.broadcast %shift_right_logical3A_87 : i32 to vector<2000x256xi32>
    %shift_right_logical3A_89 = arith.shrui %add3A_86, %shift_right_logical3A_88 : vector<2000x256xi32>
    %and3A_90 = arith.constant 65535 : i32
    %and3A_91 = vector.broadcast %and3A_90 : i32 to vector<2000x256xi32>
    %and3A_92 = arith.andi %shift_right_logical3A_89, %and3A_91 : vector<2000x256xi32>
    %slice3A_93 = vector.extract_strided_slice %and3A_92 {offsets = [0, 0], sizes = [2000, 128], strides = [1, 1]} : vector<2000x256xi32> to vector<2000x128xi32>
    %slice3A_94 = vector.extract_strided_slice %and3A_92 {offsets = [0, 128], sizes = [2000, 128], strides = [1, 1]} : vector<2000x256xi32> to vector<2000x128xi32>
    %shift_left3A_95 = arith.constant 16 : i32
    %shift_left3A_96 = vector.broadcast %shift_left3A_95 : i32 to vector<2000x128xi32>
    %shift_left3A_97 = arith.shli %slice3A_94, %shift_left3A_96 : vector<2000x128xi32>
    %or3A_98 = arith.ori %slice3A_93, %shift_left3A_97 : vector<2000x128xi32>
    %swap3A_99 = arith.constant 0 : index
    %swap3A_100 = arith.constant 0 : index
    %swap3A_101 = vector.load %arg11[%swap3A_99, %swap3A_100] : memref<2000x128xi32, #tpu.memory_space<vmem>>, vector<2000x128xi32>
    tpu.vector_store %arg11[%swap3A_99, %swap3A_100], %or3A_98 {strides = array<i32>} : memref<2000x128xi32, #tpu.memory_space<vmem>>, vector<2000x128xi32>,
    return
  }
  func.func @transform_0(%arg0: i32) -> (i32, i32, i32) {
    %c0_i32 = arith.constant 0 : i32
    %c0_i32_0 = arith.constant 0 : i32
    %c0_i32_1 = arith.constant 0 : i32
    return %c0_i32, %arg0, %c0_i32_0 : i32, i32, i32
  }
  func.func @transform_1(%arg0: i32) -> (i32, i32, i32) {
    %c1_i32 = arith.constant 1 : i32
    %c0_i32 = arith.constant 0 : i32
    %c0_i32_0 = arith.constant 0 : i32
    return %c1_i32, %arg0, %c0_i32 : i32, i32, i32
  }
  func.func @transform_2(%arg0: i32) -> (i32, i32, i32) {
    %c0_i32 = arith.constant 0 : i32
    %c0_i32_0 = arith.constant 0 : i32
    %c0_i32_1 = arith.constant 0 : i32
    return %c0_i32, %arg0, %c0_i32_0 : i32, i32, i32
  }
  func.func @transform_3(%arg0: i32) -> (i32, i32, i32) {
    %c1_i32 = arith.constant 1 : i32
    %c0_i32 = arith.constant 0 : i32
    %c0_i32_0 = arith.constant 0 : i32
    return %c1_i32, %arg0, %c0_i32 : i32, i32, i32
  }
  func.func @transform_4(%arg0: i32) -> (i32, i32, i32) {
    %c0_i32 = arith.constant 0 : i32
    %c0_i32_0 = arith.constant 0 : i32
    %c0_i32_1 = arith.constant 0 : i32
    return %c0_i32, %arg0, %c0_i32_0 : i32, i32, i32
  }
  func.func @transform_5(%arg0: i32) -> (i32, i32, i32) {
    %c1_i32 = arith.constant 1 : i32
    %c0_i32 = arith.constant 0 : i32
    %c0_i32_0 = arith.constant 0 : i32
    return %c1_i32, %arg0, %c0_i32 : i32, i32, i32
  }
  func.func @transform_6(%arg0: i32) -> (i32, i32) {
    %c0_i32 = arith.constant 0 : i32
    %c0_i32_0 = arith.constant 0 : i32
    %c0_i32_1 = arith.constant 0 : i32
    return %c0_i32, %c0_i32_0 : i32, i32
  }
  func.func @transform_7(%arg0: i32) -> (i32, i32) {
    %c0_i32 = arith.constant 0 : i32
    %c0_i32_0 = arith.constant 0 : i32
    %c0_i32_1 = arith.constant 0 : i32
    return %c0_i32, %c0_i32_0 : i32, i32
  }
  func.func @transform_8(%arg0: i32) -> (i32, i32) {
    %c0_i32 = arith.constant 0 : i32
    %c0_i32_0 = arith.constant 0 : i32
    %c0_i32_1 = arith.constant 0 : i32
    return %c0_i32, %c0_i32_0 : i32, i32
  }
  func.func @transform_9(%arg0: i32) -> (i32, i32) {
    %c0_i32 = arith.constant 0 : i32
    %c0_i32_0 = arith.constant 0 : i32
    %c0_i32_1 = arith.constant 0 : i32
    return %c0_i32, %c0_i32_0 : i32, i32
  }
  func.func @transform_10(%arg0: i32) -> (i32, i32) {
    %c0_i32 = arith.constant 0 : i32
    %c0_i32_0 = arith.constant 0 : i32
    return %arg0, %c0_i32 : i32, i32
  }
  func.func @transform_11(%arg0: i32) -> (i32, i32) {
    %c0_i32 = arith.constant 0 : i32
    %c0_i32_0 = arith.constant 0 : i32
    return %arg0, %c0_i32 : i32, i32
  }
}

module attributes {stable_mosaic.version = 14 : i64} {
  func.func @_k4_body(%arg0: i32, %arg1: memref<2000x128xi32, #tpu.memory_space<vmem>>, %arg2: memref<2000x128xi32, #tpu.memory_space<vmem>>, %arg3: memref<2000x128xi32, #tpu.memory_space<vmem>>, %arg4: memref<2000x128xi32, #tpu.memory_space<vmem>>, %arg5: memref<2000x1xf32, #tpu.memory_space<vmem>>, %arg6: memref<1024x256xbf16, #tpu.memory_space<vmem>>, %arg7: memref<1x256xf32, #tpu.memory_space<vmem>>, %arg8: memref<256x64xbf16, #tpu.memory_space<vmem>>, %arg9: memref<1x64xf32, #tpu.memory_space<vmem>>, %arg10: memref<64x1xf32, #tpu.memory_space<vmem>>, %arg11: memref<1x1xf32, #tpu.memory_space<vmem>>, %arg12: memref<2000x1xf32, #tpu.memory_space<vmem>>) attributes {dimension_semantics = [#tpu.dimension_semantics<arbitrary>], iteration_bounds = array<i64: 80>, scalar_prefetch = 0 : i64, scratch_operands = 0 : i64, tpu.core_type = #tpu.core_type<tc>, window_params = [{transform_indices = @transform_0, window_bounds = array<i64: 2000, 128>}, {transform_indices = @transform_1, window_bounds = array<i64: 2000, 128>}, {transform_indices = @transform_2, window_bounds = array<i64: 2000, 128>}, {transform_indices = @transform_3, window_bounds = array<i64: 2000, 128>}, {transform_indices = @transform_4, window_bounds = array<i64: 2000, 1>}, {pipeline_mode = #tpu.pipeline_mode<synchronous>, transform_indices = @transform_5, window_bounds = array<i64: 1024, 256>}, {pipeline_mode = #tpu.pipeline_mode<synchronous>, transform_indices = @transform_6, window_bounds = array<i64: 1, 256>}, {pipeline_mode = #tpu.pipeline_mode<synchronous>, transform_indices = @transform_7, window_bounds = array<i64: 256, 64>}, {pipeline_mode = #tpu.pipeline_mode<synchronous>, transform_indices = @transform_8, window_bounds = array<i64: 1, 64>}, {pipeline_mode = #tpu.pipeline_mode<synchronous>, transform_indices = @transform_9, window_bounds = array<i64: 64, 1>}, {pipeline_mode = #tpu.pipeline_mode<synchronous>, transform_indices = @transform_10, window_bounds = array<i64: 1, 1>}, {transform_indices = @transform_11, window_bounds = array<i64: 2000, 1>}]} {
    %get3A = arith.constant 0 : index
    %get3A_0 = arith.constant 0 : index
    %get3A_1 = vector.load %arg1[%get3A, %get3A_0] : memref<2000x128xi32, #tpu.memory_space<vmem>>, vector<2000x128xi32>
    %shift_left3A = arith.constant 16 : i32
    %shift_left3A_2 = vector.broadcast %shift_left3A : i32 to vector<2000x128xi32>
    %shift_left3A_3 = arith.shli %get3A_1, %shift_left3A_2 : vector<2000x128xi32>
    %bitcast_convert_type3A = tpu.bitcast %shift_left3A_3 : vector<2000x128xi32> -> vector<2000x128xf32>
    %bitcast_convert_type3A_4 = tpu.bitcast %get3A_1 : vector<2000x128xi32> -> vector<2000x128xf32>
    %convert_element_type3A = arith.truncf %bitcast_convert_type3A : vector<2000x128xf32> to vector<2000x128xbf16>
    %convert_element_type3A_5 = arith.truncf %bitcast_convert_type3A_4 : vector<2000x128xf32> to vector<2000x128xbf16>
    %get3A_6 = arith.constant 0 : index
    %get3A_7 = arith.constant 0 : index
    %get3A_8 = vector.load %arg2[%get3A_6, %get3A_7] : memref<2000x128xi32, #tpu.memory_space<vmem>>, vector<2000x128xi32>
    %shift_left3A_9 = arith.constant 16 : i32
    %shift_left3A_10 = vector.broadcast %shift_left3A_9 : i32 to vector<2000x128xi32>
    %shift_left3A_11 = arith.shli %get3A_8, %shift_left3A_10 : vector<2000x128xi32>
    %bitcast_convert_type3A_12 = tpu.bitcast %shift_left3A_11 : vector<2000x128xi32> -> vector<2000x128xf32>
    %bitcast_convert_type3A_13 = tpu.bitcast %get3A_8 : vector<2000x128xi32> -> vector<2000x128xf32>
    %convert_element_type3A_14 = arith.truncf %bitcast_convert_type3A_12 : vector<2000x128xf32> to vector<2000x128xbf16>
    %convert_element_type3A_15 = arith.truncf %bitcast_convert_type3A_13 : vector<2000x128xf32> to vector<2000x128xbf16>
    %get3A_16 = arith.constant 0 : index
    %get3A_17 = arith.constant 0 : index
    %get3A_18 = vector.load %arg3[%get3A_16, %get3A_17] : memref<2000x128xi32, #tpu.memory_space<vmem>>, vector<2000x128xi32>
    %shift_left3A_19 = arith.constant 16 : i32
    %shift_left3A_20 = vector.broadcast %shift_left3A_19 : i32 to vector<2000x128xi32>
    %shift_left3A_21 = arith.shli %get3A_18, %shift_left3A_20 : vector<2000x128xi32>
    %bitcast_convert_type3A_22 = tpu.bitcast %shift_left3A_21 : vector<2000x128xi32> -> vector<2000x128xf32>
    %bitcast_convert_type3A_23 = tpu.bitcast %get3A_18 : vector<2000x128xi32> -> vector<2000x128xf32>
    %convert_element_type3A_24 = arith.truncf %bitcast_convert_type3A_22 : vector<2000x128xf32> to vector<2000x128xbf16>
    %convert_element_type3A_25 = arith.truncf %bitcast_convert_type3A_23 : vector<2000x128xf32> to vector<2000x128xbf16>
    %get3A_26 = arith.constant 0 : index
    %get3A_27 = arith.constant 0 : index
    %get3A_28 = vector.load %arg4[%get3A_26, %get3A_27] : memref<2000x128xi32, #tpu.memory_space<vmem>>, vector<2000x128xi32>
    %shift_left3A_29 = arith.constant 16 : i32
    %shift_left3A_30 = vector.broadcast %shift_left3A_29 : i32 to vector<2000x128xi32>
    %shift_left3A_31 = arith.shli %get3A_28, %shift_left3A_30 : vector<2000x128xi32>
    %bitcast_convert_type3A_32 = tpu.bitcast %shift_left3A_31 : vector<2000x128xi32> -> vector<2000x128xf32>
    %bitcast_convert_type3A_33 = tpu.bitcast %get3A_28 : vector<2000x128xi32> -> vector<2000x128xf32>
    %convert_element_type3A_34 = arith.truncf %bitcast_convert_type3A_32 : vector<2000x128xf32> to vector<2000x128xbf16>
    %convert_element_type3A_35 = arith.truncf %bitcast_convert_type3A_33 : vector<2000x128xf32> to vector<2000x128xbf16>
    %mul3A = arith.mulf %convert_element_type3A, %convert_element_type3A_24 : vector<2000x128xbf16>
    %mul3A_36 = arith.mulf %convert_element_type3A_5, %convert_element_type3A_25 : vector<2000x128xbf16>
    %mul3A_37 = arith.mulf %convert_element_type3A, %convert_element_type3A_14 : vector<2000x128xbf16>
    %mul3A_38 = arith.mulf %convert_element_type3A_5, %convert_element_type3A_15 : vector<2000x128xbf16>
    %mul3A_39 = arith.mulf %convert_element_type3A_34, %convert_element_type3A_24 : vector<2000x128xbf16>
    %mul3A_40 = arith.mulf %convert_element_type3A_35, %convert_element_type3A_25 : vector<2000x128xbf16>
    %mul3A_41 = arith.mulf %convert_element_type3A_34, %convert_element_type3A_14 : vector<2000x128xbf16>
    %mul3A_42 = arith.mulf %convert_element_type3A_35, %convert_element_type3A_15 : vector<2000x128xbf16>
    %concatenate3A = tpu.concatenate %mul3A, %mul3A_36, %mul3A_37, %mul3A_38, %mul3A_39, %mul3A_40, %mul3A_41, %mul3A_42 in 1 : vector<2000x128xbf16>, vector<2000x128xbf16>, vector<2000x128xbf16>, vector<2000x128xbf16>, vector<2000x128xbf16>, vector<2000x128xbf16>, vector<2000x128xbf16>, vector<2000x128xbf16> -> vector<2000x1024xbf16>
    %get3A_43 = arith.constant 0 : index
    %get3A_44 = arith.constant 0 : index
    %get3A_45 = vector.load %arg6[%get3A_43, %get3A_44] : memref<1024x256xbf16, #tpu.memory_space<vmem>>, vector<1024x256xbf16>
    %dot_general3A = arith.constant dense<0.000000e+00> : vector<2000x256xf32>
    %dot_general3A_46 = tpu.matmul %concatenate3A, %get3A_45, %dot_general3A {dimension_numbers = #tpu.dot_dimension_numbers<[1], [0], [0], [1], [0, 0, 1, 1], [], []>, transpose_lhs_hint = false} : vector<2000x1024xbf16>, vector<1024x256xbf16>, vector<2000x256xf32> -> vector<2000x256xf32>
    %get3A_47 = arith.constant 0 : index
    %get3A_48 = arith.constant 0 : index
    %get3A_49 = vector.load %arg7[%get3A_47, %get3A_48] : memref<1x256xf32, #tpu.memory_space<vmem>>, vector<1x256xf32>
    %add3A = vector.broadcast %get3A_49 : vector<1x256xf32> to vector<2000x256xf32>
    %add3A_50 = arith.addf %dot_general3A_46, %add3A : vector<2000x256xf32>
    %max3A = arith.constant 0.000000e+00 : f32
    %max3A_51 = vector.broadcast %max3A : f32 to vector<2000x256xf32>
    %max3A_52 = arith.maximumf %add3A_50, %max3A_51 : vector<2000x256xf32>
    %convert_element_type3A_53 = arith.truncf %max3A_52 : vector<2000x256xf32> to vector<2000x256xbf16>
    %get3A_54 = arith.constant 0 : index
    %get3A_55 = arith.constant 0 : index
    %get3A_56 = vector.load %arg8[%get3A_54, %get3A_55] : memref<256x64xbf16, #tpu.memory_space<vmem>>, vector<256x64xbf16>
    %dot_general3A_57 = arith.constant dense<0.000000e+00> : vector<2000x64xf32>
    %dot_general3A_58 = tpu.matmul %convert_element_type3A_53, %get3A_56, %dot_general3A_57 {dimension_numbers = #tpu.dot_dimension_numbers<[1], [0], [0], [1], [0, 0, 1, 1], [], []>, transpose_lhs_hint = false} : vector<2000x256xbf16>, vector<256x64xbf16>, vector<2000x64xf32> -> vector<2000x64xf32>
    %get3A_59 = arith.constant 0 : index
    %get3A_60 = arith.constant 0 : index
    %get3A_61 = vector.load %arg9[%get3A_59, %get3A_60] : memref<1x64xf32, #tpu.memory_space<vmem>>, vector<1x64xf32>
    %add3A_62 = vector.broadcast %get3A_61 : vector<1x64xf32> to vector<2000x64xf32>
    %add3A_63 = arith.addf %dot_general3A_58, %add3A_62 : vector<2000x64xf32>
    %max3A_64 = arith.constant 0.000000e+00 : f32
    %max3A_65 = vector.broadcast %max3A_64 : f32 to vector<2000x64xf32>
    %max3A_66 = arith.maximumf %add3A_63, %max3A_65 : vector<2000x64xf32>
    %get3A_67 = arith.constant 0 : index
    %get3A_68 = arith.constant 0 : index
    %get3A_69 = vector.load %arg10[%get3A_67, %get3A_68] : memref<64x1xf32, #tpu.memory_space<vmem>>, vector<64x1xf32>
    %dot_general3A_70 = arith.constant dense<0.000000e+00> : vector<2000x1xf32>
    %dot_general3A_71 = tpu.matmul %max3A_66, %get3A_69, %dot_general3A_70 {dimension_numbers = #tpu.dot_dimension_numbers<[1], [0], [0], [1], [0, 0, 1, 1], [], []>, transpose_lhs_hint = false} : vector<2000x64xf32>, vector<64x1xf32>, vector<2000x1xf32> -> vector<2000x1xf32>
    %get3A_72 = arith.constant 0 : index
    %get3A_73 = arith.constant 0 : index
    %get3A_74 = vector.load %arg11[%get3A_72, %get3A_73] : memref<1x1xf32, #tpu.memory_space<vmem>>, vector<1x1xf32>
    %add3A_75 = vector.broadcast %get3A_74 : vector<1x1xf32> to vector<2000x1xf32>
    %add3A_76 = arith.addf %dot_general3A_71, %add3A_75 : vector<2000x1xf32>
    %get3A_77 = arith.constant 0 : index
    %get3A_78 = arith.constant 0 : index
    %get3A_79 = vector.load %arg5[%get3A_77, %get3A_78] : memref<2000x1xf32, #tpu.memory_space<vmem>>, vector<2000x1xf32>
    %add3A_80 = arith.addf %add3A_76, %get3A_79 : vector<2000x1xf32>
    %swap3A = arith.constant 0 : index
    %swap3A_81 = arith.constant 0 : index
    %swap3A_82 = vector.load %arg12[%swap3A, %swap3A_81] : memref<2000x1xf32, #tpu.memory_space<vmem>>, vector<2000x1xf32>
    tpu.vector_store %arg12[%swap3A, %swap3A_81], %add3A_80 {strides = array<i32>} : memref<2000x1xf32, #tpu.memory_space<vmem>>, vector<2000x1xf32>,
    return
  }
  func.func @transform_0(%arg0: i32) -> (i32, i32) {
    %c0_i32 = arith.constant 0 : i32
    %c0_i32_0 = arith.constant 0 : i32
    return %arg0, %c0_i32 : i32, i32
  }
  func.func @transform_1(%arg0: i32) -> (i32, i32) {
    %c0_i32 = arith.constant 0 : i32
    %c0_i32_0 = arith.constant 0 : i32
    return %arg0, %c0_i32 : i32, i32
  }
  func.func @transform_2(%arg0: i32) -> (i32, i32) {
    %c0_i32 = arith.constant 0 : i32
    %c0_i32_0 = arith.constant 0 : i32
    return %arg0, %c0_i32 : i32, i32
  }
  func.func @transform_3(%arg0: i32) -> (i32, i32) {
    %c0_i32 = arith.constant 0 : i32
    %c0_i32_0 = arith.constant 0 : i32
    return %arg0, %c0_i32 : i32, i32
  }
  func.func @transform_4(%arg0: i32) -> (i32, i32) {
    %c0_i32 = arith.constant 0 : i32
    %c0_i32_0 = arith.constant 0 : i32
    return %arg0, %c0_i32 : i32, i32
  }
  func.func @transform_5(%arg0: i32) -> (i32, i32) {
    %c0_i32 = arith.constant 0 : i32
    %c0_i32_0 = arith.constant 0 : i32
    %c0_i32_1 = arith.constant 0 : i32
    return %c0_i32, %c0_i32_0 : i32, i32
  }
  func.func @transform_6(%arg0: i32) -> (i32, i32) {
    %c0_i32 = arith.constant 0 : i32
    %c0_i32_0 = arith.constant 0 : i32
    %c0_i32_1 = arith.constant 0 : i32
    return %c0_i32, %c0_i32_0 : i32, i32
  }
  func.func @transform_7(%arg0: i32) -> (i32, i32) {
    %c0_i32 = arith.constant 0 : i32
    %c0_i32_0 = arith.constant 0 : i32
    %c0_i32_1 = arith.constant 0 : i32
    return %c0_i32, %c0_i32_0 : i32, i32
  }
  func.func @transform_8(%arg0: i32) -> (i32, i32) {
    %c0_i32 = arith.constant 0 : i32
    %c0_i32_0 = arith.constant 0 : i32
    %c0_i32_1 = arith.constant 0 : i32
    return %c0_i32, %c0_i32_0 : i32, i32
  }
  func.func @transform_9(%arg0: i32) -> (i32, i32) {
    %c0_i32 = arith.constant 0 : i32
    %c0_i32_0 = arith.constant 0 : i32
    %c0_i32_1 = arith.constant 0 : i32
    return %c0_i32, %c0_i32_0 : i32, i32
  }
  func.func @transform_10(%arg0: i32) -> (i32, i32) {
    %c0_i32 = arith.constant 0 : i32
    %c0_i32_0 = arith.constant 0 : i32
    %c0_i32_1 = arith.constant 0 : i32
    return %c0_i32, %c0_i32_0 : i32, i32
  }
  func.func @transform_11(%arg0: i32) -> (i32, i32) {
    %c0_i32 = arith.constant 0 : i32
    %c0_i32_0 = arith.constant 0 : i32
    return %arg0, %c0_i32 : i32, i32
  }
}

</mosaic_0001>

<sc_bundles>
// kernel: kernel.6.cloned.1.call-start
scs
__scs_entry_jumppad:
0x0: {  	(pc) =	sbr.rel $0x88, $3  }
0x1: {  	(tag) =	ssettag $0x0;
	lr =	simm.s32 $0x1  }
0x2: {  	[smem:$0x3F92] =	sst lr;
	_ =	strace $0xD0000000  }
0x3: {  	_ = 	snop  }
0x4: {  	_ = 	snop  }
0x5: {  	_ = 	snop  }
0x6: {  	_ = 	snop  }
0x7: {  	_ = 	snop  }
__scs_overlays_trampoline_lowered:
0x8: {  	[smem:$0x3FA1] =	sst s0  }
0x9: {  	[smem:$0x3FA2] =	sst s1  }
0xa: {  	[smem:$0x3FA3] =	sst s2  }
0xb: {  	[smem:$0x3FA4] =	sst s3  }
0xc: {  	[smem:$0x3FA5] =	sst s4  }
0xd: {  	[smem:$0x3FA6] =	sst s5  }
0xe: {  	[smem:$0x3FA7] =	sst s6  }
0xf: {  	[smem:$0x3FA8] =	sst s7  }
0x10: {  	[smem:$0x3FA9] =	sst s8  }
0x11: {  	[smem:$0x3FAA] =	sst s9;
	s0 =	simm.s32 @!p0 $0x0  }
0x12: {  	s1 =	sld [smem:$0x3F90];
	s0 =	simm.s32 @p0 $0x1  }
0x13: {  	[smem:$0x3FAB] =	sst s0;
	s0 =	simm.s32 @!p1 $0x0  }
0x14: {  	s2 =	sld [smem:$0x3F8F];
	s0 =	simm.s32 @p1 $0x1  }
0x15: {  	[smem:$0x3FAC] =	sst s0;
	s0 =	simm.s32 @!p2 $0x0  }
0x16: {  	s3 =	sld [smem:$0x3FDB];
	s0 =	simm.s32 @p2 $0x1  }
0x17: {  	s4 =	simm.s32 $0x1BF5;
	[smem:$0x3FAE] =	sst s0  }
0x18: {  	s0 =	sld [smem:$0x3F91];
	_ =	swait.ge [sflag:s4], $0x0  }
0x19: {  	s7 =	sld [smem:$0x3F92]  }
0x1a: {  	s8 =	sadd.s32 $0xFFFFE003, lr  }
0x1b: {  	s9 =	sadd.s32 $0xFFFFFEF7, lr;
	s5 =	simm.s32 $0xFFFFFFFF;
	p2 =	slt.u32 s8, $0xFFFFF086  }
0x1c: {  	p1 =	slt.u32 s9, $0xF7A;
	s5 =	simm.s32 @!p2 $0x0  }
0x1d: {  	s5 =	simm.s32 @p1 $0x1;
	p0 =	seq.s32 s7, s2  }
0x1e: {  	s7 =	smul.u32 @!p0 $0xF7A, s2;
	p2 =	seq.s32 @!p0 s5, $0x0  }
0x1f: {  	s9 =	smul.u32 $0xF7A, s1;
	s8 =	simm.s32 @!p0 $0x1BF5;
	p2 =	por !p2, p0  }
0x20: {  	[sflag:s8] =	ssyncset.s32 @!p0 $0xFFFFF086;
	s6 =	sadd.s32 @!p0 s3, s7;
	s7 =	simm.s32 @!p0 $0x108  }
0x21: {  	s3 =	sadd.s32 s3, s9;
	s6 =	sadd.s32 @!p0 $0x88, s6;
	s7 =	simm.s32 @p2 $0x1082  }
0x22: {  	[simem:s7], [sflag:s8] =	dma.local @!p0 [hbm:s6], $0xF7A  }
0x23: {  	s9 =	sor.u32 $0xD0000000, s2;
	s6 =	simm.s32 $0x108;
	_ =	swait.ge @!p0 [sflag:s8], $0x0  }
0x24: {  	s3 =	sadd.s32 $0x88, s3;
	s6 =	simm.s32 @!p1 $0x1082;
	[sflag:s4] =	ssyncset.s32 $0xFFFFF086  }
0x25: {  	[simem:s6], [sflag:s4] =	dma.local [hbm:s3], $0xF7A  }
0x26: {  	[smem:$0x3F92] =	sst s1;
	(tag) =	ssettag s2;
	_ =	strace s9  }
0x27: {  	s1 =	sld [smem:$0x3FA2]  }
0x28: {  	s2 =	sld [smem:$0x3FA3]  }
0x29: {  	s4 =	sld [smem:$0x3FA5]  }
0x2a: {  	p0 =	seq.s32 s5, $0x0;
	s5 =	sld [smem:$0x3FA6]  }
0x2b: {  	s6 =	sld [smem:$0x3FA7]  }
0x2c: {  	s7 =	sld [smem:$0x3FA8]  }
0x2d: {  	s3 =	simm.s32 $0x108;
	s8 =	sld [smem:$0x3FA9]  }
0x2e: {  	s3 =	simm.s32 @!p0 $0x1082;
	s9 =	sld [smem:$0x3FAA]  }
0x2f: {  	lr =	sadd.s32 s0, s3;
	s0 =	sld [smem:$0x3FA1]  }
0x30: {  	s3 =	sld [smem:$0x3FA4]  }
0x31: {  	[smem:$0x3FAD] =	sst s10  }
0x32: {  	s10 =	sld [smem:$0x3FAB];
	_ =	sdelay $0x3  }
0x33: {  	p0 =	seq.s32 s10, $0x1;
	s10 =	sld [smem:$0x3FAD];
	_ =	sdelay $0x3  }
0x34: {  	[smem:$0x3FAD] =	sst s10  }
0x35: {  	s10 =	sld [smem:$0x3FAC];
	_ =	sdelay $0x3  }
0x36: {  	p1 =	seq.s32 s10, $0x1;
	s10 =	sld [smem:$0x3FAD];
	_ =	sdelay $0x3  }
0x37: {  	[smem:$0x3FAD] =	sst s10  }
0x38: {  	s10 =	sld [smem:$0x3FAE]  }
0x39: {  	_ = 	snop;
	(pc) =	sbr.ind lr, $3  }
0x3a: {  	_ = 	snop  }
0x3b: {  	_ = 	snop  }
0x3c: {  	p2 =	seq.s32 s10, $0x1;
	s10 =	sld [smem:$0x3FAD]  }
0x3d: {  	_ =	shalt  }
0x3e: {  	_ =	shalt  }
0x3f: {  	_ =	shalt  }
0x40: {  	_ =	shalt  }
0x41: {  	_ =	shalt  }
0x42: {  	_ =	shalt  }
0x43: {  	_ =	shalt  }
0x44: {  	_ =	shalt  }
0x45: {  	_ =	shalt  }
0x46: {  	_ =	shalt  }
0x47: {  	_ =	shalt  }
0x48: {  	_ =	shalt  }
0x49: {  	_ =	shalt  }
0x4a: {  	_ =	shalt  }
0x4b: {  	_ =	shalt  }
0x4c: {  	_ =	shalt  }
0x4d: {  	_ =	shalt  }
0x4e: {  	_ =	shalt  }
0x4f: {  	_ =	shalt  }
0x50: {  	_ =	shalt  }
0x51: {  	_ =	shalt  }
0x52: {  	_ =	shalt  }
0x53: {  	_ =	shalt  }
0x54: {  	_ =	shalt  }
0x55: {  	_ =	shalt  }
0x56: {  	_ =	shalt  }
0x57: {  	_ =	shalt  }
0x58: {  	_ =	shalt  }
0x59: {  	_ =	shalt  }
0x5a: {  	_ =	shalt  }
0x5b: {  	_ =	shalt  }
0x5c: {  	_ =	shalt  }
0x5d: {  	_ =	shalt  }
0x5e: {  	_ =	shalt  }
0x5f: {  	_ =	shalt  }
0x60: {  	_ =	shalt  }
0x61: {  	_ =	shalt  }
0x62: {  	_ =	shalt  }
0x63: {  	_ =	shalt  }
0x64: {  	_ =	shalt  }
0x65: {  	_ =	shalt  }
0x66: {  	_ =	shalt  }
0x67: {  	_ =	shalt  }
0x68: {  	_ =	shalt  }
0x69: {  	_ =	shalt  }
0x6a: {  	_ =	shalt  }
0x6b: {  	_ =	shalt  }
0x6c: {  	_ =	shalt  }
0x6d: {  	_ =	shalt  }
0x6e: {  	_ =	shalt  }
0x6f: {  	_ =	shalt  }
0x70: {  	_ =	shalt  }
0x71: {  	_ =	shalt  }
0x72: {  	_ =	shalt  }
0x73: {  	_ =	shalt  }
0x74: {  	_ =	shalt  }
0x75: {  	_ =	shalt  }
0x76: {  	_ =	shalt  }
0x77: {  	_ =	shalt  }
0x78: {  	_ =	shalt  }
0x79: {  	_ =	shalt  }
0x7a: {  	_ =	shalt  }
0x7b: {  	_ =	shalt  }
0x7c: {  	_ =	shalt  }
0x7d: {  	_ =	shalt  }
0x7e: {  	_ =	shalt  }
0x7f: {  	_ =	shalt  }
0x80: {  	_ =	shalt  }
0x81: {  	_ =	shalt  }
0x82: {  	_ =	shalt  }
0x83: {  	_ =	shalt  }
0x84: {  	_ =	shalt  }
0x85: {  	_ =	shalt  }
0x86: {  	_ =	shalt  }
0x87: {  	_ =	shalt  }
.Lfunc_end0:
.L_simem_size_0:
called_computation_lowered:
.L_overlay_start_0:
0x88: {  	s2 =	sld [smem:$0x3FD9]  }
0x89: {  	s3 =	sld [smem:$0x3FFE];
	_ =	sdelay $0x1  }
0x8a: {  	s1 =	srdreg.scid  }
0x8b: {  	s0 =	sand.u32 $0x1, s1  }
0x8c: {  	s17 =	sshll.u32 s0, $0xA;
	s2 =	sadd.s32 s3, s2  }
0x8d: {  	s2 =	sadd.s32 s2, s17  }
0x8e: {  	[smem:$0x3FB9] =	sst s2  }
0x8f: {  	_ = 	snop  }
0x90: {  	s2 =	sld [smem:$0x3FBC]  }
0x91: {  	s18 =	sld [smem:$0x3FBB]  }
0x92: {  	s4 =	sld [smem:$0x3FD0];
	(tm) =	ssettm $0x1  }
0x93: {  	s5 =	sld [smem:$0x3FFB];
	_ =	sdelay $0x3  }
0x94: {  	_ =	strace s5  }
0x95: {  	s5 =	sld [smem:$0x3FFC];
	_ =	sdelay $0x3  }
0x96: {  	_ =	strace s5  }
0x97: {  	s5 =	sld [smem:$0x3FFD];
	_ =	sdelay $0x3  }
0x98: {  	_ =	strace s5  }
0x99: {  	_ =	strace $0x8FFFFFFF  }
0x9a: {  	s19 =	sld [smem:$0x3FDB];
	_ =	sdelay $0x1  }
0x9b: {  	s6 =	simm.s32 $_scs_section_size  }
0x9c: {  	s7 =	simm.s32 $_size__tile_overlayer_lowered;
	s8 =	simm.s32 $_tile_overlayer_lowered  }
0x9d: {  	s22 =	simm.s32 $0x1BFF;
	s21 =	sshll.u32 s8, $0x1;
	s5 =	sadd.s32 s6, s19  }
0x9e: {  	s9 =	simm.s32 $0x0;
	s20 =	sshll.u32 s7, $0x1;
	s7 =	sadd.s32 s21, s5  }
0x9f: {  	[timem:s9], [sflag:s22] =	dma.local [hbm:s7], s20  }
0xa0: {  	_ =	swait.ge [sflag:s22], s20  }
0xa1: {  	s6 =	ssub.s32 $0x0, s20;
	[sflag:s22] =	ssyncset.done $0x0  }
0xa2: {  	[sflag:s22] =	ssyncadd.s32 s6;
	_ =	sdelay $0x1  }
0xa3: {  	s23 =	simm.s32 $0x1B8B  }
0xa4: {  	_ =	swait.ge [sflag:s23], $0x1  }
0xa5: {  	[sflag:s23] =	ssyncset.done $0x0  }
0xa6: {  	s25 =	simm.s32 $0x1B8E;
	s24 =	sld [smem:$0x3FFE];
	[sflag:s23] =	ssyncadd.s32 $0xFFFFFFFF  }
0xa7: {  	s26 =	simm.s32 $execute0_lowered;
	[smem:$0x3FD2] =	sst s25  }
0xa8: {  	s7 =	sshll.u32 s26, $0x1;
	_ =	strace $0x80000046;
	[dreg:$0x1] =	wrdreg $0xFFFFFFFF  }
0xa9: {  	s28 =	simm.s32 $_size_execute0_lowered;
	s5 =	sadd.s32 s5, s7;
	[dreg:$0x0] =	wrdreg $0x0  }
0xaa: {  	s7 =	sshll.u32 s28, $0x1;
	[dreg:$0x2] =	wrdreg s5  }
0xab: {  	[dreg:$0x3] =	wrdreg s7  }
0xac: {  	[dreg:$0x4] =	wrdreg $0xC0  }
0xad: {  	_ =	task [dreg:s9], $0x5FFFF  }
0xae: {  	[dreg:$0x1] =	wrdreg $0xFFFFFFFF  }
0xaf: {  	[dreg:$0x0] =	wrdreg $0x60  }
0xb0: {  	[dreg:$0x2] =	wrdreg s24  }
0xb1: {  	[dreg:$0x3] =	wrdreg s2  }
0xb2: {  	[dreg:$0x4] =	wrdreg s18  }
0xb3: {  	[dreg:$0x5] =	wrdreg s4  }
0xb4: {  	[dreg:$0x6] =	wrdreg $0x0  }
0xb5: {  	[dreg:$0x7] =	wrdreg $0x9  }
0xb6: {  	_ =	task.clear_ibuf [dreg:s9], $0x8FFFF;
	_ =	strace $0x90000046  }
0xb7: {  	s29 =	simm.s32 $0x9;
	_ =	strace $0x80000048  }
0xb8: {  	_ =	swait.ge [sflag:s29], $0x1  }
0xb9: {  	[sflag:s29] =	ssyncadd.s32 $0xFFFFFFFF  }
0xba: {  	_ =	strace $0x90000048  }
0xbb: {  	_ =	sfence  }
0xbc: {  	s30 =	sld [smem:$0x0];
	_ =	sdelay $0x2  }
0xbd: {  	s31 =	sshll.u32 s1, $0xD;
	s1 =	sshrl.u32 s1, $0x2  }
0xbe: {  	s3 =	sand.u32 $0x4000, s31;
	s1 =	sadd.s32 s1, s30  }
0xbf: {  	s0 =	sor.u32 s3, s0;
	s1 =	sshll.u32 s1, $0x11  }
0xc0: {  	s0 =	sor.u32 s1, s0  }
0xc1: {  	s0 =	sadd.s32 $0x8F2B, s0  }
0xc2: {  	[sflag:s0] =	ssyncadd.remote.s32 $0x1  }
0xc3: {  	_ =	sfence.sel $0xFFFF  }
0xc4: {  	[dreg:$0x0] =	wrdreg $0xFFFFFFFF;
	(pc) =	sbr.abs _section_cstart, $3  }
0xc5: {  	[dreg:$0x1] =	wrdreg $0xFFFFFFFF  }
0xc6: {  	_ =	task.clear_ibuf [dreg:s9], $0x2FFFF;
	_ =	strace $0x9FFFFFFF  }
0xc7: {  	(tm) =	ssettm $0x7FFFFFFF  }
tec
execute0_lowered:
.L_overlay_start_1:
0x0: {  	(tag) =	ssettag $0x1  }
0x1: {  	s0 =	rddreg [dreg:$0x0]  }
0x2: {  	s1 =	rddreg [dreg:$0x1]  }
0x3: {  	s2 =	rddreg [dreg:$0x2]  }
0x4: {  	s3 =	rddreg [dreg:$0x4];
	s4 =	simm.s32 $0x0  }
0x5: {  	s14 =	stileid.u32;
	s5 =	srdreg.scid;
	s28 =	simm.s32 $0x2  }
0x6: {  	s29 =	simm.s32 $0x163D0;
	s30 =	simm.s32 $0x1B300;
	s31 =	simm.s32 $0x4  }
0x7: {  	[smem:$0x7FF] =	sst s4;
	s9 =	smul.u32 $0x13C00, s14;
	s12 =	sand.u32 $0x1, s5  }
0x8: {  	s5 =	sadd.s32 $0x52000, s0;
	s6 =	sadd.s32 $0x79200, s0;
	s13 =	smul.u32 $0x4F000, s14  }
0x9: {  	s7 =	sadd.s32 $0x2AE00, s0;
	s8 =	sadd.s32 $0x3C00, s0;
	s22 =	smul.u32 $0x4E2, s14  }
0xa: {  	s23 =	sshll.u32 s14, $0x6;
	_ =	strace $0x80000047;
	s10 =	smul.u32 $0x13C000, s12  }
0xb: {  	s19 =	ssub.s32 $0x2, s12;
	p0 =	seq.s32 s12, $0x0;
	s15 =	smov.u32 s6  }
0xc: {  	s18 =	smov.u32 s8;
	s11 =	sshrl.u32 s9, $0x3;
	s20 =	sshrl.u32 s19, $0x1  }
0xd: {  	s21 =	sshrl.u32 s13, $0x2;
	s12 =	sadd.s32 s2, s22;
	s15 =	smov.u32 @p0 s5  }
0xe: {  	s18 =	smov.u32 @p0 s7;
	s9 =	sadd.s32 s9, s10;
	s11 =	sadd.s32 s11, s0  }
0xf: {  	s17 =	ssub.s32 s19, s20;
	s19 =	sadd.s32 s21, s3;
	s10 =	sor.u32 $0x1C05, s23  }
0x10: {  	s20 =	simm.s32 $0x5;
	s23 =	simm.s32 $0x1;
	s9 =	sshrl.u32 s9, $0x3  }
0x11: {  	s26 =	smax.u32 s17, $0x1;
	s19 =	sshrl.u32 s19, $0x3;
	s0 =	sadd.s32 s9, s0  }
0x12: {  	s9 =	sadd.s32 $0xA0400, s11;
	[dreg:$0x9] =	wrdreg s26;
	s24 =	sadd.s32 $0xC7C00, s0  }
0x13: {  	s11 =	sadd.s32 s1, s22;
	s25 =	sadd.s32 $0x116C00, s0;
	[dreg:$0x6] =	wrdreg s24  }
0x14: {  	s22 =	simm.s32 $0x16380;
	s0 =	sadd.s32 $0x165C00, s0;
	[dreg:$0x7] =	wrdreg s25  }
0x15: {  	s26 =	simm.s32 $0x3;
	s1 =	simm.s32 $0x0;
	[dreg:$0x8] =	wrdreg s0  }
0x16: {  	s24 =	simm.s32 $0x50;
	s25 =	simm.s32 $0x18B00;
	s0 =	simm.s32 $0x18A40  }
.LBB2_1:
0x17: {  	[spmem:s19], [sflag:s10] =	dma.local [hbm:s9], $0x2780  }
0x18: {  	_ =	swait.ge [sflag:s20], $0x2780  }
0x19: {  	[sflag:s20] =	ssyncset.done $0x0  }
0x1a: {  	s2 =	simm.s32 $0x13C00;
	[sflag:s20] =	ssyncadd.s32 $0xFFFFD880  }
0x1b: {  	[tilespmem:s2], [sflag:$0x5] =	stream.linear.gather [hbm4b:s11+s4], $0x2710, $0x38;
	[tilespmem:$0x1DB00] =	vst v63  }
0x1c: {  	_ =	swait.ge [sflag:s20], $0x2710  }
0x1d: {  	[sflag:s20] =	ssyncset.done $0x0  }
0x1e: {  	[sflag:s20] =	ssyncadd.s32 $0xFFFFD8F0  }
0x1f: {  	[tilespmem:s22], [sflag:$0x5] =	stream.linear.gather [hbm4b:s12+s4], $0x2710, $0x38;
	[tilespmem:$0x1DB00] =	vst v63  }
0x20: {  	_ =	swait.ge [sflag:s20], $0x2710  }
0x21: {  	[sflag:s20] =	ssyncset.done $0x0  }
0x22: {  	s13 =	simm.s32 @p0 $0x13C00;
	[sflag:s20] =	ssyncadd.s32 $0xFFFFD8F0  }
0x23: {  	s14 =	simm.s32 @p0 $0x18B00;
	s2 =	simm.s32 @p0 $0x50;
	[bflag:$0x0] =	sbarrier.arrive $0xFFFF  }
0x24: {  	[tilespmem:s14], [sflag:$0x1] =	stream.indirect.gather @p0 [hbm4b:s5+s2], $0x80, s13, s2, $0xb8;
	[tilespmem:$0x1DB00] =	vst v63  }
0x25: {  	s16 =	simm.s32 @p0 $0x1B300;
	s13 =	simm.s32 @p0 $0x13C50  }
0x26: {  	[tilespmem:s16], [sflag:$0x2] =	stream.indirect.gather @p0 [hbm4b:s5+s2], $0x80, s13, s2, $0xb8;
	[tilespmem:$0x1DB00] =	vst v63  }
0x27: {  	s17 =	simm.s32 @!p0 $0x18B00;
	s13 =	simm.s32 @!p0 $0x50;
	s16 =	simm.s32 @!p0 $0x13C00  }
0x28: {  	[tilespmem:s17], [sflag:$0x1] =	stream.indirect.gather @!p0 [hbm4b:s6+s13], $0x80, s16, s13, $0xb8;
	[tilespmem:$0x1DB00] =	vst v63  }
0x29: {  	s21 =	simm.s32 @!p0 $0x1B300;
	s16 =	simm.s32 @!p0 $0x13C50  }
0x2a: {  	[tilespmem:s21], [sflag:$0x2] =	stream.indirect.gather @!p0 [hbm4b:s6+s13], $0x80, s16, s13, $0xb8;
	[tilespmem:$0x1DB00] =	vst v63  }
0x2b: {  	_ =	swait.ge [sflag:s23], $0x2800  }
0x2c: {  	[sflag:s23] =	ssyncset.done $0x0  }
0x2d: {  	[sflag:s23] =	ssyncadd.s32 $0xFFFFD800  }
0x2e: {  	[spmem:s3] =	stream.indirect.scatter.add.f32 [tilespmem:s25], [sflag:$0x3], $0x80, s22, s24, $0xb8;
	[tilespmem:$0x1DB00] =	vst v63  }
0x2f: {  	_ =	swait.ge [sflag:s26], $0x2800  }
0x30: {  	[sflag:s26] =	ssyncset.done $0x0  }
0x31: {  	s16 =	simm.s32 @p0 $0x13CA0;
	[sflag:s26] =	ssyncadd.s32 $0xFFFFD800  }
0x32: {  	[tilespmem:s14], [sflag:$0x1] =	stream.indirect.gather @p0 [hbm4b:s5+s2], $0x80, s16, s2, $0xb8;
	[tilespmem:$0x1DB00] =	vst v63  }
0x33: {  	s2 =	simm.s32 @!p0 $0x13CA0  }
0x34: {  	[tilespmem:s17], [sflag:$0x1] =	stream.indirect.gather @!p0 [hbm4b:s6+s13], $0x80, s2, s13, $0xb8;
	[tilespmem:$0x1DB00] =	vst v63  }
0x35: {  	_ =	swait.ge [sflag:s28], $0x2800  }
0x36: {  	[sflag:s28] =	ssyncset.done $0x0  }
0x37: {  	[sflag:s28] =	ssyncadd.s32 $0xFFFFD800  }
0x38: {  	[spmem:s3] =	stream.indirect.scatter.add.f32 [tilespmem:s30], [sflag:$0x4], $0x80, s29, s24, $0xb8;
	[tilespmem:$0x1DB00] =	vst v63  }
0x39: {  	_ =	swait.ge [sflag:s31], $0x2800  }
0x3a: {  	[sflag:s31] =	ssyncset.done $0x0  }
0x3b: {  	s16 =	simm.s32 $0x13CF0;
	[sflag:s31] =	ssyncadd.s32 $0xFFFFD800  }
0x3c: {  	[tilespmem:s30], [sflag:$0x2] =	stream.indirect.gather [hbm4b:s15+s24], $0x80, s16, s24, $0xb8;
	[tilespmem:$0x1DB00] =	vst v63  }
0x3d: {  	_ =	swait.ge [sflag:s23], $0x2800  }
0x3e: {  	[sflag:s23] =	ssyncset.done $0x0  }
0x3f: {  	s17 =	simm.s32 $0x16420;
	[sflag:s23] =	ssyncadd.s32 $0xFFFFD800  }
0x40: {  	[spmem:s3] =	stream.indirect.scatter.add.f32 [tilespmem:s25], [sflag:$0x3], $0x80, s17, s24, $0xb8;
	[tilespmem:$0x1DB00] =	vst v63  }
0x41: {  	_ =	swait.ge [sflag:s26], $0x2800  }
0x42: {  	[sflag:s26] =	ssyncset.done $0x0  }
0x43: {  	s21 =	simm.s32 $0x13D40;
	[sflag:s26] =	ssyncadd.s32 $0xFFFFD800  }
0x44: {  	[tilespmem:s25], [sflag:$0x1] =	stream.indirect.gather [hbm4b:s15+s24], $0x80, s21, s24, $0xb8;
	[tilespmem:$0x1DB00] =	vst v63  }
0x45: {  	_ =	swait.ge [sflag:s28], $0x2800  }
0x46: {  	[sflag:s28] =	ssyncset.done $0x0  }
0x47: {  	s2 =	simm.s32 $0xFFFF6A00;
	s13 =	simm.s32 $0x16470;
	[sflag:s28] =	ssyncadd.s32 $0xFFFFD800  }
.LBB2_2:
0x48: {  	[spmem:s3] =	stream.indirect.scatter.add.f32 [tilespmem:s30], [sflag:$0x4], $0x80, s13, s24, $0xb8;
	[tilespmem:$0x1DB00] =	vst v63  }
0x49: {  	s13 =	smov.u32 s2  }
0x4a: {  	p1 =	sne.s32 s2, $0xFFFFFD80;
	s2 =	sadd.s32 $0x280, s2;
	_ =	swait.ge [sflag:s31], $0x2800  }
0x4b: {  	s13 =	sshra.s32 s13, $0x2;
	[sflag:s31] =	ssyncset.done $0x0  }
0x4c: {  	s14 =	sadd.s32 $0x16310, s13;
	[sflag:s31] =	ssyncadd.s32 $0xFFFFD800  }
0x4d: {  	[tilespmem:s30], [sflag:$0x2] =	stream.indirect.gather [hbm4b:s15+s24], $0x80, s14, s24, $0xb8;
	[tilespmem:$0x1DB00] =	vst v63  }
0x4e: {  	_ =	swait.ge [sflag:s23], $0x2800  }
0x4f: {  	[sflag:s23] =	ssyncset.done $0x0  }
0x50: {  	s14 =	sadd.s32 $0x18A40, s13;
	[sflag:s23] =	ssyncadd.s32 $0xFFFFD800  }
0x51: {  	[spmem:s3] =	stream.indirect.scatter.add.f32 [tilespmem:s25], [sflag:$0x3], $0x80, s14, s24, $0xb8;
	[tilespmem:$0x1DB00] =	vst v63  }
0x52: {  	_ =	swait.ge [sflag:s26], $0x2800  }
0x53: {  	[sflag:s26] =	ssyncset.done $0x0  }
.Ltmp0:
0x54: {  	s14 =	sadd.s32 $0x16360, s13;
	[sflag:s26] =	ssyncadd.s32 $0xFFFFD800;
	(pc) =	sbr.rel @p1 .LBB2_2-.Ltmp0, $4  }
0x55: {  	[tilespmem:s25], [sflag:$0x1] =	stream.indirect.gather [hbm4b:s15+s24], $0x80, s14, s24, $0xb8;
	[tilespmem:$0x1DB00] =	vst v63  }
0x56: {  	_ =	swait.ge [sflag:s28], $0x2800  }
0x57: {  	[sflag:s28] =	ssyncset.done $0x0  }
0x58: {  	s13 =	sadd.s32 $0x18A90, s13;
	[sflag:s28] =	ssyncadd.s32 $0xFFFFD800  }
0x59: {  	[spmem:s3] =	stream.indirect.scatter.add.f32 [tilespmem:s30], [sflag:$0x4], $0x80, s13, s24, $0xb8;
	[tilespmem:$0x1DB00] =	vst v63  }
0x5a: {  	_ =	swait.ge [sflag:s23], $0x2800  }
0x5b: {  	[sflag:s23] =	ssyncset.done $0x0  }
0x5c: {  	[sflag:s23] =	ssyncadd.s32 $0xFFFFD800  }
0x5d: {  	[spmem:s3] =	stream.indirect.scatter.add.f32 [tilespmem:s25], [sflag:$0x3], $0x80, s0, s24, $0xb8;
	[tilespmem:$0x1DB00] =	vst v63  }
0x5e: {  	_ =	swait.ge [sflag:s26], $0x2800  }
0x5f: {  	[sflag:s26] =	ssyncset.done $0x0  }
0x60: {  	[sflag:s26] =	ssyncadd.s32 $0xFFFFD800  }
0x61: {  	_ =	swait.ge [sflag:s31], $0x2800  }
0x62: {  	[sflag:s31] =	ssyncset.done $0x0  }
0x63: {  	[sflag:s31] =	ssyncadd.s32 $0xFFFFD800  }
0x64: {  	[bflag:$0x0] =	sbarrier.arrive $0xFFFF  }
0x65: {  	s2 =	rddreg [dreg:$0x6]  }
0x66: {  	[hbm:s2], [sflag:s10] =	dma.local [spmem:s19], $0x2780  }
0x67: {  	_ =	swait.ge [sflag:s20], $0x2780  }
0x68: {  	[sflag:s20] =	ssyncset.done $0x0  }
0x69: {  	[sflag:s20] =	ssyncadd.s32 $0xFFFFD880  }
0x6a: {  	[bflag:$0x0] =	sbarrier.arrive $0xFFFF  }
0x6b: {  	[spmem:s19], [sflag:s10] =	dma.local [hbm:s9], $0x2780  }
0x6c: {  	_ =	swait.ge [sflag:s20], $0x2780  }
0x6d: {  	[sflag:s20] =	ssyncset.done $0x0  }
0x6e: {  	s14 =	simm.s32 $0x13C00;
	[sflag:s20] =	ssyncadd.s32 $0xFFFFD880  }
0x6f: {  	[tilespmem:s14], [sflag:$0x5] =	stream.linear.gather [hbm4b:s12+s4], $0x2710, $0x38;
	[tilespmem:$0x1DB00] =	vst v63  }
0x70: {  	_ =	swait.ge [sflag:s20], $0x2710  }
0x71: {  	[sflag:s20] =	ssyncset.done $0x0  }
0x72: {  	[sflag:s20] =	ssyncadd.s32 $0xFFFFD8F0  }
0x73: {  	[tilespmem:s22], [sflag:$0x5] =	stream.linear.gather [hbm4b:s11+s4], $0x2710, $0x38;
	[tilespmem:$0x1DB00] =	vst v63  }
0x74: {  	_ =	swait.ge [sflag:s20], $0x2710  }
0x75: {  	[sflag:s20] =	ssyncset.done $0x0  }
0x76: {  	s13 =	simm.s32 @p0 $0x13C00;
	[sflag:s20] =	ssyncadd.s32 $0xFFFFD8F0  }
0x77: {  	s2 =	simm.s32 @p0 $0x50;
	s14 =	simm.s32 @p0 $0x18B00;
	[bflag:$0x0] =	sbarrier.arrive $0xFFFF  }
0x78: {  	[tilespmem:s14], [sflag:$0x1] =	stream.indirect.gather @p0 [hbm4b:s7+s2], $0x80, s13, s2, $0xb8;
	[tilespmem:$0x1DB00] =	vst v63  }
0x79: {  	s16 =	simm.s32 @p0 $0x1B300;
	s13 =	simm.s32 @p0 $0x13C50  }
0x7a: {  	[tilespmem:s16], [sflag:$0x2] =	stream.indirect.gather @p0 [hbm4b:s7+s2], $0x80, s13, s2, $0xb8;
	[tilespmem:$0x1DB00] =	vst v63  }
0x7b: {  	s17 =	simm.s32 @!p0 $0x18B00;
	s13 =	simm.s32 @!p0 $0x50;
	s16 =	simm.s32 @!p0 $0x13C00  }
0x7c: {  	[tilespmem:s17], [sflag:$0x1] =	stream.indirect.gather @!p0 [hbm4b:s8+s13], $0x80, s16, s13, $0xb8;
	[tilespmem:$0x1DB00] =	vst v63  }
0x7d: {  	s21 =	simm.s32 @!p0 $0x1B300;
	s16 =	simm.s32 @!p0 $0x13C50  }
0x7e: {  	[tilespmem:s21], [sflag:$0x2] =	stream.indirect.gather @!p0 [hbm4b:s8+s13], $0x80, s16, s13, $0xb8;
	[tilespmem:$0x1DB00] =	vst v63  }
0x7f: {  	_ =	swait.ge [sflag:s23], $0x2800  }
0x80: {  	[sflag:s23] =	ssyncset.done $0x0  }
0x81: {  	[sflag:s23] =	ssyncadd.s32 $0xFFFFD800  }
0x82: {  	[spmem:s3] =	stream.indirect.scatter.add.f32 [tilespmem:s25], [sflag:$0x3], $0x80, s22, s24, $0xb8;
	[tilespmem:$0x1DB00] =	vst v63  }
0x83: {  	_ =	swait.ge [sflag:s26], $0x2800  }
0x84: {  	[sflag:s26] =	ssyncset.done $0x0  }
0x85: {  	s16 =	simm.s32 @p0 $0x13CA0;
	[sflag:s26] =	ssyncadd.s32 $0xFFFFD800  }
0x86: {  	[tilespmem:s14], [sflag:$0x1] =	stream.indirect.gather @p0 [hbm4b:s7+s2], $0x80, s16, s2, $0xb8;
	[tilespmem:$0x1DB00] =	vst v63  }
0x87: {  	s2 =	simm.s32 @!p0 $0x13CA0  }
0x88: {  	[tilespmem:s17], [sflag:$0x1] =	stream.indirect.gather @!p0 [hbm4b:s8+s13], $0x80, s2, s13, $0xb8;
	[tilespmem:$0x1DB00] =	vst v63  }
0x89: {  	_ =	swait.ge [sflag:s28], $0x2800  }
0x8a: {  	[sflag:s28] =	ssyncset.done $0x0  }
0x8b: {  	[sflag:s28] =	ssyncadd.s32 $0xFFFFD800  }
0x8c: {  	[spmem:s3] =	stream.indirect.scatter.add.f32 [tilespmem:s30], [sflag:$0x4], $0x80, s29, s24, $0xb8;
	[tilespmem:$0x1DB00] =	vst v63  }
0x8d: {  	_ =	swait.ge [sflag:s31], $0x2800  }
0x8e: {  	[sflag:s31] =	ssyncset.done $0x0  }
0x8f: {  	s16 =	simm.s32 $0x13CF0;
	[sflag:s31] =	ssyncadd.s32 $0xFFFFD800  }
0x90: {  	[tilespmem:s30], [sflag:$0x2] =	stream.indirect.gather [hbm4b:s18+s24], $0x80, s16, s24, $0xb8;
	[tilespmem:$0x1DB00] =	vst v63  }
0x91: {  	_ =	swait.ge [sflag:s23], $0x2800  }
0x92: {  	[sflag:s23] =	ssyncset.done $0x0  }
0x93: {  	s17 =	simm.s32 $0x16420;
	[sflag:s23] =	ssyncadd.s32 $0xFFFFD800  }
0x94: {  	[spmem:s3] =	stream.indirect.scatter.add.f32 [tilespmem:s25], [sflag:$0x3], $0x80, s17, s24, $0xb8;
	[tilespmem:$0x1DB00] =	vst v63  }
0x95: {  	_ =	swait.ge [sflag:s26], $0x2800  }
0x96: {  	[sflag:s26] =	ssyncset.done $0x0  }
0x97: {  	s21 =	simm.s32 $0x13D40;
	[sflag:s26] =	ssyncadd.s32 $0xFFFFD800  }
0x98: {  	[tilespmem:s25], [sflag:$0x1] =	stream.indirect.gather [hbm4b:s18+s24], $0x80, s21, s24, $0xb8;
	[tilespmem:$0x1DB00] =	vst v63  }
0x99: {  	_ =	swait.ge [sflag:s28], $0x2800  }
0x9a: {  	[sflag:s28] =	ssyncset.done $0x0  }
0x9b: {  	s2 =	simm.s32 $0xFFFF6A00;
	s13 =	simm.s32 $0x16470;
	[sflag:s28] =	ssyncadd.s32 $0xFFFFD800  }
.LBB2_4:
0x9c: {  	[spmem:s3] =	stream.indirect.scatter.add.f32 [tilespmem:s30], [sflag:$0x4], $0x80, s13, s24, $0xb8;
	[tilespmem:$0x1DB00] =	vst v63  }
0x9d: {  	s13 =	smov.u32 s2  }
0x9e: {  	p1 =	sne.s32 s2, $0xFFFFFD80;
	s2 =	sadd.s32 $0x280, s2;
	_ =	swait.ge [sflag:s31], $0x2800  }
0x9f: {  	s13 =	sshra.s32 s13, $0x2;
	[sflag:s31] =	ssyncset.done $0x0  }
0xa0: {  	s14 =	sadd.s32 $0x16310, s13;
	[sflag:s31] =	ssyncadd.s32 $0xFFFFD800  }
0xa1: {  	[tilespmem:s30], [sflag:$0x2] =	stream.indirect.gather [hbm4b:s18+s24], $0x80, s14, s24, $0xb8;
	[tilespmem:$0x1DB00] =	vst v63  }
0xa2: {  	_ =	swait.ge [sflag:s23], $0x2800  }
0xa3: {  	[sflag:s23] =	ssyncset.done $0x0  }
0xa4: {  	s14 =	sadd.s32 $0x18A40, s13;
	[sflag:s23] =	ssyncadd.s32 $0xFFFFD800  }
0xa5: {  	[spmem:s3] =	stream.indirect.scatter.add.f32 [tilespmem:s25], [sflag:$0x3], $0x80, s14, s24, $0xb8;
	[tilespmem:$0x1DB00] =	vst v63  }
0xa6: {  	_ =	swait.ge [sflag:s26], $0x2800  }
0xa7: {  	[sflag:s26] =	ssyncset.done $0x0  }
.Ltmp1:
0xa8: {  	s14 =	sadd.s32 $0x16360, s13;
	[sflag:s26] =	ssyncadd.s32 $0xFFFFD800;
	(pc) =	sbr.rel @p1 .LBB2_4-.Ltmp1, $4  }
0xa9: {  	[tilespmem:s25], [sflag:$0x1] =	stream.indirect.gather [hbm4b:s18+s24], $0x80, s14, s24, $0xb8;
	[tilespmem:$0x1DB00] =	vst v63  }
0xaa: {  	_ =	swait.ge [sflag:s28], $0x2800  }
0xab: {  	[sflag:s28] =	ssyncset.done $0x0  }
0xac: {  	s13 =	sadd.s32 $0x18A90, s13;
	[sflag:s28] =	ssyncadd.s32 $0xFFFFD800  }
0xad: {  	[spmem:s3] =	stream.indirect.scatter.add.f32 [tilespmem:s30], [sflag:$0x4], $0x80, s13, s24, $0xb8;
	[tilespmem:$0x1DB00] =	vst v63  }
0xae: {  	_ =	swait.ge [sflag:s23], $0x2800  }
0xaf: {  	[sflag:s23] =	ssyncset.done $0x0  }
0xb0: {  	[sflag:s23] =	ssyncadd.s32 $0xFFFFD800  }
0xb1: {  	[spmem:s3] =	stream.indirect.scatter.add.f32 [tilespmem:s25], [sflag:$0x3], $0x80, s0, s24, $0xb8;
	[tilespmem:$0x1DB00] =	vst v63  }
0xb2: {  	_ =	swait.ge [sflag:s26], $0x2800  }
0xb3: {  	[sflag:s26] =	ssyncset.done $0x0  }
0xb4: {  	[sflag:s26] =	ssyncadd.s32 $0xFFFFD800  }
0xb5: {  	_ =	swait.ge [sflag:s31], $0x2800  }
0xb6: {  	[sflag:s31] =	ssyncset.done $0x0  }
0xb7: {  	[sflag:s31] =	ssyncadd.s32 $0xFFFFD800  }
0xb8: {  	[bflag:$0x0] =	sbarrier.arrive $0xFFFF  }
0xb9: {  	s2 =	rddreg [dreg:$0x7]  }
0xba: {  	[hbm:s2], [sflag:s10] =	dma.local [spmem:s19], $0x2780  }
0xbb: {  	_ =	swait.ge [sflag:s20], $0x2780  }
0xbc: {  	[sflag:s20] =	ssyncset.done $0x0  }
0xbd: {  	[sflag:s20] =	ssyncadd.s32 $0xFFFFD880  }
0xbe: {  	[bflag:$0x0] =	sbarrier.arrive $0xFFFF  }
0xbf: {  	[spmem:s19], [sflag:s10] =	dma.local [hbm:s9], $0x2780  }
0xc0: {  	_ =	swait.ge [sflag:s20], $0x2780  }
0xc1: {  	[sflag:s20] =	ssyncset.done $0x0  }
0xc2: {  	[sflag:s20] =	ssyncadd.s32 $0xFFFFD880  }
0xc3: {  	s21 =	rddreg [dreg:$0x3]  }
0xc4: {  	[tilespmem:s25], [sflag:$0x5] =	stream.linear.gather [hbm4b:s21+s4], $0x2800, $0x38;
	[tilespmem:$0x1DB00] =	vst v63  }
0xc5: {  	_ =	swait.ge [sflag:s20], $0x2800  }
0xc6: {  	s2 =	smov.u32 s11;
	[sflag:s20] =	ssyncset.done $0x0  }
0xc7: {  	s2 =	smov.u32 @p0 s12;
	[sflag:s20] =	ssyncadd.s32 $0xFFFFD800  }
0xc8: {  	[tilespmem:s22], [sflag:$0x5] =	stream.linear.gather [hbm4b:s2+s4], $0x2710, $0x38;
	[tilespmem:$0x1DB00] =	vst v63  }
0xc9: {  	_ =	swait.ge [sflag:s20], $0x2710  }
0xca: {  	[sflag:s20] =	ssyncset.done $0x0  }
0xcb: {  	[sflag:s20] =	ssyncadd.s32 $0xFFFFD8F0  }
0xcc: {  	[bflag:$0x0] =	sbarrier.arrive $0xFFFF  }
0xcd: {  	[spmem:s3] =	stream.indirect.scatter.add.f32 [tilespmem:s25], [sflag:$0x3], $0x80, s22, s24, $0xb8;
	[tilespmem:$0x1DB00] =	vst v63  }
0xce: {  	_ = 	snop  }
0xcf: {  	[spmem:s3] =	stream.indirect.scatter.add.f32 [tilespmem:s25], [sflag:$0x3], $0x80, s29, s24, $0xb8;
	[tilespmem:$0x1DB00] =	vst v63  }
0xd0: {  	_ =	swait.ge [sflag:s26], $0x2800  }
0xd1: {  	[sflag:s26] =	ssyncset.done $0x0  }
0xd2: {  	s13 =	simm.s32 $0x16420;
	s2 =	simm.s32 $0x3C0;
	[sflag:s26] =	ssyncadd.s32 $0xFFFFD800  }
.LBB2_6:
0xd3: {  	[spmem:s3] =	stream.indirect.scatter.add.f32 [tilespmem:s25], [sflag:$0x3], $0x80, s13, s24, $0xb8;
	[tilespmem:$0x1DB00] =	vst v63  }
0xd4: {  	s13 =	smov.u32 s2;
	p1 =	sne.s32 s2, $0x9B00  }
.Ltmp2:
0xd5: {  	s2 =	sadd.s32 $0x140, s2;
	(pc) =	sbr.rel @p1 .LBB2_6-.Ltmp2, $4  }
0xd6: {  	_ = 	snop  }
0xd7: {  	_ =	swait.ge [sflag:s26], $0x2800  }
0xd8: {  	s13 =	sshra.s32 s13, $0x2;
	[sflag:s26] =	ssyncset.done $0x0  }
0xd9: {  	s13 =	sadd.s32 $0x16380, s13;
	[sflag:s26] =	ssyncadd.s32 $0xFFFFD800  }
0xda: {  	[spmem:s3] =	stream.indirect.scatter.add.f32 [tilespmem:s25], [sflag:$0x3], $0x80, s13, s24, $0xb8;
	[tilespmem:$0x1DB00] =	vst v63  }
0xdb: {  	_ =	swait.ge [sflag:s26], $0x2800  }
0xdc: {  	[sflag:s26] =	ssyncset.done $0x0  }
0xdd: {  	[sflag:s26] =	ssyncadd.s32 $0xFFFFD800  }
0xde: {  	_ =	swait.ge [sflag:s26], $0x2800  }
0xdf: {  	[sflag:s26] =	ssyncset.done $0x0  }
0xe0: {  	[sflag:s26] =	ssyncadd.s32 $0xFFFFD800  }
0xe1: {  	[bflag:$0x0] =	sbarrier.arrive $0xFFFF  }
0xe2: {  	s2 =	rddreg [dreg:$0x8]  }
0xe3: {  	[hbm:s2], [sflag:s10] =	dma.local [spmem:s19], $0x2780  }
0xe4: {  	_ =	swait.ge [sflag:s20], $0x2780  }
0xe5: {  	s1 =	sadd.s32 $0x1, s1;
	s21 =	rddreg [dreg:$0x9]  }
0xe6: {  	p1 =	sne.s32 s1, s21  }
.Ltmp3:
0xe7: {  	_ = 	snop;
	(pc) =	sbr.rel @p1 .LBB2_1-.Ltmp3, $3  }
0xe8: {  	[sflag:s20] =	ssyncset.done $0x0  }
0xe9: {  	[sflag:s20] =	ssyncadd.s32 $0xFFFFD880  }
0xea: {  	[bflag:$0x0] =	sbarrier.arrive $0xFFFF;
	_ =	sdelay $0x1  }
0xeb: {  	_ =	sfence.sel $0x180000  }
0xec: {  	[bflag:$0x0] =	sbarrier.arrive $0xFFFF  }
0xed: {  	_ =	strace $0x90000047  }
0xee: {  	s0 =	stileid.u32;
	[bflag:$0x2] =	sbarrier.arrive $0xFFFF  }
0xef: {  	p0 =	sne.s32 s0, $0x0;
	s0 =	rddreg [dreg:$0x5]  }
0xf0: {  	s0 =	sadd.s32 @!p0 $0x100000, s0  }
0xf1: {  	[sflag:s0] =	ssyncadd.tile.s32 @!p0 $0x1;
	_ =	shalt  }
.Lfunc_end2:
_tile_overlayer_lowered:
.L_overlay_start_2:
0xf2: {  	(tag) =	ssettag $0x2  }
0xf3: {  	s0 =	rddreg [dreg:$0x0];
	s2 =	stileid.u32  }
0xf4: {  	s1 =	rddreg [dreg:$0x1];
	p0 =	sne.s32 s2, $0x0  }
0xf5: {  	s3 =	rddreg [dreg:$0x2];
	[bflag:$0x3] =	sbarrier.arrive $0xFFFF;
	s2 =	simm.s32 @!p0 $0x1C05  }
0xf6: {  	[timem:s3], [sflag:s2] =	dma.local @!p0 [hbm:s0], s1  }
0xf7: {  	s0 =	simm.s32 @!p0 $0x5  }
0xf8: {  	_ =	swait.ge @!p0 [sflag:s0], s1  }
0xf9: {  	s1 =	ssub.s32 @!p0 $0x0, s1;
	[sflag:s0] =	ssyncset.done @!p0 $0x0  }
0xfa: {  	[sflag:s0] =	ssyncadd.s32 @!p0 s1  }
0xfb: {  	[bflag:$0x3] =	sbarrier.arrive $0xFFFF  }
0xfc: {  	_ =	shalt  }

// kernel: kernel.9.cloned.1.call-start
scs
__scs_entry_jumppad:
0x0: {  	(pc) =	sbr.rel $0x88, $3  }
0x1: {  	(tag) =	ssettag $0x0;
	lr =	simm.s32 $0x1  }
0x2: {  	[smem:$0x3F92] =	sst lr;
	_ =	strace $0xD0000000  }
0x3: {  	_ = 	snop  }
0x4: {  	_ = 	snop  }
0x5: {  	_ = 	snop  }
0x6: {  	_ = 	snop  }
0x7: {  	_ = 	snop  }
__scs_overlays_trampoline_lowered:
0x8: {  	[smem:$0x3FA1] =	sst s0  }
0x9: {  	[smem:$0x3FA2] =	sst s1  }
0xa: {  	[smem:$0x3FA3] =	sst s2  }
0xb: {  	[smem:$0x3FA4] =	sst s3  }
0xc: {  	[smem:$0x3FA5] =	sst s4  }
0xd: {  	[smem:$0x3FA6] =	sst s5  }
0xe: {  	[smem:$0x3FA7] =	sst s6  }
0xf: {  	[smem:$0x3FA8] =	sst s7  }
0x10: {  	[smem:$0x3FA9] =	sst s8  }
0x11: {  	[smem:$0x3FAA] =	sst s9;
	s0 =	simm.s32 @!p0 $0x0  }
0x12: {  	s1 =	sld [smem:$0x3F90];
	s0 =	simm.s32 @p0 $0x1  }
0x13: {  	[smem:$0x3FAB] =	sst s0;
	s0 =	simm.s32 @!p1 $0x0  }
0x14: {  	s2 =	sld [smem:$0x3F8F];
	s0 =	simm.s32 @p1 $0x1  }
0x15: {  	[smem:$0x3FAC] =	sst s0;
	s0 =	simm.s32 @!p2 $0x0  }
0x16: {  	s3 =	sld [smem:$0x3FDB];
	s0 =	simm.s32 @p2 $0x1  }
0x17: {  	s4 =	simm.s32 $0x1BF5;
	[smem:$0x3FAE] =	sst s0  }
0x18: {  	s0 =	sld [smem:$0x3F91];
	_ =	swait.ge [sflag:s4], $0x0  }
0x19: {  	s7 =	sld [smem:$0x3F92]  }
0x1a: {  	s8 =	sadd.s32 $0xFFFFE003, lr  }
0x1b: {  	s9 =	sadd.s32 $0xFFFFFEF7, lr;
	s5 =	simm.s32 $0xFFFFFFFF;
	p2 =	slt.u32 s8, $0xFFFFF086  }
0x1c: {  	p1 =	slt.u32 s9, $0xF7A;
	s5 =	simm.s32 @!p2 $0x0  }
0x1d: {  	s5 =	simm.s32 @p1 $0x1;
	p0 =	seq.s32 s7, s2  }
0x1e: {  	s7 =	smul.u32 @!p0 $0xF7A, s2;
	p2 =	seq.s32 @!p0 s5, $0x0  }
0x1f: {  	s9 =	smul.u32 $0xF7A, s1;
	s8 =	simm.s32 @!p0 $0x1BF5;
	p2 =	por !p2, p0  }
0x20: {  	[sflag:s8] =	ssyncset.s32 @!p0 $0xFFFFF086;
	s6 =	sadd.s32 @!p0 s3, s7;
	s7 =	simm.s32 @!p0 $0x108  }
0x21: {  	s3 =	sadd.s32 s3, s9;
	s6 =	sadd.s32 @!p0 $0x88, s6;
	s7 =	simm.s32 @p2 $0x1082  }
0x22: {  	[simem:s7], [sflag:s8] =	dma.local @!p0 [hbm:s6], $0xF7A  }
0x23: {  	s9 =	sor.u32 $0xD0000000, s2;
	s6 =	simm.s32 $0x108;
	_ =	swait.ge @!p0 [sflag:s8], $0x0  }
0x24: {  	s3 =	sadd.s32 $0x88, s3;
	s6 =	simm.s32 @!p1 $0x1082;
	[sflag:s4] =	ssyncset.s32 $0xFFFFF086  }
0x25: {  	[simem:s6], [sflag:s4] =	dma.local [hbm:s3], $0xF7A  }
0x26: {  	[smem:$0x3F92] =	sst s1;
	(tag) =	ssettag s2;
	_ =	strace s9  }
0x27: {  	s1 =	sld [smem:$0x3FA2]  }
0x28: {  	s2 =	sld [smem:$0x3FA3]  }
0x29: {  	s4 =	sld [smem:$0x3FA5]  }
0x2a: {  	p0 =	seq.s32 s5, $0x0;
	s5 =	sld [smem:$0x3FA6]  }
0x2b: {  	s6 =	sld [smem:$0x3FA7]  }
0x2c: {  	s7 =	sld [smem:$0x3FA8]  }
0x2d: {  	s3 =	simm.s32 $0x108;
	s8 =	sld [smem:$0x3FA9]  }
0x2e: {  	s3 =	simm.s32 @!p0 $0x1082;
	s9 =	sld [smem:$0x3FAA]  }
0x2f: {  	lr =	sadd.s32 s0, s3;
	s0 =	sld [smem:$0x3FA1]  }
0x30: {  	s3 =	sld [smem:$0x3FA4]  }
0x31: {  	[smem:$0x3FAD] =	sst s10  }
0x32: {  	s10 =	sld [smem:$0x3FAB];
	_ =	sdelay $0x3  }
0x33: {  	p0 =	seq.s32 s10, $0x1;
	s10 =	sld [smem:$0x3FAD];
	_ =	sdelay $0x3  }
0x34: {  	[smem:$0x3FAD] =	sst s10  }
0x35: {  	s10 =	sld [smem:$0x3FAC];
	_ =	sdelay $0x3  }
0x36: {  	p1 =	seq.s32 s10, $0x1;
	s10 =	sld [smem:$0x3FAD];
	_ =	sdelay $0x3  }
0x37: {  	[smem:$0x3FAD] =	sst s10  }
0x38: {  	s10 =	sld [smem:$0x3FAE]  }
0x39: {  	_ = 	snop;
	(pc) =	sbr.ind lr, $3  }
0x3a: {  	_ = 	snop  }
0x3b: {  	_ = 	snop  }
0x3c: {  	p2 =	seq.s32 s10, $0x1;
	s10 =	sld [smem:$0x3FAD]  }
0x3d: {  	_ =	shalt  }
0x3e: {  	_ =	shalt  }
0x3f: {  	_ =	shalt  }
0x40: {  	_ =	shalt  }
0x41: {  	_ =	shalt  }
0x42: {  	_ =	shalt  }
0x43: {  	_ =	shalt  }
0x44: {  	_ =	shalt  }
0x45: {  	_ =	shalt  }
0x46: {  	_ =	shalt  }
0x47: {  	_ =	shalt  }
0x48: {  	_ =	shalt  }
0x49: {  	_ =	shalt  }
0x4a: {  	_ =	shalt  }
0x4b: {  	_ =	shalt  }
0x4c: {  	_ =	shalt  }
0x4d: {  	_ =	shalt  }
0x4e: {  	_ =	shalt  }
0x4f: {  	_ =	shalt  }
0x50: {  	_ =	shalt  }
0x51: {  	_ =	shalt  }
0x52: {  	_ =	shalt  }
0x53: {  	_ =	shalt  }
0x54: {  	_ =	shalt  }
0x55: {  	_ =	shalt  }
0x56: {  	_ =	shalt  }
0x57: {  	_ =	shalt  }
0x58: {  	_ =	shalt  }
0x59: {  	_ =	shalt  }
0x5a: {  	_ =	shalt  }
0x5b: {  	_ =	shalt  }
0x5c: {  	_ =	shalt  }
0x5d: {  	_ =	shalt  }
0x5e: {  	_ =	shalt  }
0x5f: {  	_ =	shalt  }
0x60: {  	_ =	shalt  }
0x61: {  	_ =	shalt  }
0x62: {  	_ =	shalt  }
0x63: {  	_ =	shalt  }
0x64: {  	_ =	shalt  }
0x65: {  	_ =	shalt  }
0x66: {  	_ =	shalt  }
0x67: {  	_ =	shalt  }
0x68: {  	_ =	shalt  }
0x69: {  	_ =	shalt  }
0x6a: {  	_ =	shalt  }
0x6b: {  	_ =	shalt  }
0x6c: {  	_ =	shalt  }
0x6d: {  	_ =	shalt  }
0x6e: {  	_ =	shalt  }
0x6f: {  	_ =	shalt  }
0x70: {  	_ =	shalt  }
0x71: {  	_ =	shalt  }
0x72: {  	_ =	shalt  }
0x73: {  	_ =	shalt  }
0x74: {  	_ =	shalt  }
0x75: {  	_ =	shalt  }
0x76: {  	_ =	shalt  }
0x77: {  	_ =	shalt  }
0x78: {  	_ =	shalt  }
0x79: {  	_ =	shalt  }
0x7a: {  	_ =	shalt  }
0x7b: {  	_ =	shalt  }
0x7c: {  	_ =	shalt  }
0x7d: {  	_ =	shalt  }
0x7e: {  	_ =	shalt  }
0x7f: {  	_ =	shalt  }
0x80: {  	_ =	shalt  }
0x81: {  	_ =	shalt  }
0x82: {  	_ =	shalt  }
0x83: {  	_ =	shalt  }
0x84: {  	_ =	shalt  }
0x85: {  	_ =	shalt  }
0x86: {  	_ =	shalt  }
0x87: {  	_ =	shalt  }
.Lfunc_end0:
.L_simem_size_0:
called_computation.1_lowered:
.L_overlay_start_0:
0x88: {  	s2 =	sld [smem:$0x3FD9]  }
0x89: {  	s3 =	sld [smem:$0x3FFE];
	_ =	sdelay $0x1  }
0x8a: {  	s1 =	srdreg.scid  }
0x8b: {  	s0 =	sand.u32 $0x1, s1  }
0x8c: {  	s17 =	sshll.u32 s0, $0xA;
	s2 =	sadd.s32 s3, s2  }
0x8d: {  	s2 =	sadd.s32 s2, s17  }
0x8e: {  	[smem:$0x3FB9] =	sst s2  }
0x8f: {  	_ = 	snop  }
0x90: {  	s2 =	sld [smem:$0x3FBC]  }
0x91: {  	s18 =	sld [smem:$0x3FBB];
	(tm) =	ssettm $0x1  }
0x92: {  	s4 =	sld [smem:$0x3FFB];
	_ =	sdelay $0x3  }
0x93: {  	_ =	strace s4  }
0x94: {  	s4 =	sld [smem:$0x3FFC];
	_ =	sdelay $0x3  }
0x95: {  	_ =	strace s4  }
0x96: {  	s4 =	sld [smem:$0x3FFD];
	_ =	sdelay $0x3  }
0x97: {  	_ =	strace s4  }
0x98: {  	_ =	strace $0x8FFFFFFF  }
0x99: {  	s19 =	sld [smem:$0x3FDB];
	_ =	sdelay $0x1  }
0x9a: {  	s5 =	simm.s32 $_scs_section_size  }
0x9b: {  	s6 =	simm.s32 $_size__tile_overlayer_lowered;
	s7 =	simm.s32 $_tile_overlayer_lowered  }
0x9c: {  	s22 =	simm.s32 $0x1BFF;
	s21 =	sshll.u32 s7, $0x1;
	s4 =	sadd.s32 s5, s19  }
0x9d: {  	s8 =	simm.s32 $0x0;
	s20 =	sshll.u32 s6, $0x1;
	s6 =	sadd.s32 s21, s4  }
0x9e: {  	[timem:s8], [sflag:s22] =	dma.local [hbm:s6], s20  }
0x9f: {  	_ =	swait.ge [sflag:s22], s20  }
0xa0: {  	s5 =	ssub.s32 $0x0, s20;
	[sflag:s22] =	ssyncset.done $0x0  }
0xa1: {  	[sflag:s22] =	ssyncadd.s32 s5;
	_ =	sdelay $0x1  }
0xa2: {  	s23 =	simm.s32 $0x1B8B  }
0xa3: {  	_ =	swait.ge [sflag:s23], $0x1  }
0xa4: {  	[sflag:s23] =	ssyncset.done $0x0  }
0xa5: {  	s25 =	simm.s32 $0x1B8E;
	s24 =	sld [smem:$0x3FFE];
	[sflag:s23] =	ssyncadd.s32 $0xFFFFFFFF  }
0xa6: {  	s26 =	simm.s32 $execute0_lowered;
	[smem:$0x3FD2] =	sst s25  }
0xa7: {  	s6 =	sshll.u32 s26, $0x1;
	_ =	strace $0x80000049;
	[dreg:$0x1] =	wrdreg $0xFFFFFFFF  }
0xa8: {  	s28 =	simm.s32 $_size_execute0_lowered;
	s4 =	sadd.s32 s4, s6;
	[dreg:$0x0] =	wrdreg $0x0  }
0xa9: {  	s6 =	sshll.u32 s28, $0x1;
	[dreg:$0x2] =	wrdreg s4  }
0xaa: {  	[dreg:$0x3] =	wrdreg s6  }
0xab: {  	[dreg:$0x4] =	wrdreg $0xC0  }
0xac: {  	_ =	task [dreg:s8], $0x5FFFF  }
0xad: {  	[dreg:$0x1] =	wrdreg $0xFFFFFFFF  }
0xae: {  	[dreg:$0x0] =	wrdreg $0x60  }
0xaf: {  	[dreg:$0x2] =	wrdreg s24  }
0xb0: {  	[dreg:$0x3] =	wrdreg s2  }
0xb1: {  	[dreg:$0x4] =	wrdreg s18  }
0xb2: {  	[dreg:$0x5] =	wrdreg $0x9  }
0xb3: {  	_ =	task.clear_ibuf [dreg:s8], $0x6FFFF;
	_ =	strace $0x90000049  }
0xb4: {  	s29 =	simm.s32 $0x9;
	_ =	strace $0x8000004B  }
0xb5: {  	_ =	swait.ge [sflag:s29], $0x1  }
0xb6: {  	[sflag:s29] =	ssyncadd.s32 $0xFFFFFFFF  }
0xb7: {  	_ =	strace $0x9000004B  }
0xb8: {  	_ =	sfence  }
0xb9: {  	s30 =	sld [smem:$0x0];
	_ =	sdelay $0x2  }
0xba: {  	s31 =	sshll.u32 s1, $0xD;
	s1 =	sshrl.u32 s1, $0x2  }
0xbb: {  	s3 =	sand.u32 $0x4000, s31;
	s1 =	sadd.s32 s1, s30  }
0xbc: {  	s0 =	sor.u32 s3, s0;
	s1 =	sshll.u32 s1, $0x11  }
0xbd: {  	s0 =	sor.u32 s1, s0  }
0xbe: {  	s0 =	sadd.s32 $0x8F2B, s0  }
0xbf: {  	[sflag:s0] =	ssyncadd.remote.s32 $0x1  }
0xc0: {  	_ =	sfence.sel $0xFFFF  }
0xc1: {  	[dreg:$0x0] =	wrdreg $0xFFFFFFFF;
	(pc) =	sbr.abs _section_cstart, $3  }
0xc2: {  	[dreg:$0x1] =	wrdreg $0xFFFFFFFF  }
0xc3: {  	_ =	task.clear_ibuf [dreg:s8], $0x2FFFF;
	_ =	strace $0x9FFFFFFF  }
0xc4: {  	(tm) =	ssettm $0x7FFFFFFF  }
0xc5: {  	_ =	shalt  }
tec
execute0_lowered:
.L_overlay_start_1:
0x0: {  	(tag) =	ssettag $0x1  }
0x1: {  	s0 =	rddreg [dreg:$0x0]  }
0x2: {  	s2 =	rddreg [dreg:$0x1]  }
0x3: {  	s8 =	rddreg [dreg:$0x2];
	s1 =	simm.s32 $0x0;
	s7 =	srdreg.scid  }
0x4: {  	s18 =	stileid.u32;
	s28 =	simm.s32 $0x8C80;
	s29 =	simm.s32 $0xA080  }
0x5: {  	s30 =	simm.s32 $0xB480;
	s31 =	simm.s32 $0xC880;
	s3 =	sadd.s32 $0x1B4C00, s0  }
0x6: {  	[smem:$0x7FF] =	sst s1;
	s4 =	sadd.s32 $0x3C00, s0;
	s5 =	sadd.s32 $0x1DBE00, s0  }
0x7: {  	s6 =	sadd.s32 $0x2AE00, s0;
	s9 =	sand.u32 $0x1, s7;
	s10 =	sadd.s32 $0x203600, s0  }
0x8: {  	s17 =	sshll.u32 s18, $0x1;
	s11 =	sadd.s32 $0x474600, s0;
	s7 =	sadd.s32 $0x203000, s0  }
0x9: {  	s13 =	sadd.s32 $0x6E5600, s0;
	s12 =	sor.u32 s9, s17;
	s15 =	ssub.s32 $0x2, s9  }
0xa: {  	s14 =	sadd.s32 $0x956600, s0;
	s12 =	smul.u32 $0x1388, s12;
	s16 =	sshrl.u32 s15, $0x1  }
0xb: {  	s0 =	sadd.s32 $0x52000, s0;
	s24 =	smul.u32 $0x27100, s18;
	s15 =	ssub.s32 s15, s16  }
0xc: {  	_ =	strace $0x8000004A;
	s17 =	sshrl.u32 s12, $0x3;
	s16 =	smax.u32 s15, $0x1  }
0xd: {  	s12 =	sadd.s32 $0x1360, s12;
	s2 =	sadd.s32 s2, s17;
	[dreg:$0xf] =	wrdreg s16  }
0xe: {  	s19 =	sshll.u32 s12, $0x4;
	s8 =	sadd.s32 s8, s17;
	[dreg:$0x8] =	wrdreg s2  }
0xf: {  	s26 =	smul.u32 $0x13880, s9;
	[dreg:$0x9] =	wrdreg s8;
	s20 =	sadd.s32 s10, s19  }
0x10: {  	s9 =	smul.u32 $0x1388, s9;
	s21 =	sadd.s32 s11, s19;
	[dreg:$0xa] =	wrdreg s20  }
0x11: {  	s23 =	sshrl.u32 s12, $0x3;
	s22 =	sadd.s32 s13, s19;
	[dreg:$0xb] =	wrdreg s21  }
0x12: {  	s17 =	sadd.s32 s24, s10;
	s2 =	sadd.s32 s14, s19;
	[dreg:$0xc] =	wrdreg s22  }
0x13: {  	s25 =	sadd.s32 s0, s23;
	s19 =	smul.u32 $0x2710, s18;
	[dreg:$0xd] =	wrdreg s2  }
0x14: {  	s8 =	sadd.s32 s26, s17;
	s11 =	sadd.s32 s24, s11;
	[dreg:$0xe] =	wrdreg s25  }
0x15: {  	s23 =	sadd.s32 s24, s14;
	[dreg:$0x4] =	wrdreg s8;
	s20 =	sadd.s32 s26, s11  }
0x16: {  	s21 =	sadd.s32 s24, s13;
	s2 =	sadd.s32 s26, s23;
	s8 =	simm.s32 $0x2  }
0x17: {  	s11 =	simm.s32 $0x0;
	s23 =	simm.s32 $0x3C00;
	[dreg:$0x5] =	wrdreg s20  }
0x18: {  	s22 =	sadd.s32 s26, s21;
	s9 =	sadd.s32 s9, s19;
	[dreg:$0x7] =	wrdreg s2  }
0x19: {  	s20 =	simm.s32 $0x28;
	s2 =	simm.s32 $0x3;
	[dreg:$0x6] =	wrdreg s22  }
0x1a: {  	s10 =	sadd.s32 $0x28, s9;
	s24 =	sshrl.u32 s9, $0x3;
	s22 =	simm.s32 $0x2800  }
0x1b: {  	s25 =	sshrl.u32 s10, $0x3;
	s26 =	sadd.s32 s24, s0;
	s24 =	simm.s32 $0x5000  }
0x1c: {  	[dreg:$0x10] =	wrdreg s26;
	s0 =	sadd.s32 s25, s0;
	s25 =	simm.s32 $0x7800  }
0x1d: {  	s26 =	simm.s32 $0x7880;
	[dreg:$0x11] =	wrdreg s0;
	s0 =	simm.s32 $0x1  }
.LBB2_1:
0x1e: {  	[dreg:$0x12] =	wrdreg s11  }
0x1f: {  	s9 =	rddreg [dreg:$0x8];
	s10 =	simm.s32 $0x5  }
0x20: {  	[tilespmem:s1], [sflag:$0x5] =	stream.linear.gather [hbm4b:s9+s1], $0x1388, $0x38;
	[tilespmem:$0xC900] =	vst v63  }
0x21: {  	_ =	swait.ge [sflag:s10], $0x1388  }
0x22: {  	[sflag:s10] =	ssyncset.done $0x0  }
0x23: {  	s21 =	simm.s32 $0x1400;
	s19 =	rddreg [dreg:$0x9];
	[sflag:s10] =	ssyncadd.s32 $0xFFFFEC78  }
0x24: {  	[tilespmem:s21], [sflag:$0x5] =	stream.linear.gather [hbm4b:s19+s1], $0x1388, $0x38;
	[tilespmem:$0xC900] =	vst v63  }
0x25: {  	_ =	swait.ge [sflag:s10], $0x1388  }
0x26: {  	[sflag:s10] =	ssyncset.done $0x0  }
0x27: {  	s14 =	simm.s32 $0x2800;
	[sflag:s10] =	ssyncadd.s32 $0xFFFFEC78  }
0x28: {  	[tilespmem:s14], [sflag:$0x1] =	stream.indirect.gather [hbm4b:s3+s20], $0x80, s1, s20, $0xb8;
	[tilespmem:$0xC900] =	vst v63  }
0x29: {  	s16 =	simm.s32 $0x3C00  }
0x2a: {  	[tilespmem:s16], [sflag:$0x1] =	stream.indirect.gather [hbm4b:s4+s20], $0x80, s1, s20, $0xb8;
	[tilespmem:$0xC900] =	vst v63  }
0x2b: {  	s17 =	simm.s32 $0x5000;
	p0 =	por $0x1, $0x1  }
0x2c: {  	[tilespmem:s17], [sflag:$0x1] =	stream.indirect.gather [hbm4b:s5+s20], $0x80, s21, s20, $0xb8;
	[tilespmem:$0xC900] =	vst v63  }
0x2d: {  	s18 =	simm.s32 $0x6400;
	p0 =	por p0, p0  }
0x2e: {  	[tilespmem:s18], [sflag:$0x1] =	stream.indirect.gather [hbm4b:s6+s20], $0x80, s21, s20, $0xb8;
	[tilespmem:$0xC900] =	vst v63  }
0x2f: {  	s9 =	simm.s32 @!p0 $0x4  }
0x30: {  	[tilespmem:s25], [sflag:$0x1] =	stream.indirect.gather [hbm4b:s7+s20], $0x1, s21, s20, $0xb8;
	[tilespmem:$0xC900] =	vst v63  }
0x31: {  	_ =	swait.ge @!p0 [sflag:s9], $0x1400  }
0x32: {  	[sflag:s9] =	ssyncset.done @!p0 $0x0  }
0x33: {  	[sflag:s9] =	ssyncadd.s32 @!p0 $0xFFFFEC00  }
0x34: {  	_ =	swait.ge @!p0 [sflag:s9], $0x1400  }
0x35: {  	[sflag:s9] =	ssyncset.done @!p0 $0x0  }
0x36: {  	[sflag:s9] =	ssyncadd.s32 @!p0 $0xFFFFEC00  }
0x37: {  	_ =	swait.ge @!p0 [sflag:s9], $0x1400  }
0x38: {  	[sflag:s9] =	ssyncset.done @!p0 $0x0  }
0x39: {  	[sflag:s9] =	ssyncadd.s32 @!p0 $0xFFFFEC00  }
0x3a: {  	_ =	swait.ge @!p0 [sflag:s9], $0x1400  }
0x3b: {  	[sflag:s9] =	ssyncset.done @!p0 $0x0  }
0x3c: {  	[sflag:s9] =	ssyncadd.s32 @!p0 $0xFFFFEC00  }
0x3d: {  	_ =	swait.ge @!p0 [sflag:s9], $0x28  }
0x3e: {  	[sflag:s9] =	ssyncset.done @!p0 $0x0  }
0x3f: {  	s10 =	simm.s32 $0x28;
	[sflag:s9] =	ssyncadd.s32 @!p0 $0xFFFFFFD8  }
0x40: {  	[tilespmem:s26], [sflag:$0x2] =	stream.indirect.gather [hbm4b:s3+s20], $0x80, s10, s20, $0xb8;
	[tilespmem:$0xC900] =	vst v63  }
0x41: {  	_ = 	snop  }
0x42: {  	[tilespmem:s28], [sflag:$0x2] =	stream.indirect.gather [hbm4b:s4+s20], $0x80, s10, s20, $0xb8;
	[tilespmem:$0xC900] =	vst v63  }
0x43: {  	s11 =	simm.s32 $0x1428  }
0x44: {  	[tilespmem:s29], [sflag:$0x2] =	stream.indirect.gather [hbm4b:s5+s20], $0x80, s11, s20, $0xb8;
	[tilespmem:$0xC900] =	vst v63  }
0x45: {  	_ = 	snop  }
0x46: {  	[tilespmem:s30], [sflag:$0x2] =	stream.indirect.gather [hbm4b:s6+s20], $0x80, s11, s20, $0xb8;
	[tilespmem:$0xC900] =	vst v63  }
0x47: {  	_ = 	snop  }
0x48: {  	[tilespmem:s31], [sflag:$0x2] =	stream.indirect.gather [hbm4b:s7+s20], $0x1, s11, s20, $0xb8;
	[tilespmem:$0xC900] =	vst v63  }
0x49: {  	_ =	swait.ge [sflag:s0], $0x1400  }
0x4a: {  	[sflag:s0] =	ssyncset.done $0x0  }
0x4b: {  	[sflag:s0] =	ssyncadd.s32 $0xFFFFEC00  }
0x4c: {  	_ =	swait.ge [sflag:s0], $0x1400  }
0x4d: {  	[sflag:s0] =	ssyncset.done $0x0  }
0x4e: {  	[sflag:s0] =	ssyncadd.s32 $0xFFFFEC00  }
0x4f: {  	_ =	swait.ge [sflag:s0], $0x1400  }
0x50: {  	[sflag:s0] =	ssyncset.done $0x0  }
0x51: {  	[sflag:s0] =	ssyncadd.s32 $0xFFFFEC00  }
0x52: {  	_ =	swait.ge [sflag:s0], $0x1400  }
0x53: {  	[sflag:s0] =	ssyncset.done $0x0  }
0x54: {  	[sflag:s0] =	ssyncadd.s32 $0xFFFFEC00  }
0x55: {  	_ =	swait.ge [sflag:s0], $0x28  }
0x56: {  	s12 =	rddreg [dreg:$0x4];
	[sflag:s0] =	ssyncset.done $0x0  }
0x57: {  	s13 =	rddreg [dreg:$0x5];
	[sflag:s0] =	ssyncadd.s32 $0xFFFFFFD8;
	s9 =	sadd.s32 $0x0, s12  }
0x58: {  	[hbm4b:s9+s1] =	stream.linear.scatter [tilespmem:s14], [sflag:$0x3], $0x1400, $0x38;
	[tilespmem:$0xC900] =	vst v63  }
0x59: {  	s15 =	rddreg [dreg:$0x6];
	s10 =	sadd.s32 $0x0, s13  }
0x5a: {  	[hbm4b:s10+s1] =	stream.linear.scatter [tilespmem:s16], [sflag:$0x3], $0x1400, $0x38;
	[tilespmem:$0xC900] =	vst v63  }
0x5b: {  	s12 =	rddreg [dreg:$0x7];
	s11 =	sadd.s32 $0x0, s15  }
0x5c: {  	[hbm4b:s11+s1] =	stream.linear.scatter [tilespmem:s17], [sflag:$0x3], $0x1400, $0x38;
	[tilespmem:$0xC900] =	vst v63  }
0x5d: {  	s12 =	sadd.s32 $0x0, s12  }
0x5e: {  	[hbm4b:s12+s1] =	stream.linear.scatter [tilespmem:s18], [sflag:$0x3], $0x1400, $0x38;
	[tilespmem:$0xC900] =	vst v63  }
0x5f: {  	s15 =	rddreg [dreg:$0x10]  }
0x60: {  	[hbm4b:s15+s1] =	stream.linear.scatter [tilespmem:s25], [sflag:$0x3], $0x28, $0x38;
	[tilespmem:$0xC900] =	vst v63  }
0x61: {  	_ =	swait.ge [sflag:s2], $0x1400  }
0x62: {  	[sflag:s2] =	ssyncset.done $0x0  }
0x63: {  	[sflag:s2] =	ssyncadd.s32 $0xFFFFEC00  }
0x64: {  	_ =	swait.ge [sflag:s2], $0x1400  }
0x65: {  	[sflag:s2] =	ssyncset.done $0x0  }
0x66: {  	[sflag:s2] =	ssyncadd.s32 $0xFFFFEC00  }
0x67: {  	_ =	swait.ge [sflag:s2], $0x1400  }
0x68: {  	[sflag:s2] =	ssyncset.done $0x0  }
0x69: {  	[sflag:s2] =	ssyncadd.s32 $0xFFFFEC00  }
0x6a: {  	_ =	swait.ge [sflag:s2], $0x1400  }
0x6b: {  	[sflag:s2] =	ssyncset.done $0x0  }
0x6c: {  	[sflag:s2] =	ssyncadd.s32 $0xFFFFEC00  }
0x6d: {  	_ =	swait.ge [sflag:s2], $0x28  }
0x6e: {  	[sflag:s2] =	ssyncset.done $0x0  }
0x6f: {  	s13 =	simm.s32 $0x50;
	[sflag:s2] =	ssyncadd.s32 $0xFFFFFFD8  }
0x70: {  	[tilespmem:s14], [sflag:$0x1] =	stream.indirect.gather [hbm4b:s3+s20], $0x80, s13, s20, $0xb8;
	[tilespmem:$0xC900] =	vst v63  }
0x71: {  	_ = 	snop  }
0x72: {  	[tilespmem:s16], [sflag:$0x1] =	stream.indirect.gather [hbm4b:s4+s20], $0x80, s13, s20, $0xb8;
	[tilespmem:$0xC900] =	vst v63  }
0x73: {  	s16 =	simm.s32 $0x1450  }
0x74: {  	[tilespmem:s17], [sflag:$0x1] =	stream.indirect.gather [hbm4b:s5+s20], $0x80, s16, s20, $0xb8;
	[tilespmem:$0xC900] =	vst v63  }
0x75: {  	_ = 	snop  }
0x76: {  	[tilespmem:s18], [sflag:$0x1] =	stream.indirect.gather [hbm4b:s6+s20], $0x80, s16, s20, $0xb8;
	[tilespmem:$0xC900] =	vst v63  }
0x77: {  	_ = 	snop  }
0x78: {  	[tilespmem:s25], [sflag:$0x1] =	stream.indirect.gather [hbm4b:s7+s20], $0x1, s16, s20, $0xb8;
	[tilespmem:$0xC900] =	vst v63  }
0x79: {  	_ =	swait.ge [sflag:s8], $0x1400  }
0x7a: {  	[sflag:s8] =	ssyncset.done $0x0  }
0x7b: {  	[sflag:s8] =	ssyncadd.s32 $0xFFFFEC00  }
0x7c: {  	_ =	swait.ge [sflag:s8], $0x1400  }
0x7d: {  	[sflag:s8] =	ssyncset.done $0x0  }
0x7e: {  	[sflag:s8] =	ssyncadd.s32 $0xFFFFEC00  }
0x7f: {  	_ =	swait.ge [sflag:s8], $0x1400  }
0x80: {  	[sflag:s8] =	ssyncset.done $0x0  }
0x81: {  	[sflag:s8] =	ssyncadd.s32 $0xFFFFEC00  }
0x82: {  	_ =	swait.ge [sflag:s8], $0x1400  }
0x83: {  	[sflag:s8] =	ssyncset.done $0x0  }
0x84: {  	[sflag:s8] =	ssyncadd.s32 $0xFFFFEC00  }
0x85: {  	p6 =	por $0x0, $0x0;
	_ =	swait.ge [sflag:s8], $0x28  }
0x86: {  	p0 =	por p6, p6;
	[sflag:s8] =	ssyncset.done $0x0  }
0x87: {  	s9 =	sadd.s32 $0x280, s9;
	s19 =	sadd.s32 $0x280, s11;
	[sflag:s8] =	ssyncadd.s32 $0xFFFFFFD8  }
0x88: {  	[hbm4b:s9+s1] =	stream.linear.scatter [tilespmem:s26], [sflag:$0x4], $0x1400, $0x38;
	[tilespmem:$0xC900] =	vst v63  }
0x89: {  	s21 =	sadd.s32 $0x280, s12;
	s12 =	simm.s32 $0x14A0;
	s18 =	sadd.s32 $0x280, s10  }
0x8a: {  	[hbm4b:s18+s1] =	stream.linear.scatter [tilespmem:s28], [sflag:$0x4], $0x1400, $0x38;
	[tilespmem:$0xC900] =	vst v63  }
0x8b: {  	s15 =	sadd.s32 $0xA, s15;
	s14 =	simm.s32 $0x500;
	s17 =	rddreg [dreg:$0x11]  }
0x8c: {  	[hbm4b:s19+s1] =	stream.linear.scatter [tilespmem:s29], [sflag:$0x4], $0x1400, $0x38;
	[tilespmem:$0xC900] =	vst v63  }
0x8d: {  	s13 =	simm.s32 $0xA0;
	s11 =	sadd.s32 $0xA, s17;
	s19 =	simm.s32 $0xA00  }
0x8e: {  	[hbm4b:s21+s1] =	stream.linear.scatter [tilespmem:s30], [sflag:$0x4], $0x1400, $0x38;
	[tilespmem:$0xC900] =	vst v63  }
.LBB2_2:
0x8f: {  	[hbm4b:s17+s1] =	stream.linear.scatter [tilespmem:s31], [sflag:$0x4], $0x28, $0x38;
	[tilespmem:$0xC900] =	vst v63  }
0x90: {  	s9 =	simm.s32 @!p0 $0x4  }
0x91: {  	_ =	swait.ge @!p0 [sflag:s9], $0x1400  }
0x92: {  	[sflag:s9] =	ssyncset.done @!p0 $0x0  }
0x93: {  	[sflag:s9] =	ssyncadd.s32 @!p0 $0xFFFFEC00  }
0x94: {  	_ =	swait.ge @!p0 [sflag:s9], $0x1400  }
0x95: {  	[sflag:s9] =	ssyncset.done @!p0 $0x0  }
0x96: {  	[sflag:s9] =	ssyncadd.s32 @!p0 $0xFFFFEC00  }
0x97: {  	_ =	swait.ge @!p0 [sflag:s9], $0x1400  }
0x98: {  	[sflag:s9] =	ssyncset.done @!p0 $0x0  }
0x99: {  	[sflag:s9] =	ssyncadd.s32 @!p0 $0xFFFFEC00  }
0x9a: {  	_ =	swait.ge @!p0 [sflag:s9], $0x1400  }
0x9b: {  	[sflag:s9] =	ssyncset.done @!p0 $0x0  }
0x9c: {  	[sflag:s9] =	ssyncadd.s32 @!p0 $0xFFFFEC00  }
0x9d: {  	_ =	swait.ge @!p0 [sflag:s9], $0x28  }
0x9e: {  	[sflag:s9] =	ssyncset.done @!p0 $0x0  }
0x9f: {  	s10 =	sadd.s32 $0xFFFFFFD8, s13;
	[sflag:s9] =	ssyncadd.s32 @!p0 $0xFFFFFFD8  }
0xa0: {  	[tilespmem:s26], [sflag:$0x2] =	stream.indirect.gather [hbm4b:s3+s20], $0x80, s10, s20, $0xb8;
	[tilespmem:$0xC900] =	vst v63  }
0xa1: {  	_ = 	snop  }
0xa2: {  	[tilespmem:s28], [sflag:$0x2] =	stream.indirect.gather [hbm4b:s4+s20], $0x80, s10, s20, $0xb8;
	[tilespmem:$0xC900] =	vst v63  }
0xa3: {  	s18 =	sadd.s32 $0xFFFFFFD8, s12  }
0xa4: {  	[tilespmem:s29], [sflag:$0x2] =	stream.indirect.gather [hbm4b:s5+s20], $0x80, s18, s20, $0xb8;
	[tilespmem:$0xC900] =	vst v63  }
0xa5: {  	_ = 	snop  }
0xa6: {  	[tilespmem:s30], [sflag:$0x2] =	stream.indirect.gather [hbm4b:s6+s20], $0x80, s18, s20, $0xb8;
	[tilespmem:$0xC900] =	vst v63  }
0xa7: {  	_ = 	snop  }
0xa8: {  	[tilespmem:s31], [sflag:$0x2] =	stream.indirect.gather [hbm4b:s7+s20], $0x1, s18, s20, $0xb8;
	[tilespmem:$0xC900] =	vst v63  }
0xa9: {  	_ =	swait.ge [sflag:s0], $0x1400  }
0xaa: {  	[sflag:s0] =	ssyncset.done $0x0  }
0xab: {  	[sflag:s0] =	ssyncadd.s32 $0xFFFFEC00  }
0xac: {  	_ =	swait.ge [sflag:s0], $0x1400  }
0xad: {  	[sflag:s0] =	ssyncset.done $0x0  }
0xae: {  	[sflag:s0] =	ssyncadd.s32 $0xFFFFEC00  }
0xaf: {  	_ =	swait.ge [sflag:s0], $0x1400  }
0xb0: {  	[sflag:s0] =	ssyncset.done $0x0  }
0xb1: {  	[sflag:s0] =	ssyncadd.s32 $0xFFFFEC00  }
0xb2: {  	_ =	swait.ge [sflag:s0], $0x1400  }
0xb3: {  	[sflag:s0] =	ssyncset.done $0x0  }
0xb4: {  	[sflag:s0] =	ssyncadd.s32 $0xFFFFEC00  }
0xb5: {  	_ =	swait.ge [sflag:s0], $0x28  }
0xb6: {  	s21 =	rddreg [dreg:$0x4];
	[sflag:s0] =	ssyncset.done $0x0  }
0xb7: {  	s10 =	rddreg [dreg:$0x5];
	[sflag:s0] =	ssyncadd.s32 $0xFFFFFFD8;
	s18 =	sadd.s32 s14, s21  }
0xb8: {  	[hbm4b:s18+s1] =	stream.linear.scatter [tilespmem:s22], [sflag:$0x3], $0x1400, $0x38;
	[tilespmem:$0xC900] =	vst v63  }
0xb9: {  	s16 =	smov.u32 s19;
	s9 =	rddreg [dreg:$0x6];
	s10 =	sadd.s32 s14, s10  }
0xba: {  	[hbm4b:s10+s1] =	stream.linear.scatter [tilespmem:s23], [sflag:$0x3], $0x1400, $0x38;
	[tilespmem:$0xC900] =	vst v63  }
0xbb: {  	p2 =	seq.s32 s16, $0x0;
	s21 =	rddreg [dreg:$0x7];
	s9 =	sadd.s32 s14, s9  }
0xbc: {  	[hbm4b:s9+s1] =	stream.linear.scatter [tilespmem:s24], [sflag:$0x3], $0x1400, $0x38;
	[tilespmem:$0xC900] =	vst v63  }
0xbd: {  	s21 =	sadd.s32 s14, s21;
	s14 =	smov.u32 s16;
	s16 =	simm.s32 $0x6400  }
0xbe: {  	[hbm4b:s21+s1] =	stream.linear.scatter [tilespmem:s16], [sflag:$0x3], $0x1400, $0x38;
	[tilespmem:$0xC900] =	vst v63  }
0xbf: {  	_ = 	snop  }
0xc0: {  	[hbm4b:s15+s1] =	stream.linear.scatter [tilespmem:s25], [sflag:$0x3], $0x28, $0x38;
	[tilespmem:$0xC900] =	vst v63  }
0xc1: {  	_ =	swait.ge [sflag:s2], $0x1400  }
0xc2: {  	[sflag:s2] =	ssyncset.done $0x0  }
0xc3: {  	[sflag:s2] =	ssyncadd.s32 $0xFFFFEC00  }
0xc4: {  	_ =	swait.ge [sflag:s2], $0x1400  }
0xc5: {  	[sflag:s2] =	ssyncset.done $0x0  }
0xc6: {  	[sflag:s2] =	ssyncadd.s32 $0xFFFFEC00  }
0xc7: {  	_ =	swait.ge [sflag:s2], $0x1400  }
0xc8: {  	[sflag:s2] =	ssyncset.done $0x0  }
0xc9: {  	[sflag:s2] =	ssyncadd.s32 $0xFFFFEC00  }
0xca: {  	_ =	swait.ge [sflag:s2], $0x1400  }
0xcb: {  	[sflag:s2] =	ssyncset.done $0x0  }
0xcc: {  	[sflag:s2] =	ssyncadd.s32 $0xFFFFEC00  }
0xcd: {  	_ =	swait.ge [sflag:s2], $0x28  }
0xce: {  	[sflag:s2] =	ssyncset.done $0x0  }
0xcf: {  	[sflag:s2] =	ssyncadd.s32 $0xFFFFFFD8  }
0xd0: {  	[tilespmem:s22], [sflag:$0x1] =	stream.indirect.gather [hbm4b:s3+s20], $0x80, s13, s20, $0xb8;
	[tilespmem:$0xC900] =	vst v63  }
0xd1: {  	_ = 	snop  }
0xd2: {  	[tilespmem:s23], [sflag:$0x1] =	stream.indirect.gather [hbm4b:s4+s20], $0x80, s13, s20, $0xb8;
	[tilespmem:$0xC900] =	vst v63  }
0xd3: {  	_ = 	snop  }
0xd4: {  	[tilespmem:s24], [sflag:$0x1] =	stream.indirect.gather [hbm4b:s5+s20], $0x80, s12, s20, $0xb8;
	[tilespmem:$0xC900] =	vst v63  }
0xd5: {  	_ = 	snop  }
0xd6: {  	[tilespmem:s16], [sflag:$0x1] =	stream.indirect.gather [hbm4b:s6+s20], $0x80, s12, s20, $0xb8;
	[tilespmem:$0xC900] =	vst v63  }
0xd7: {  	_ = 	snop  }
0xd8: {  	[tilespmem:s25], [sflag:$0x1] =	stream.indirect.gather [hbm4b:s7+s20], $0x1, s12, s20, $0xb8;
	[tilespmem:$0xC900] =	vst v63  }
0xd9: {  	_ =	swait.ge [sflag:s8], $0x1400  }
0xda: {  	[sflag:s8] =	ssyncset.done $0x0  }
0xdb: {  	[sflag:s8] =	ssyncadd.s32 $0xFFFFEC00  }
0xdc: {  	_ =	swait.ge [sflag:s8], $0x1400  }
0xdd: {  	[sflag:s8] =	ssyncset.done $0x0  }
0xde: {  	[sflag:s8] =	ssyncadd.s32 $0xFFFFEC00  }
0xdf: {  	_ =	swait.ge [sflag:s8], $0x1400  }
0xe0: {  	[sflag:s8] =	ssyncset.done $0x0  }
0xe1: {  	[sflag:s8] =	ssyncadd.s32 $0xFFFFEC00  }
0xe2: {  	_ =	swait.ge [sflag:s8], $0x1400  }
0xe3: {  	[sflag:s8] =	ssyncset.done $0x0  }
0xe4: {  	[sflag:s8] =	ssyncadd.s32 $0xFFFFEC00  }
0xe5: {  	_ =	swait.ge [sflag:s8], $0x28  }
0xe6: {  	[sflag:s8] =	ssyncset.done $0x0  }
0xe7: {  	s19 =	sadd.s32 $0x500, s19;
	s18 =	sadd.s32 $0x280, s18;
	[sflag:s8] =	ssyncadd.s32 $0xFFFFFFD8  }
0xe8: {  	[hbm4b:s18+s1] =	stream.linear.scatter [tilespmem:s26], [sflag:$0x4], $0x1400, $0x38;
	[tilespmem:$0xC900] =	vst v63  }
0xe9: {  	p1 =	sne.s32 s19, $0x13600;
	s10 =	sadd.s32 $0x280, s10  }
0xea: {  	[hbm4b:s10+s1] =	stream.linear.scatter [tilespmem:s28], [sflag:$0x4], $0x1400, $0x38;
	[tilespmem:$0xC900] =	vst v63  }
.Ltmp0:
0xeb: {  	s17 =	smov.u32 s11;
	s11 =	sadd.s32 $0xA, s11;
	(pc) =	sbr.rel @p1 .LBB2_2-.Ltmp0, $4  }
0xec: {  	p0 =	por p2, p2;
	s9 =	sadd.s32 $0x280, s9;
	s21 =	sadd.s32 $0x280, s21  }
0xed: {  	[hbm4b:s9+s1] =	stream.linear.scatter [tilespmem:s29], [sflag:$0x4], $0x1400, $0x38;
	[tilespmem:$0xC900] =	vst v63  }
0xee: {  	s15 =	sadd.s32 $0xA, s15;
	s13 =	sadd.s32 $0x50, s13;
	s12 =	sadd.s32 $0x50, s12  }
0xef: {  	[hbm4b:s21+s1] =	stream.linear.scatter [tilespmem:s30], [sflag:$0x4], $0x1400, $0x38;
	[tilespmem:$0xC900] =	vst v63  }
0xf0: {  	[hbm4b:s17+s1] =	stream.linear.scatter [tilespmem:s31], [sflag:$0x4], $0x28, $0x38;
	[tilespmem:$0xC900] =	vst v63  }
0xf1: {  	s9 =	simm.s32 @!p0 $0x4  }
0xf2: {  	_ =	swait.ge @!p0 [sflag:s9], $0x1400  }
0xf3: {  	[sflag:s9] =	ssyncset.done @!p0 $0x0  }
0xf4: {  	[sflag:s9] =	ssyncadd.s32 @!p0 $0xFFFFEC00  }
0xf5: {  	_ =	swait.ge @!p0 [sflag:s9], $0x1400  }
0xf6: {  	[sflag:s9] =	ssyncset.done @!p0 $0x0  }
0xf7: {  	[sflag:s9] =	ssyncadd.s32 @!p0 $0xFFFFEC00  }
0xf8: {  	_ =	swait.ge @!p0 [sflag:s9], $0x1400  }
0xf9: {  	[sflag:s9] =	ssyncset.done @!p0 $0x0  }
0xfa: {  	[sflag:s9] =	ssyncadd.s32 @!p0 $0xFFFFEC00  }
0xfb: {  	_ =	swait.ge @!p0 [sflag:s9], $0x1400  }
0xfc: {  	[sflag:s9] =	ssyncset.done @!p0 $0x0  }
0xfd: {  	[sflag:s9] =	ssyncadd.s32 @!p0 $0xFFFFEC00  }
0xfe: {  	_ =	swait.ge @!p0 [sflag:s9], $0x28  }
0xff: {  	[sflag:s9] =	ssyncset.done @!p0 $0x0  }
0x100: {  	s18 =	sadd.s32 $0xFFFFFFD8, s13;
	[sflag:s9] =	ssyncadd.s32 @!p0 $0xFFFFFFD8  }
0x101: {  	[tilespmem:s26], [sflag:$0x2] =	stream.indirect.gather [hbm4b:s3+s20], $0x80, s18, s20, $0xb8;
	[tilespmem:$0xC900] =	vst v63  }
0x102: {  	_ = 	snop  }
0x103: {  	[tilespmem:s28], [sflag:$0x2] =	stream.indirect.gather [hbm4b:s4+s20], $0x80, s18, s20, $0xb8;
	[tilespmem:$0xC900] =	vst v63  }
0x104: {  	s19 =	sadd.s32 $0xFFFFFFD8, s12  }
0x105: {  	[tilespmem:s29], [sflag:$0x2] =	stream.indirect.gather [hbm4b:s5+s20], $0x80, s19, s20, $0xb8;
	[tilespmem:$0xC900] =	vst v63  }
0x106: {  	_ = 	snop  }
0x107: {  	[tilespmem:s30], [sflag:$0x2] =	stream.indirect.gather [hbm4b:s6+s20], $0x80, s19, s20, $0xb8;
	[tilespmem:$0xC900] =	vst v63  }
0x108: {  	_ = 	snop  }
0x109: {  	[tilespmem:s31], [sflag:$0x2] =	stream.indirect.gather [hbm4b:s7+s20], $0x1, s19, s20, $0xb8;
	[tilespmem:$0xC900] =	vst v63  }
0x10a: {  	_ =	swait.ge [sflag:s0], $0x1400  }
0x10b: {  	[sflag:s0] =	ssyncset.done $0x0  }
0x10c: {  	[sflag:s0] =	ssyncadd.s32 $0xFFFFEC00  }
0x10d: {  	_ =	swait.ge [sflag:s0], $0x1400  }
0x10e: {  	[sflag:s0] =	ssyncset.done $0x0  }
0x10f: {  	[sflag:s0] =	ssyncadd.s32 $0xFFFFEC00  }
0x110: {  	_ =	swait.ge [sflag:s0], $0x1400  }
0x111: {  	[sflag:s0] =	ssyncset.done $0x0  }
0x112: {  	[sflag:s0] =	ssyncadd.s32 $0xFFFFEC00  }
0x113: {  	_ =	swait.ge [sflag:s0], $0x1400  }
0x114: {  	[sflag:s0] =	ssyncset.done $0x0  }
0x115: {  	[sflag:s0] =	ssyncadd.s32 $0xFFFFEC00  }
0x116: {  	_ =	swait.ge [sflag:s0], $0x28  }
0x117: {  	s18 =	simm.s32 $0x2800;
	s21 =	rddreg [dreg:$0x4];
	[sflag:s0] =	ssyncset.done $0x0  }
0x118: {  	s10 =	rddreg [dreg:$0x5];
	[sflag:s0] =	ssyncadd.s32 $0xFFFFFFD8;
	s9 =	sadd.s32 s14, s21  }
0x119: {  	[hbm4b:s9+s1] =	stream.linear.scatter [tilespmem:s18], [sflag:$0x3], $0x1400, $0x38;
	[tilespmem:$0xC900] =	vst v63  }
0x11a: {  	s19 =	simm.s32 $0x3C00;
	s16 =	rddreg [dreg:$0x6];
	s10 =	sadd.s32 s14, s10  }
0x11b: {  	[hbm4b:s10+s1] =	stream.linear.scatter [tilespmem:s19], [sflag:$0x3], $0x1400, $0x38;
	[tilespmem:$0xC900] =	vst v63  }
0x11c: {  	s17 =	rddreg [dreg:$0x7];
	s16 =	sadd.s32 s14, s16;
	s21 =	simm.s32 $0x5000  }
0x11d: {  	[hbm4b:s16+s1] =	stream.linear.scatter [tilespmem:s21], [sflag:$0x3], $0x1400, $0x38;
	[tilespmem:$0xC900] =	vst v63  }
0x11e: {  	s14 =	sadd.s32 s14, s17;
	s17 =	simm.s32 $0x6400  }
0x11f: {  	[hbm4b:s14+s1] =	stream.linear.scatter [tilespmem:s17], [sflag:$0x3], $0x1400, $0x38;
	[tilespmem:$0xC900] =	vst v63  }
0x120: {  	_ = 	snop  }
0x121: {  	[hbm4b:s15+s1] =	stream.linear.scatter [tilespmem:s25], [sflag:$0x3], $0x28, $0x38;
	[tilespmem:$0xC900] =	vst v63  }
0x122: {  	_ =	swait.ge [sflag:s2], $0x1400  }
0x123: {  	[sflag:s2] =	ssyncset.done $0x0  }
0x124: {  	[sflag:s2] =	ssyncadd.s32 $0xFFFFEC00  }
0x125: {  	_ =	swait.ge [sflag:s2], $0x1400  }
0x126: {  	[sflag:s2] =	ssyncset.done $0x0  }
0x127: {  	[sflag:s2] =	ssyncadd.s32 $0xFFFFEC00  }
0x128: {  	_ =	swait.ge [sflag:s2], $0x1400  }
0x129: {  	[sflag:s2] =	ssyncset.done $0x0  }
0x12a: {  	[sflag:s2] =	ssyncadd.s32 $0xFFFFEC00  }
0x12b: {  	_ =	swait.ge [sflag:s2], $0x1400  }
0x12c: {  	[sflag:s2] =	ssyncset.done $0x0  }
0x12d: {  	[sflag:s2] =	ssyncadd.s32 $0xFFFFEC00  }
0x12e: {  	_ =	swait.ge [sflag:s2], $0x28  }
0x12f: {  	[sflag:s2] =	ssyncset.done $0x0  }
0x130: {  	[sflag:s2] =	ssyncadd.s32 $0xFFFFFFD8  }
0x131: {  	[tilespmem:s18], [sflag:$0x1] =	stream.indirect.gather [hbm4b:s3+s20], $0x80, s13, s20, $0xb8;
	[tilespmem:$0xC900] =	vst v63  }
0x132: {  	_ = 	snop  }
0x133: {  	[tilespmem:s19], [sflag:$0x1] =	stream.indirect.gather [hbm4b:s4+s20], $0x80, s13, s20, $0xb8;
	[tilespmem:$0xC900] =	vst v63  }
0x134: {  	_ = 	snop  }
0x135: {  	[tilespmem:s21], [sflag:$0x1] =	stream.indirect.gather [hbm4b:s5+s20], $0x80, s12, s20, $0xb8;
	[tilespmem:$0xC900] =	vst v63  }
0x136: {  	_ = 	snop  }
0x137: {  	[tilespmem:s17], [sflag:$0x1] =	stream.indirect.gather [hbm4b:s6+s20], $0x80, s12, s20, $0xb8;
	[tilespmem:$0xC900] =	vst v63  }
0x138: {  	_ = 	snop  }
0x139: {  	[tilespmem:s25], [sflag:$0x1] =	stream.indirect.gather [hbm4b:s7+s20], $0x1, s12, s20, $0xb8;
	[tilespmem:$0xC900] =	vst v63  }
0x13a: {  	_ =	swait.ge [sflag:s8], $0x1400  }
0x13b: {  	[sflag:s8] =	ssyncset.done $0x0  }
0x13c: {  	[sflag:s8] =	ssyncadd.s32 $0xFFFFEC00  }
0x13d: {  	_ =	swait.ge [sflag:s8], $0x1400  }
0x13e: {  	[sflag:s8] =	ssyncset.done $0x0  }
0x13f: {  	[sflag:s8] =	ssyncadd.s32 $0xFFFFEC00  }
0x140: {  	_ =	swait.ge [sflag:s8], $0x1400  }
0x141: {  	[sflag:s8] =	ssyncset.done $0x0  }
0x142: {  	[sflag:s8] =	ssyncadd.s32 $0xFFFFEC00  }
0x143: {  	_ =	swait.ge [sflag:s8], $0x1400  }
0x144: {  	[sflag:s8] =	ssyncset.done $0x0  }
0x145: {  	[sflag:s8] =	ssyncadd.s32 $0xFFFFEC00  }
0x146: {  	_ =	swait.ge [sflag:s8], $0x28  }
0x147: {  	[sflag:s8] =	ssyncset.done $0x0  }
0x148: {  	s9 =	sadd.s32 $0x280, s9;
	[sflag:s8] =	ssyncadd.s32 $0xFFFFFFD8  }
0x149: {  	[hbm4b:s9+s1] =	stream.linear.scatter [tilespmem:s26], [sflag:$0x4], $0x1400, $0x38;
	[tilespmem:$0xC900] =	vst v63  }
0x14a: {  	s15 =	sadd.s32 $0x280, s10  }
0x14b: {  	[hbm4b:s15+s1] =	stream.linear.scatter [tilespmem:s28], [sflag:$0x4], $0x1400, $0x38;
	[tilespmem:$0xC900] =	vst v63  }
0x14c: {  	s10 =	sadd.s32 $0x280, s16  }
0x14d: {  	[hbm4b:s10+s1] =	stream.linear.scatter [tilespmem:s29], [sflag:$0x4], $0x1400, $0x38;
	[tilespmem:$0xC900] =	vst v63  }
0x14e: {  	s12 =	sadd.s32 $0x280, s14  }
0x14f: {  	[hbm4b:s12+s1] =	stream.linear.scatter [tilespmem:s30], [sflag:$0x4], $0x1400, $0x38;
	[tilespmem:$0xC900] =	vst v63  }
0x150: {  	_ = 	snop  }
0x151: {  	[hbm4b:s11+s1] =	stream.linear.scatter [tilespmem:s31], [sflag:$0x4], $0x28, $0x38;
	[tilespmem:$0xC900] =	vst v63  }
0x152: {  	_ =	swait.ge [sflag:s0], $0x1400  }
0x153: {  	[sflag:s0] =	ssyncset.done $0x0  }
0x154: {  	[sflag:s0] =	ssyncadd.s32 $0xFFFFEC00  }
0x155: {  	_ =	swait.ge [sflag:s0], $0x1400  }
0x156: {  	[sflag:s0] =	ssyncset.done $0x0  }
0x157: {  	[sflag:s0] =	ssyncadd.s32 $0xFFFFEC00  }
0x158: {  	_ =	swait.ge [sflag:s0], $0x1400  }
0x159: {  	[sflag:s0] =	ssyncset.done $0x0  }
0x15a: {  	[sflag:s0] =	ssyncadd.s32 $0xFFFFEC00  }
0x15b: {  	_ =	swait.ge [sflag:s0], $0x1400  }
0x15c: {  	[sflag:s0] =	ssyncset.done $0x0  }
0x15d: {  	[sflag:s0] =	ssyncadd.s32 $0xFFFFEC00  }
0x15e: {  	_ =	swait.ge [sflag:s0], $0x28  }
0x15f: {  	[sflag:s0] =	ssyncset.done $0x0  }
0x160: {  	s13 =	rddreg [dreg:$0xa];
	[sflag:s0] =	ssyncadd.s32 $0xFFFFFFD8  }
0x161: {  	[hbm4b:s13+s1] =	stream.linear.scatter [tilespmem:s18], [sflag:$0x3], $0x1400, $0x38;
	[tilespmem:$0xC900] =	vst v63  }
0x162: {  	s14 =	rddreg [dreg:$0xb]  }
0x163: {  	[hbm4b:s14+s1] =	stream.linear.scatter [tilespmem:s19], [sflag:$0x3], $0x1400, $0x38;
	[tilespmem:$0xC900] =	vst v63  }
0x164: {  	s15 =	rddreg [dreg:$0xc]  }
0x165: {  	[hbm4b:s15+s1] =	stream.linear.scatter [tilespmem:s21], [sflag:$0x3], $0x1400, $0x38;
	[tilespmem:$0xC900] =	vst v63  }
0x166: {  	s16 =	rddreg [dreg:$0xd]  }
0x167: {  	[hbm4b:s16+s1] =	stream.linear.scatter [tilespmem:s17], [sflag:$0x3], $0x1400, $0x38;
	[tilespmem:$0xC900] =	vst v63  }
0x168: {  	s17 =	rddreg [dreg:$0xe]  }
0x169: {  	[hbm4b:s17+s1] =	stream.linear.scatter [tilespmem:s25], [sflag:$0x3], $0x28, $0x38;
	[tilespmem:$0xC900] =	vst v63  }
0x16a: {  	_ =	swait.ge [sflag:s2], $0x1400  }
0x16b: {  	[sflag:s2] =	ssyncset.done $0x0  }
0x16c: {  	[sflag:s2] =	ssyncadd.s32 $0xFFFFEC00  }
0x16d: {  	_ =	swait.ge [sflag:s2], $0x1400  }
0x16e: {  	[sflag:s2] =	ssyncset.done $0x0  }
0x16f: {  	[sflag:s2] =	ssyncadd.s32 $0xFFFFEC00  }
0x170: {  	_ =	swait.ge [sflag:s2], $0x1400  }
0x171: {  	[sflag:s2] =	ssyncset.done $0x0  }
0x172: {  	[sflag:s2] =	ssyncadd.s32 $0xFFFFEC00  }
0x173: {  	_ =	swait.ge [sflag:s2], $0x1400  }
0x174: {  	[sflag:s2] =	ssyncset.done $0x0  }
0x175: {  	[sflag:s2] =	ssyncadd.s32 $0xFFFFEC00  }
0x176: {  	_ =	swait.ge [sflag:s2], $0x28  }
0x177: {  	[sflag:s2] =	ssyncset.done $0x0  }
0x178: {  	s18 =	simm.s32 $0x4;
	[sflag:s2] =	ssyncadd.s32 $0xFFFFFFD8  }
0x179: {  	_ =	swait.ge [sflag:s18], $0x1400  }
0x17a: {  	[sflag:s18] =	ssyncset.done $0x0  }
0x17b: {  	[sflag:s18] =	ssyncadd.s32 $0xFFFFEC00  }
0x17c: {  	_ =	swait.ge [sflag:s18], $0x1400  }
0x17d: {  	[sflag:s18] =	ssyncset.done $0x0  }
0x17e: {  	[sflag:s18] =	ssyncadd.s32 $0xFFFFEC00  }
0x17f: {  	_ =	swait.ge [sflag:s18], $0x1400  }
0x180: {  	[sflag:s18] =	ssyncset.done $0x0  }
0x181: {  	[sflag:s18] =	ssyncadd.s32 $0xFFFFEC00  }
0x182: {  	_ =	swait.ge [sflag:s18], $0x1400  }
0x183: {  	[sflag:s18] =	ssyncset.done $0x0  }
0x184: {  	[sflag:s18] =	ssyncadd.s32 $0xFFFFEC00  }
0x185: {  	_ =	swait.ge [sflag:s18], $0x28  }
0x186: {  	s19 =	rddreg [dreg:$0x12]  }
0x187: {  	s21 =	rddreg [dreg:$0xf];
	s11 =	sadd.s32 $0x1, s19  }
0x188: {  	p0 =	sne.s32 s11, s21  }
.Ltmp1:
0x189: {  	_ = 	snop;
	(pc) =	sbr.rel @p0 .LBB2_1-.Ltmp1, $3  }
0x18a: {  	_ =	sdelay $0x1  }
0x18b: {  	[sflag:s18] =	ssyncset.done $0x0  }
0x18c: {  	[sflag:s18] =	ssyncadd.s32 $0xFFFFFFD8  }
0x18d: {  	_ =	sfence.sel $0x180000  }
0x18e: {  	[bflag:$0x0] =	sbarrier.arrive $0xFFFF  }
0x18f: {  	_ =	strace $0x9000004A  }
0x190: {  	s0 =	stileid.u32;
	[bflag:$0x2] =	sbarrier.arrive $0xFFFF  }
0x191: {  	p0 =	sne.s32 s0, $0x0;
	s0 =	rddreg [dreg:$0x3]  }
0x192: {  	s0 =	sadd.s32 @!p0 $0x100000, s0  }
0x193: {  	[sflag:s0] =	ssyncadd.tile.s32 @!p0 $0x1;
	_ =	shalt  }
.Lfunc_end2:
_tile_overlayer_lowered:
.L_overlay_start_2:
0x194: {  	(tag) =	ssettag $0x2  }
0x195: {  	s0 =	rddreg [dreg:$0x0];
	s2 =	stileid.u32  }
0x196: {  	s1 =	rddreg [dreg:$0x1];
	p0 =	sne.s32 s2, $0x0  }
0x197: {  	s3 =	rddreg [dreg:$0x2];
	[bflag:$0x3] =	sbarrier.arrive $0xFFFF;
	s2 =	simm.s32 @!p0 $0x1C05  }
0x198: {  	[timem:s3], [sflag:s2] =	dma.local @!p0 [hbm:s0], s1  }
0x199: {  	s0 =	simm.s32 @!p0 $0x5  }
0x19a: {  	_ =	swait.ge @!p0 [sflag:s0], s1  }
0x19b: {  	s1 =	ssub.s32 @!p0 $0x0, s1;
	[sflag:s0] =	ssyncset.done @!p0 $0x0  }
0x19c: {  	[sflag:s0] =	ssyncadd.s32 @!p0 s1  }
0x19d: {  	[bflag:$0x3] =	sbarrier.arrive $0xFFFF  }
0x19e: {  	_ =	shalt  }

</sc_bundles>
